<compile_context>
chip_gen: v7x
topology: tpu7x:2x2x1
jax: 0.10.2.dev20260603
libtpu: 0.0.44.dev20260713+nightly
codegen_flags: <defaults>
</compile_context>

<pallas_src>
import functools

import jax
import jax.numpy as jnp
from jax import lax
from jax.experimental import pallas as pl
from jax.experimental.pallas import tpu as pltpu
from jax.experimental.pallas import tpu_sc as plsc

N_ROWS = 320000
D = 128
N_SEG = 10000
NC = 2
NS = 16
L = 16
NW = NC * NS
ROWS_PER_TILE = N_ROWS // NW
CHUNK = 40
N_CHUNKS = ROWS_PER_TILE // CHUNK
N_SEG_PAD = 10240
SEG_PER_TILE = N_SEG_PAD // NS
ZROWS = 128
NBUF = 8

_mesh = plsc.VectorSubcoreMesh(
    core_axis_name="c", subcore_axis_name="s", num_cores=NC, num_subcores=NS
)


@functools.partial(
    pl.kernel,
    out_type=jax.ShapeDtypeStruct((NC * N_SEG_PAD, D), jnp.float32),
    mesh=_mesh,
    scratch_types=[
        pltpu.VMEM((NBUF, CHUNK, D), jnp.float32),
        pltpu.VMEM((NBUF, CHUNK), jnp.int32),
        pltpu.VMEM((CHUNK, D), jnp.float32),
        pltpu.VMEM_SHARED((N_SEG_PAD, D), jnp.float32),
        pltpu.SemaphoreType.DMA((NBUF,)),
        pltpu.SemaphoreType.DMA((NBUF,)),
    ],
)
def _sc_partial(values_hbm, labels_hbm, out_hbm, vals_v, labs_v, zbuf, acc_sh,
                sem_ld, sem_sc):
    cid = lax.axis_index("c")
    sid = lax.axis_index("s")
    wid = cid * NS + sid

    base0 = wid * ROWS_PER_TILE

    def start_load(c, b):
        base = base0 + c * CHUNK
        pltpu.async_copy(values_hbm.at[pl.ds(base, CHUNK)], vals_v.at[b], sem_ld.at[b])
        pltpu.async_copy(labels_hbm.at[pl.ds(base, CHUNK)], labs_v.at[b], sem_ld.at[b])

    def drain_load(b):
        pltpu.make_async_copy(values_hbm.at[pl.ds(0, CHUNK)], vals_v.at[b], sem_ld.at[b]).wait()
        pltpu.make_async_copy(labels_hbm.at[pl.ds(0, CHUNK)], labs_v.at[b], sem_ld.at[b]).wait()

    def start_scat(b):
        pltpu.async_copy(vals_v.at[b], acc_sh.at[labs_v.at[b]], sem_sc.at[b], add=True)

    def drain_scat(b):
        pltpu.make_async_copy(vals_v.at[b], acc_sh.at[labs_v.at[b]], sem_sc.at[b]).wait()

    for b in range(NBUF):
        start_load(b, b)

    zv = jnp.zeros((L,), jnp.float32)

    def zero_row(i, carry):
        for j in range(D // L):
            zbuf[i, pl.ds(j * L, L)] = zv
        return carry

    lax.fori_loop(0, CHUNK, zero_row, 0)
    for r in range(SEG_PER_TILE // CHUNK):
        pltpu.sync_copy(zbuf, acc_sh.at[pl.ds(sid * SEG_PER_TILE + r * CHUNK, CHUNK)])
    plsc.subcore_barrier()

    @pl.loop(0, N_CHUNKS, step=NBUF)
    def _(k):
        for b in range(NBUF):
            c = k + b

            @pl.when(c < N_CHUNKS)
            def _():
                drain_load(b)
                start_scat(b)

            sp = (b + NBUF - 1) % NBUF
            cn = c - 1 + NBUF

            @pl.when(jnp.logical_and(c >= 1, cn < N_CHUNKS))
            def _():
                drain_scat(sp)
                start_load(cn, sp)

    for b in range(NBUF):
        drain_scat(b)

    plsc.subcore_barrier()
    pltpu.sync_copy(
        acc_sh.at[pl.ds(sid * SEG_PER_TILE, SEG_PER_TILE)],
        out_hbm.at[pl.ds(cid * N_SEG_PAD + sid * SEG_PER_TILE, SEG_PER_TILE)],
    )


def _add_body(a_ref, b_ref, o_ref):
    o_ref[...] = a_ref[...] + b_ref[...]


_ADD_BLOCK = 2000


def _combine(partial):
    p3 = partial.reshape(NC, N_SEG_PAD, D)
    return pl.pallas_call(
        _add_body,
        grid=(N_SEG // _ADD_BLOCK,),
        in_specs=[
            pl.BlockSpec((None, _ADD_BLOCK, D), lambda i: (0, i, 0)),
            pl.BlockSpec((None, _ADD_BLOCK, D), lambda i: (1, i, 0)),
        ],
        out_specs=pl.BlockSpec((_ADD_BLOCK, D), lambda i: (i, 0)),
        out_shape=jax.ShapeDtypeStruct((N_SEG, D), jnp.float32),
    )(p3, p3)


def kernel(values, labels):
    labels32 = labels.astype(jnp.int32)
    partial = _sc_partial(values, labels32)
    return _combine(partial)

# --- scband reference (transcript-rebuilt; emitter-appended) ---
"""Pipeline reference for scband-stratified-sum-pooling-66314295050398 (READ-ONLY COPY).

The authoritative reference and input builder live on the scoring server;
editing this copy changes nothing except your own understanding.
"""

import jax, jax.numpy as jnp
import numpy as np

NUM_SEGMENTS = 10000


def setup_inputs(seed: int = 0) -> dict:
    key = jax.random.key(seed)
    k1, k2 = jax.random.split(key)
    values = jax.random.normal(k1, (320000, 128), dtype=jnp.float32)
    labels = jnp.sort(jax.random.randint(k2, (320000,), 0, NUM_SEGMENTS, dtype=jnp.int64))
    return {"values": values, "labels": labels}


def reference(values, labels):
    # stratified_sum_pooling: sum rows of `values` grouped by `labels`
    # (per-stratum sum pooling), equivalent to scatter-add into
    # a [num_segments, d] output.
    out = jax.ops.segment_sum(values, labels, num_segments=NUM_SEGMENTS)
    return out

if __name__ == "__main__":
    import jax
    _d = setup_inputs()
    print(jax.jit(kernel)(*tuple(_d.values())))

</pallas_src>

<mosaic_0001>
#map = affine_map<(d0, d1) -> (0, 0)>
#map1 = affine_map<(d0, d1) -> (0)>
module attributes {stable_mosaic.version = 14 : i64} {
  func.func @_sc_partial(%arg0: i32, %arg1: i32, %arg2: memref<320000x128xf32, #tpu.memory_space<hbm>>, %arg3: memref<320000xi32, #tpu.memory_space<hbm>>, %arg4: memref<20480x128xf32, #tpu.memory_space<hbm>>, %arg5: memref<8x40x128xf32, #tpu.memory_space<vmem>>, %arg6: memref<8x40xi32, #tpu.memory_space<vmem>>, %arg7: memref<40x128xf32, #tpu.memory_space<vmem>>, %arg8: memref<10240x128xf32, #tpu.memory_space<vmem_shared>>, %arg9: memref<8x!tpu.dma_semaphore, #tpu.memory_space<semaphore_mem>>, %arg10: memref<8x!tpu.dma_semaphore, #tpu.memory_space<semaphore_mem>>) attributes {dimension_semantics = [#tpu.dimension_semantics<core_parallel>, #tpu.dimension_semantics<subcore_parallel>], iteration_bounds = array<i64: 2, 16>, scalar_prefetch = 0 : i64, scratch_operands = 6 : i64, tpu.core_type = #tpu.core_type<sc_vector_subcore>, window_params = [{transform_indices = #map}, {transform_indices = #map1}, {transform_indices = #map}]} {
    %mul3A = arith.constant 16 : i32
    %mul3A_0 = arith.muli %arg0, %mul3A : i32
    %add3A = arith.addi %mul3A_0, %arg1 : i32
    %mul3A_1 = arith.constant 10000 : i32
    %mul3A_2 = arith.muli %add3A, %mul3A_1 : i32
    %add3A_3 = arith.constant 0 : i32
    %add3A_4 = arith.addi %mul3A_2, %add3A_3 : i32
    %dma_start3A = arith.constant 0 : i32
    %dma_start3A_5 = arith.constant 0 : i32
    %dma_start3A_6 = arith.constant 0 : i32
    %dma_start3A_7 = arith.constant 0 : i32
    %dma_start3A_8 = tpu.memref_slice %arg5[%dma_start3A, %dma_start3A_6, %dma_start3A_7] : memref<8x40x128xf32, #tpu.memory_space<vmem>> -> memref<1x40x128xf32, #tpu.memory_space<vmem>>
    %dma_start3A_9 = tpu.memref_squeeze %dma_start3A_8 : memref<1x40x128xf32, #tpu.memory_space<vmem>> -> memref<40x128xf32, #tpu.memory_space<vmem>>
    %dma_start3A_10 = arith.constant 0 : i32
    %dma_start3A_11 = tpu.memref_slice %arg2[%add3A_4, %dma_start3A_10] : memref<320000x128xf32, #tpu.memory_space<hbm>> -> memref<40x128xf32, #tpu.memory_space<hbm>>
    %dma_start3A_12 = tpu.memref_slice %arg9[%dma_start3A_5] : memref<8x!tpu.dma_semaphore, #tpu.memory_space<semaphore_mem>> -> memref<1x!tpu.dma_semaphore, #tpu.memory_space<semaphore_mem>>
    %dma_start3A_13 = tpu.memref_squeeze %dma_start3A_12 : memref<1x!tpu.dma_semaphore, #tpu.memory_space<semaphore_mem>> -> memref<!tpu.dma_semaphore, #tpu.memory_space<semaphore_mem>>
    %dma_start3A_14 = arith.constant 0 : i32
    %dma_start3A_15 = arith.constant 0 : i32
    %dma_start3A_16 = tpu.memref_slice %arg5[%dma_start3A, %dma_start3A_14, %dma_start3A_15] : memref<8x40x128xf32, #tpu.memory_space<vmem>> -> memref<1x40x128xf32, #tpu.memory_space<vmem>>
    %dma_start3A_17 = tpu.memref_squeeze %dma_start3A_16 : memref<1x40x128xf32, #tpu.memory_space<vmem>> -> memref<40x128xf32, #tpu.memory_space<vmem>>
    %dma_start3A_18 = arith.constant 0 : i32
    %dma_start3A_19 = tpu.memref_slice %arg2[%add3A_4, %dma_start3A_18] : memref<320000x128xf32, #tpu.memory_space<hbm>> -> memref<40x128xf32, #tpu.memory_space<hbm>>
    tpu.enqueue_dma source(%dma_start3A_19 : memref<40x128xf32, #tpu.memory_space<hbm>>) target(%dma_start3A_17 : memref<40x128xf32, #tpu.memory_space<vmem>>) target_semaphore(%dma_start3A_13 : memref<!tpu.dma_semaphore, #tpu.memory_space<semaphore_mem>>)
    %dma_start3A_20 = arith.constant 0 : i32
    %dma_start3A_21 = arith.constant 0 : i32
    %dma_start3A_22 = arith.constant 0 : i32
    %dma_start3A_23 = tpu.memref_slice %arg6[%dma_start3A_20, %dma_start3A_22] : memref<8x40xi32, #tpu.memory_space<vmem>> -> memref<1x40xi32, #tpu.memory_space<vmem>>
    %dma_start3A_24 = tpu.memref_squeeze %dma_start3A_23 : memref<1x40xi32, #tpu.memory_space<vmem>> -> memref<40xi32, #tpu.memory_space<vmem>>
    %dma_start3A_25 = tpu.memref_slice %arg3[%add3A_4] : memref<320000xi32, #tpu.memory_space<hbm>> -> memref<40xi32, #tpu.memory_space<hbm>>
    %dma_start3A_26 = tpu.memref_slice %arg9[%dma_start3A_21] : memref<8x!tpu.dma_semaphore, #tpu.memory_space<semaphore_mem>> -> memref<1x!tpu.dma_semaphore, #tpu.memory_space<semaphore_mem>>
    %dma_start3A_27 = tpu.memref_squeeze %dma_start3A_26 : memref<1x!tpu.dma_semaphore, #tpu.memory_space<semaphore_mem>> -> memref<!tpu.dma_semaphore, #tpu.memory_space<semaphore_mem>>
    %dma_start3A_28 = arith.constant 0 : i32
    %dma_start3A_29 = tpu.memref_slice %arg6[%dma_start3A_20, %dma_start3A_28] : memref<8x40xi32, #tpu.memory_space<vmem>> -> memref<1x40xi32, #tpu.memory_space<vmem>>
    %dma_start3A_30 = tpu.memref_squeeze %dma_start3A_29 : memref<1x40xi32, #tpu.memory_space<vmem>> -> memref<40xi32, #tpu.memory_space<vmem>>
    %dma_start3A_31 = tpu.memref_slice %arg3[%add3A_4] : memref<320000xi32, #tpu.memory_space<hbm>> -> memref<40xi32, #tpu.memory_space<hbm>>
    tpu.enqueue_dma source(%dma_start3A_31 : memref<40xi32, #tpu.memory_space<hbm>>) target(%dma_start3A_30 : memref<40xi32, #tpu.memory_space<vmem>>) target_semaphore(%dma_start3A_27 : memref<!tpu.dma_semaphore, #tpu.memory_space<semaphore_mem>>)
    %add3A_32 = arith.constant 40 : i32
    %add3A_33 = arith.addi %mul3A_2, %add3A_32 : i32
    %dma_start3A_34 = arith.constant 1 : i32
    %dma_start3A_35 = arith.constant 1 : i32
    %dma_start3A_36 = arith.constant 0 : i32
    %dma_start3A_37 = arith.constant 0 : i32
    %dma_start3A_38 = tpu.memref_slice %arg5[%dma_start3A_34, %dma_start3A_36, %dma_start3A_37] : memref<8x40x128xf32, #tpu.memory_space<vmem>> -> memref<1x40x128xf32, #tpu.memory_space<vmem>>
    %dma_start3A_39 = tpu.memref_squeeze %dma_start3A_38 : memref<1x40x128xf32, #tpu.memory_space<vmem>> -> memref<40x128xf32, #tpu.memory_space<vmem>>
    %dma_start3A_40 = arith.constant 0 : i32
    %dma_start3A_41 = tpu.memref_slice %arg2[%add3A_33, %dma_start3A_40] : memref<320000x128xf32, #tpu.memory_space<hbm>> -> memref<40x128xf32, #tpu.memory_space<hbm>>
    %dma_start3A_42 = tpu.memref_slice %arg9[%dma_start3A_35] : memref<8x!tpu.dma_semaphore, #tpu.memory_space<semaphore_mem>> -> memref<1x!tpu.dma_semaphore, #tpu.memory_space<semaphore_mem>>
    %dma_start3A_43 = tpu.memref_squeeze %dma_start3A_42 : memref<1x!tpu.dma_semaphore, #tpu.memory_space<semaphore_mem>> -> memref<!tpu.dma_semaphore, #tpu.memory_space<semaphore_mem>>
    %dma_start3A_44 = arith.constant 0 : i32
    %dma_start3A_45 = arith.constant 0 : i32
    %dma_start3A_46 = tpu.memref_slice %arg5[%dma_start3A_34, %dma_start3A_44, %dma_start3A_45] : memref<8x40x128xf32, #tpu.memory_space<vmem>> -> memref<1x40x128xf32, #tpu.memory_space<vmem>>
    %dma_start3A_47 = tpu.memref_squeeze %dma_start3A_46 : memref<1x40x128xf32, #tpu.memory_space<vmem>> -> memref<40x128xf32, #tpu.memory_space<vmem>>
    %dma_start3A_48 = arith.constant 0 : i32
    %dma_start3A_49 = tpu.memref_slice %arg2[%add3A_33, %dma_start3A_48] : memref<320000x128xf32, #tpu.memory_space<hbm>> -> memref<40x128xf32, #tpu.memory_space<hbm>>
    tpu.enqueue_dma source(%dma_start3A_49 : memref<40x128xf32, #tpu.memory_space<hbm>>) target(%dma_start3A_47 : memref<40x128xf32, #tpu.memory_space<vmem>>) target_semaphore(%dma_start3A_43 : memref<!tpu.dma_semaphore, #tpu.memory_space<semaphore_mem>>)
    %dma_start3A_50 = arith.constant 1 : i32
    %dma_start3A_51 = arith.constant 1 : i32
    %dma_start3A_52 = arith.constant 0 : i32
    %dma_start3A_53 = tpu.memref_slice %arg6[%dma_start3A_50, %dma_start3A_52] : memref<8x40xi32, #tpu.memory_space<vmem>> -> memref<1x40xi32, #tpu.memory_space<vmem>>
    %dma_start3A_54 = tpu.memref_squeeze %dma_start3A_53 : memref<1x40xi32, #tpu.memory_space<vmem>> -> memref<40xi32, #tpu.memory_space<vmem>>
    %dma_start3A_55 = tpu.memref_slice %arg3[%add3A_33] : memref<320000xi32, #tpu.memory_space<hbm>> -> memref<40xi32, #tpu.memory_space<hbm>>
    %dma_start3A_56 = tpu.memref_slice %arg9[%dma_start3A_51] : memref<8x!tpu.dma_semaphore, #tpu.memory_space<semaphore_mem>> -> memref<1x!tpu.dma_semaphore, #tpu.memory_space<semaphore_mem>>
    %dma_start3A_57 = tpu.memref_squeeze %dma_start3A_56 : memref<1x!tpu.dma_semaphore, #tpu.memory_space<semaphore_mem>> -> memref<!tpu.dma_semaphore, #tpu.memory_space<semaphore_mem>>
    %dma_start3A_58 = arith.constant 0 : i32
    %dma_start3A_59 = tpu.memref_slice %arg6[%dma_start3A_50, %dma_start3A_58] : memref<8x40xi32, #tpu.memory_space<vmem>> -> memref<1x40xi32, #tpu.memory_space<vmem>>
    %dma_start3A_60 = tpu.memref_squeeze %dma_start3A_59 : memref<1x40xi32, #tpu.memory_space<vmem>> -> memref<40xi32, #tpu.memory_space<vmem>>
    %dma_start3A_61 = tpu.memref_slice %arg3[%add3A_33] : memref<320000xi32, #tpu.memory_space<hbm>> -> memref<40xi32, #tpu.memory_space<hbm>>
    tpu.enqueue_dma source(%dma_start3A_61 : memref<40xi32, #tpu.memory_space<hbm>>) target(%dma_start3A_60 : memref<40xi32, #tpu.memory_space<vmem>>) target_semaphore(%dma_start3A_57 : memref<!tpu.dma_semaphore, #tpu.memory_space<semaphore_mem>>)
    %add3A_62 = arith.constant 80 : i32
    %add3A_63 = arith.addi %mul3A_2, %add3A_62 : i32
    %dma_start3A_64 = arith.constant 2 : i32
    %dma_start3A_65 = arith.constant 2 : i32
    %dma_start3A_66 = arith.constant 0 : i32
    %dma_start3A_67 = arith.constant 0 : i32
    %dma_start3A_68 = tpu.memref_slice %arg5[%dma_start3A_64, %dma_start3A_66, %dma_start3A_67] : memref<8x40x128xf32, #tpu.memory_space<vmem>> -> memref<1x40x128xf32, #tpu.memory_space<vmem>>
    %dma_start3A_69 = tpu.memref_squeeze %dma_start3A_68 : memref<1x40x128xf32, #tpu.memory_space<vmem>> -> memref<40x128xf32, #tpu.memory_space<vmem>>
    %dma_start3A_70 = arith.constant 0 : i32
    %dma_start3A_71 = tpu.memref_slice %arg2[%add3A_63, %dma_start3A_70] : memref<320000x128xf32, #tpu.memory_space<hbm>> -> memref<40x128xf32, #tpu.memory_space<hbm>>
    %dma_start3A_72 = tpu.memref_slice %arg9[%dma_start3A_65] : memref<8x!tpu.dma_semaphore, #tpu.memory_space<semaphore_mem>> -> memref<1x!tpu.dma_semaphore, #tpu.memory_space<semaphore_mem>>
    %dma_start3A_73 = tpu.memref_squeeze %dma_start3A_72 : memref<1x!tpu.dma_semaphore, #tpu.memory_space<semaphore_mem>> -> memref<!tpu.dma_semaphore, #tpu.memory_space<semaphore_mem>>
    %dma_start3A_74 = arith.constant 0 : i32
    %dma_start3A_75 = arith.constant 0 : i32
    %dma_start3A_76 = tpu.memref_slice %arg5[%dma_start3A_64, %dma_start3A_74, %dma_start3A_75] : memref<8x40x128xf32, #tpu.memory_space<vmem>> -> memref<1x40x128xf32, #tpu.memory_space<vmem>>
    %dma_start3A_77 = tpu.memref_squeeze %dma_start3A_76 : memref<1x40x128xf32, #tpu.memory_space<vmem>> -> memref<40x128xf32, #tpu.memory_space<vmem>>
    %dma_start3A_78 = arith.constant 0 : i32
    %dma_start3A_79 = tpu.memref_slice %arg2[%add3A_63, %dma_start3A_78] : memref<320000x128xf32, #tpu.memory_space<hbm>> -> memref<40x128xf32, #tpu.memory_space<hbm>>
    tpu.enqueue_dma source(%dma_start3A_79 : memref<40x128xf32, #tpu.memory_space<hbm>>) target(%dma_start3A_77 : memref<40x128xf32, #tpu.memory_space<vmem>>) target_semaphore(%dma_start3A_73 : memref<!tpu.dma_semaphore, #tpu.memory_space<semaphore_mem>>)
    %dma_start3A_80 = arith.constant 2 : i32
    %dma_start3A_81 = arith.constant 2 : i32
    %dma_start3A_82 = arith.constant 0 : i32
    %dma_start3A_83 = tpu.memref_slice %arg6[%dma_start3A_80, %dma_start3A_82] : memref<8x40xi32, #tpu.memory_space<vmem>> -> memref<1x40xi32, #tpu.memory_space<vmem>>
    %dma_start3A_84 = tpu.memref_squeeze %dma_start3A_83 : memref<1x40xi32, #tpu.memory_space<vmem>> -> memref<40xi32, #tpu.memory_space<vmem>>
    %dma_start3A_85 = tpu.memref_slice %arg3[%add3A_63] : memref<320000xi32, #tpu.memory_space<hbm>> -> memref<40xi32, #tpu.memory_space<hbm>>
    %dma_start3A_86 = tpu.memref_slice %arg9[%dma_start3A_81] : memref<8x!tpu.dma_semaphore, #tpu.memory_space<semaphore_mem>> -> memref<1x!tpu.dma_semaphore, #tpu.memory_space<semaphore_mem>>
    %dma_start3A_87 = tpu.memref_squeeze %dma_start3A_86 : memref<1x!tpu.dma_semaphore, #tpu.memory_space<semaphore_mem>> -> memref<!tpu.dma_semaphore, #tpu.memory_space<semaphore_mem>>
    %dma_start3A_88 = arith.constant 0 : i32
    %dma_start3A_89 = tpu.memref_slice %arg6[%dma_start3A_80, %dma_start3A_88] : memref<8x40xi32, #tpu.memory_space<vmem>> -> memref<1x40xi32, #tpu.memory_space<vmem>>
    %dma_start3A_90 = tpu.memref_squeeze %dma_start3A_89 : memref<1x40xi32, #tpu.memory_space<vmem>> -> memref<40xi32, #tpu.memory_space<vmem>>
    %dma_start3A_91 = tpu.memref_slice %arg3[%add3A_63] : memref<320000xi32, #tpu.memory_space<hbm>> -> memref<40xi32, #tpu.memory_space<hbm>>
    tpu.enqueue_dma source(%dma_start3A_91 : memref<40xi32, #tpu.memory_space<hbm>>) target(%dma_start3A_90 : memref<40xi32, #tpu.memory_space<vmem>>) target_semaphore(%dma_start3A_87 : memref<!tpu.dma_semaphore, #tpu.memory_space<semaphore_mem>>)
    %add3A_92 = arith.constant 120 : i32
    %add3A_93 = arith.addi %mul3A_2, %add3A_92 : i32
    %dma_start3A_94 = arith.constant 3 : i32
    %dma_start3A_95 = arith.constant 3 : i32
    %dma_start3A_96 = arith.constant 0 : i32
    %dma_start3A_97 = arith.constant 0 : i32
    %dma_start3A_98 = tpu.memref_slice %arg5[%dma_start3A_94, %dma_start3A_96, %dma_start3A_97] : memref<8x40x128xf32, #tpu.memory_space<vmem>> -> memref<1x40x128xf32, #tpu.memory_space<vmem>>
    %dma_start3A_99 = tpu.memref_squeeze %dma_start3A_98 : memref<1x40x128xf32, #tpu.memory_space<vmem>> -> memref<40x128xf32, #tpu.memory_space<vmem>>
    %dma_start3A_100 = arith.constant 0 : i32
    %dma_start3A_101 = tpu.memref_slice %arg2[%add3A_93, %dma_start3A_100] : memref<320000x128xf32, #tpu.memory_space<hbm>> -> memref<40x128xf32, #tpu.memory_space<hbm>>
    %dma_start3A_102 = tpu.memref_slice %arg9[%dma_start3A_95] : memref<8x!tpu.dma_semaphore, #tpu.memory_space<semaphore_mem>> -> memref<1x!tpu.dma_semaphore, #tpu.memory_space<semaphore_mem>>
    %dma_start3A_103 = tpu.memref_squeeze %dma_start3A_102 : memref<1x!tpu.dma_semaphore, #tpu.memory_space<semaphore_mem>> -> memref<!tpu.dma_semaphore, #tpu.memory_space<semaphore_mem>>
    %dma_start3A_104 = arith.constant 0 : i32
    %dma_start3A_105 = arith.constant 0 : i32
    %dma_start3A_106 = tpu.memref_slice %arg5[%dma_start3A_94, %dma_start3A_104, %dma_start3A_105] : memref<8x40x128xf32, #tpu.memory_space<vmem>> -> memref<1x40x128xf32, #tpu.memory_space<vmem>>
    %dma_start3A_107 = tpu.memref_squeeze %dma_start3A_106 : memref<1x40x128xf32, #tpu.memory_space<vmem>> -> memref<40x128xf32, #tpu.memory_space<vmem>>
    %dma_start3A_108 = arith.constant 0 : i32
    %dma_start3A_109 = tpu.memref_slice %arg2[%add3A_93, %dma_start3A_108] : memref<320000x128xf32, #tpu.memory_space<hbm>> -> memref<40x128xf32, #tpu.memory_space<hbm>>
    tpu.enqueue_dma source(%dma_start3A_109 : memref<40x128xf32, #tpu.memory_space<hbm>>) target(%dma_start3A_107 : memref<40x128xf32, #tpu.memory_space<vmem>>) target_semaphore(%dma_start3A_103 : memref<!tpu.dma_semaphore, #tpu.memory_space<semaphore_mem>>)
    %dma_start3A_110 = arith.constant 3 : i32
    %dma_start3A_111 = arith.constant 3 : i32
    %dma_start3A_112 = arith.constant 0 : i32
    %dma_start3A_113 = tpu.memref_slice %arg6[%dma_start3A_110, %dma_start3A_112] : memref<8x40xi32, #tpu.memory_space<vmem>> -> memref<1x40xi32, #tpu.memory_space<vmem>>
    %dma_start3A_114 = tpu.memref_squeeze %dma_start3A_113 : memref<1x40xi32, #tpu.memory_space<vmem>> -> memref<40xi32, #tpu.memory_space<vmem>>
    %dma_start3A_115 = tpu.memref_slice %arg3[%add3A_93] : memref<320000xi32, #tpu.memory_space<hbm>> -> memref<40xi32, #tpu.memory_space<hbm>>
    %dma_start3A_116 = tpu.memref_slice %arg9[%dma_start3A_111] : memref<8x!tpu.dma_semaphore, #tpu.memory_space<semaphore_mem>> -> memref<1x!tpu.dma_semaphore, #tpu.memory_space<semaphore_mem>>
    %dma_start3A_117 = tpu.memref_squeeze %dma_start3A_116 : memref<1x!tpu.dma_semaphore, #tpu.memory_space<semaphore_mem>> -> memref<!tpu.dma_semaphore, #tpu.memory_space<semaphore_mem>>
    %dma_start3A_118 = arith.constant 0 : i32
    %dma_start3A_119 = tpu.memref_slice %arg6[%dma_start3A_110, %dma_start3A_118] : memref<8x40xi32, #tpu.memory_space<vmem>> -> memref<1x40xi32, #tpu.memory_space<vmem>>
    %dma_start3A_120 = tpu.memref_squeeze %dma_start3A_119 : memref<1x40xi32, #tpu.memory_space<vmem>> -> memref<40xi32, #tpu.memory_space<vmem>>
    %dma_start3A_121 = tpu.memref_slice %arg3[%add3A_93] : memref<320000xi32, #tpu.memory_space<hbm>> -> memref<40xi32, #tpu.memory_space<hbm>>
    tpu.enqueue_dma source(%dma_start3A_121 : memref<40xi32, #tpu.memory_space<hbm>>) target(%dma_start3A_120 : memref<40xi32, #tpu.memory_space<vmem>>) target_semaphore(%dma_start3A_117 : memref<!tpu.dma_semaphore, #tpu.memory_space<semaphore_mem>>)
    %add3A_122 = arith.constant 160 : i32
    %add3A_123 = arith.addi %mul3A_2, %add3A_122 : i32
    %dma_start3A_124 = arith.constant 4 : i32
    %dma_start3A_125 = arith.constant 4 : i32
    %dma_start3A_126 = arith.constant 0 : i32
    %dma_start3A_127 = arith.constant 0 : i32
    %dma_start3A_128 = tpu.memref_slice %arg5[%dma_start3A_124, %dma_start3A_126, %dma_start3A_127] : memref<8x40x128xf32, #tpu.memory_space<vmem>> -> memref<1x40x128xf32, #tpu.memory_space<vmem>>
    %dma_start3A_129 = tpu.memref_squeeze %dma_start3A_128 : memref<1x40x128xf32, #tpu.memory_space<vmem>> -> memref<40x128xf32, #tpu.memory_space<vmem>>
    %dma_start3A_130 = arith.constant 0 : i32
    %dma_start3A_131 = tpu.memref_slice %arg2[%add3A_123, %dma_start3A_130] : memref<320000x128xf32, #tpu.memory_space<hbm>> -> memref<40x128xf32, #tpu.memory_space<hbm>>
    %dma_start3A_132 = tpu.memref_slice %arg9[%dma_start3A_125] : memref<8x!tpu.dma_semaphore, #tpu.memory_space<semaphore_mem>> -> memref<1x!tpu.dma_semaphore, #tpu.memory_space<semaphore_mem>>
    %dma_start3A_133 = tpu.memref_squeeze %dma_start3A_132 : memref<1x!tpu.dma_semaphore, #tpu.memory_space<semaphore_mem>> -> memref<!tpu.dma_semaphore, #tpu.memory_space<semaphore_mem>>
    %dma_start3A_134 = arith.constant 0 : i32
    %dma_start3A_135 = arith.constant 0 : i32
    %dma_start3A_136 = tpu.memref_slice %arg5[%dma_start3A_124, %dma_start3A_134, %dma_start3A_135] : memref<8x40x128xf32, #tpu.memory_space<vmem>> -> memref<1x40x128xf32, #tpu.memory_space<vmem>>
    %dma_start3A_137 = tpu.memref_squeeze %dma_start3A_136 : memref<1x40x128xf32, #tpu.memory_space<vmem>> -> memref<40x128xf32, #tpu.memory_space<vmem>>
    %dma_start3A_138 = arith.constant 0 : i32
    %dma_start3A_139 = tpu.memref_slice %arg2[%add3A_123, %dma_start3A_138] : memref<320000x128xf32, #tpu.memory_space<hbm>> -> memref<40x128xf32, #tpu.memory_space<hbm>>
    tpu.enqueue_dma source(%dma_start3A_139 : memref<40x128xf32, #tpu.memory_space<hbm>>) target(%dma_start3A_137 : memref<40x128xf32, #tpu.memory_space<vmem>>) target_semaphore(%dma_start3A_133 : memref<!tpu.dma_semaphore, #tpu.memory_space<semaphore_mem>>)
    %dma_start3A_140 = arith.constant 4 : i32
    %dma_start3A_141 = arith.constant 4 : i32
    %dma_start3A_142 = arith.constant 0 : i32
    %dma_start3A_143 = tpu.memref_slice %arg6[%dma_start3A_140, %dma_start3A_142] : memref<8x40xi32, #tpu.memory_space<vmem>> -> memref<1x40xi32, #tpu.memory_space<vmem>>
    %dma_start3A_144 = tpu.memref_squeeze %dma_start3A_143 : memref<1x40xi32, #tpu.memory_space<vmem>> -> memref<40xi32, #tpu.memory_space<vmem>>
    %dma_start3A_145 = tpu.memref_slice %arg3[%add3A_123] : memref<320000xi32, #tpu.memory_space<hbm>> -> memref<40xi32, #tpu.memory_space<hbm>>
    %dma_start3A_146 = tpu.memref_slice %arg9[%dma_start3A_141] : memref<8x!tpu.dma_semaphore, #tpu.memory_space<semaphore_mem>> -> memref<1x!tpu.dma_semaphore, #tpu.memory_space<semaphore_mem>>
    %dma_start3A_147 = tpu.memref_squeeze %dma_start3A_146 : memref<1x!tpu.dma_semaphore, #tpu.memory_space<semaphore_mem>> -> memref<!tpu.dma_semaphore, #tpu.memory_space<semaphore_mem>>
    %dma_start3A_148 = arith.constant 0 : i32
    %dma_start3A_149 = tpu.memref_slice %arg6[%dma_start3A_140, %dma_start3A_148] : memref<8x40xi32, #tpu.memory_space<vmem>> -> memref<1x40xi32, #tpu.memory_space<vmem>>
    %dma_start3A_150 = tpu.memref_squeeze %dma_start3A_149 : memref<1x40xi32, #tpu.memory_space<vmem>> -> memref<40xi32, #tpu.memory_space<vmem>>
    %dma_start3A_151 = tpu.memref_slice %arg3[%add3A_123] : memref<320000xi32, #tpu.memory_space<hbm>> -> memref<40xi32, #tpu.memory_space<hbm>>
    tpu.enqueue_dma source(%dma_start3A_151 : memref<40xi32, #tpu.memory_space<hbm>>) target(%dma_start3A_150 : memref<40xi32, #tpu.memory_space<vmem>>) target_semaphore(%dma_start3A_147 : memref<!tpu.dma_semaphore, #tpu.memory_space<semaphore_mem>>)
    %add3A_152 = arith.constant 200 : i32
    %add3A_153 = arith.addi %mul3A_2, %add3A_152 : i32
    %dma_start3A_154 = arith.constant 5 : i32
    %dma_start3A_155 = arith.constant 5 : i32
    %dma_start3A_156 = arith.constant 0 : i32
    %dma_start3A_157 = arith.constant 0 : i32
    %dma_start3A_158 = tpu.memref_slice %arg5[%dma_start3A_154, %dma_start3A_156, %dma_start3A_157] : memref<8x40x128xf32, #tpu.memory_space<vmem>> -> memref<1x40x128xf32, #tpu.memory_space<vmem>>
    %dma_start3A_159 = tpu.memref_squeeze %dma_start3A_158 : memref<1x40x128xf32, #tpu.memory_space<vmem>> -> memref<40x128xf32, #tpu.memory_space<vmem>>
    %dma_start3A_160 = arith.constant 0 : i32
    %dma_start3A_161 = tpu.memref_slice %arg2[%add3A_153, %dma_start3A_160] : memref<320000x128xf32, #tpu.memory_space<hbm>> -> memref<40x128xf32, #tpu.memory_space<hbm>>
    %dma_start3A_162 = tpu.memref_slice %arg9[%dma_start3A_155] : memref<8x!tpu.dma_semaphore, #tpu.memory_space<semaphore_mem>> -> memref<1x!tpu.dma_semaphore, #tpu.memory_space<semaphore_mem>>
    %dma_start3A_163 = tpu.memref_squeeze %dma_start3A_162 : memref<1x!tpu.dma_semaphore, #tpu.memory_space<semaphore_mem>> -> memref<!tpu.dma_semaphore, #tpu.memory_space<semaphore_mem>>
    %dma_start3A_164 = arith.constant 0 : i32
    %dma_start3A_165 = arith.constant 0 : i32
    %dma_start3A_166 = tpu.memref_slice %arg5[%dma_start3A_154, %dma_start3A_164, %dma_start3A_165] : memref<8x40x128xf32, #tpu.memory_space<vmem>> -> memref<1x40x128xf32, #tpu.memory_space<vmem>>
    %dma_start3A_167 = tpu.memref_squeeze %dma_start3A_166 : memref<1x40x128xf32, #tpu.memory_space<vmem>> -> memref<40x128xf32, #tpu.memory_space<vmem>>
    %dma_start3A_168 = arith.constant 0 : i32
    %dma_start3A_169 = tpu.memref_slice %arg2[%add3A_153, %dma_start3A_168] : memref<320000x128xf32, #tpu.memory_space<hbm>> -> memref<40x128xf32, #tpu.memory_space<hbm>>
    tpu.enqueue_dma source(%dma_start3A_169 : memref<40x128xf32, #tpu.memory_space<hbm>>) target(%dma_start3A_167 : memref<40x128xf32, #tpu.memory_space<vmem>>) target_semaphore(%dma_start3A_163 : memref<!tpu.dma_semaphore, #tpu.memory_space<semaphore_mem>>)
    %dma_start3A_170 = arith.constant 5 : i32
    %dma_start3A_171 = arith.constant 5 : i32
    %dma_start3A_172 = arith.constant 0 : i32
    %dma_start3A_173 = tpu.memref_slice %arg6[%dma_start3A_170, %dma_start3A_172] : memref<8x40xi32, #tpu.memory_space<vmem>> -> memref<1x40xi32, #tpu.memory_space<vmem>>
    %dma_start3A_174 = tpu.memref_squeeze %dma_start3A_173 : memref<1x40xi32, #tpu.memory_space<vmem>> -> memref<40xi32, #tpu.memory_space<vmem>>
    %dma_start3A_175 = tpu.memref_slice %arg3[%add3A_153] : memref<320000xi32, #tpu.memory_space<hbm>> -> memref<40xi32, #tpu.memory_space<hbm>>
    %dma_start3A_176 = tpu.memref_slice %arg9[%dma_start3A_171] : memref<8x!tpu.dma_semaphore, #tpu.memory_space<semaphore_mem>> -> memref<1x!tpu.dma_semaphore, #tpu.memory_space<semaphore_mem>>
    %dma_start3A_177 = tpu.memref_squeeze %dma_start3A_176 : memref<1x!tpu.dma_semaphore, #tpu.memory_space<semaphore_mem>> -> memref<!tpu.dma_semaphore, #tpu.memory_space<semaphore_mem>>
    %dma_start3A_178 = arith.constant 0 : i32
    %dma_start3A_179 = tpu.memref_slice %arg6[%dma_start3A_170, %dma_start3A_178] : memref<8x40xi32, #tpu.memory_space<vmem>> -> memref<1x40xi32, #tpu.memory_space<vmem>>
    %dma_start3A_180 = tpu.memref_squeeze %dma_start3A_179 : memref<1x40xi32, #tpu.memory_space<vmem>> -> memref<40xi32, #tpu.memory_space<vmem>>
    %dma_start3A_181 = tpu.memref_slice %arg3[%add3A_153] : memref<320000xi32, #tpu.memory_space<hbm>> -> memref<40xi32, #tpu.memory_space<hbm>>
    tpu.enqueue_dma source(%dma_start3A_181 : memref<40xi32, #tpu.memory_space<hbm>>) target(%dma_start3A_180 : memref<40xi32, #tpu.memory_space<vmem>>) target_semaphore(%dma_start3A_177 : memref<!tpu.dma_semaphore, #tpu.memory_space<semaphore_mem>>)
    %add3A_182 = arith.constant 240 : i32
    %add3A_183 = arith.addi %mul3A_2, %add3A_182 : i32
    %dma_start3A_184 = arith.constant 6 : i32
    %dma_start3A_185 = arith.constant 6 : i32
    %dma_start3A_186 = arith.constant 0 : i32
    %dma_start3A_187 = arith.constant 0 : i32
    %dma_start3A_188 = tpu.memref_slice %arg5[%dma_start3A_184, %dma_start3A_186, %dma_start3A_187] : memref<8x40x128xf32, #tpu.memory_space<vmem>> -> memref<1x40x128xf32, #tpu.memory_space<vmem>>
    %dma_start3A_189 = tpu.memref_squeeze %dma_start3A_188 : memref<1x40x128xf32, #tpu.memory_space<vmem>> -> memref<40x128xf32, #tpu.memory_space<vmem>>
    %dma_start3A_190 = arith.constant 0 : i32
    %dma_start3A_191 = tpu.memref_slice %arg2[%add3A_183, %dma_start3A_190] : memref<320000x128xf32, #tpu.memory_space<hbm>> -> memref<40x128xf32, #tpu.memory_space<hbm>>
    %dma_start3A_192 = tpu.memref_slice %arg9[%dma_start3A_185] : memref<8x!tpu.dma_semaphore, #tpu.memory_space<semaphore_mem>> -> memref<1x!tpu.dma_semaphore, #tpu.memory_space<semaphore_mem>>
    %dma_start3A_193 = tpu.memref_squeeze %dma_start3A_192 : memref<1x!tpu.dma_semaphore, #tpu.memory_space<semaphore_mem>> -> memref<!tpu.dma_semaphore, #tpu.memory_space<semaphore_mem>>
    %dma_start3A_194 = arith.constant 0 : i32
    %dma_start3A_195 = arith.constant 0 : i32
    %dma_start3A_196 = tpu.memref_slice %arg5[%dma_start3A_184, %dma_start3A_194, %dma_start3A_195] : memref<8x40x128xf32, #tpu.memory_space<vmem>> -> memref<1x40x128xf32, #tpu.memory_space<vmem>>
    %dma_start3A_197 = tpu.memref_squeeze %dma_start3A_196 : memref<1x40x128xf32, #tpu.memory_space<vmem>> -> memref<40x128xf32, #tpu.memory_space<vmem>>
    %dma_start3A_198 = arith.constant 0 : i32
    %dma_start3A_199 = tpu.memref_slice %arg2[%add3A_183, %dma_start3A_198] : memref<320000x128xf32, #tpu.memory_space<hbm>> -> memref<40x128xf32, #tpu.memory_space<hbm>>
    tpu.enqueue_dma source(%dma_start3A_199 : memref<40x128xf32, #tpu.memory_space<hbm>>) target(%dma_start3A_197 : memref<40x128xf32, #tpu.memory_space<vmem>>) target_semaphore(%dma_start3A_193 : memref<!tpu.dma_semaphore, #tpu.memory_space<semaphore_mem>>)
    %dma_start3A_200 = arith.constant 6 : i32
    %dma_start3A_201 = arith.constant 6 : i32
    %dma_start3A_202 = arith.constant 0 : i32
    %dma_start3A_203 = tpu.memref_slice %arg6[%dma_start3A_200, %dma_start3A_202] : memref<8x40xi32, #tpu.memory_space<vmem>> -> memref<1x40xi32, #tpu.memory_space<vmem>>
    %dma_start3A_204 = tpu.memref_squeeze %dma_start3A_203 : memref<1x40xi32, #tpu.memory_space<vmem>> -> memref<40xi32, #tpu.memory_space<vmem>>
    %dma_start3A_205 = tpu.memref_slice %arg3[%add3A_183] : memref<320000xi32, #tpu.memory_space<hbm>> -> memref<40xi32, #tpu.memory_space<hbm>>
    %dma_start3A_206 = tpu.memref_slice %arg9[%dma_start3A_201] : memref<8x!tpu.dma_semaphore, #tpu.memory_space<semaphore_mem>> -> memref<1x!tpu.dma_semaphore, #tpu.memory_space<semaphore_mem>>
    %dma_start3A_207 = tpu.memref_squeeze %dma_start3A_206 : memref<1x!tpu.dma_semaphore, #tpu.memory_space<semaphore_mem>> -> memref<!tpu.dma_semaphore, #tpu.memory_space<semaphore_mem>>
    %dma_start3A_208 = arith.constant 0 : i32
    %dma_start3A_209 = tpu.memref_slice %arg6[%dma_start3A_200, %dma_start3A_208] : memref<8x40xi32, #tpu.memory_space<vmem>> -> memref<1x40xi32, #tpu.memory_space<vmem>>
    %dma_start3A_210 = tpu.memref_squeeze %dma_start3A_209 : memref<1x40xi32, #tpu.memory_space<vmem>> -> memref<40xi32, #tpu.memory_space<vmem>>
    %dma_start3A_211 = tpu.memref_slice %arg3[%add3A_183] : memref<320000xi32, #tpu.memory_space<hbm>> -> memref<40xi32, #tpu.memory_space<hbm>>
    tpu.enqueue_dma source(%dma_start3A_211 : memref<40xi32, #tpu.memory_space<hbm>>) target(%dma_start3A_210 : memref<40xi32, #tpu.memory_space<vmem>>) target_semaphore(%dma_start3A_207 : memref<!tpu.dma_semaphore, #tpu.memory_space<semaphore_mem>>)
    %add3A_212 = arith.constant 280 : i32
    %add3A_213 = arith.addi %mul3A_2, %add3A_212 : i32
    %dma_start3A_214 = arith.constant 7 : i32
    %dma_start3A_215 = arith.constant 7 : i32
    %dma_start3A_216 = arith.constant 0 : i32
    %dma_start3A_217 = arith.constant 0 : i32
    %dma_start3A_218 = tpu.memref_slice %arg5[%dma_start3A_214, %dma_start3A_216, %dma_start3A_217] : memref<8x40x128xf32, #tpu.memory_space<vmem>> -> memref<1x40x128xf32, #tpu.memory_space<vmem>>
    %dma_start3A_219 = tpu.memref_squeeze %dma_start3A_218 : memref<1x40x128xf32, #tpu.memory_space<vmem>> -> memref<40x128xf32, #tpu.memory_space<vmem>>
    %dma_start3A_220 = arith.constant 0 : i32
    %dma_start3A_221 = tpu.memref_slice %arg2[%add3A_213, %dma_start3A_220] : memref<320000x128xf32, #tpu.memory_space<hbm>> -> memref<40x128xf32, #tpu.memory_space<hbm>>
    %dma_start3A_222 = tpu.memref_slice %arg9[%dma_start3A_215] : memref<8x!tpu.dma_semaphore, #tpu.memory_space<semaphore_mem>> -> memref<1x!tpu.dma_semaphore, #tpu.memory_space<semaphore_mem>>
    %dma_start3A_223 = tpu.memref_squeeze %dma_start3A_222 : memref<1x!tpu.dma_semaphore, #tpu.memory_space<semaphore_mem>> -> memref<!tpu.dma_semaphore, #tpu.memory_space<semaphore_mem>>
    %dma_start3A_224 = arith.constant 0 : i32
    %dma_start3A_225 = arith.constant 0 : i32
    %dma_start3A_226 = tpu.memref_slice %arg5[%dma_start3A_214, %dma_start3A_224, %dma_start3A_225] : memref<8x40x128xf32, #tpu.memory_space<vmem>> -> memref<1x40x128xf32, #tpu.memory_space<vmem>>
    %dma_start3A_227 = tpu.memref_squeeze %dma_start3A_226 : memref<1x40x128xf32, #tpu.memory_space<vmem>> -> memref<40x128xf32, #tpu.memory_space<vmem>>
    %dma_start3A_228 = arith.constant 0 : i32
    %dma_start3A_229 = tpu.memref_slice %arg2[%add3A_213, %dma_start3A_228] : memref<320000x128xf32, #tpu.memory_space<hbm>> -> memref<40x128xf32, #tpu.memory_space<hbm>>
    tpu.enqueue_dma source(%dma_start3A_229 : memref<40x128xf32, #tpu.memory_space<hbm>>) target(%dma_start3A_227 : memref<40x128xf32, #tpu.memory_space<vmem>>) target_semaphore(%dma_start3A_223 : memref<!tpu.dma_semaphore, #tpu.memory_space<semaphore_mem>>)
    %dma_start3A_230 = arith.constant 7 : i32
    %dma_start3A_231 = arith.constant 7 : i32
    %dma_start3A_232 = arith.constant 0 : i32
    %dma_start3A_233 = tpu.memref_slice %arg6[%dma_start3A_230, %dma_start3A_232] : memref<8x40xi32, #tpu.memory_space<vmem>> -> memref<1x40xi32, #tpu.memory_space<vmem>>
    %dma_start3A_234 = tpu.memref_squeeze %dma_start3A_233 : memref<1x40xi32, #tpu.memory_space<vmem>> -> memref<40xi32, #tpu.memory_space<vmem>>
    %dma_start3A_235 = tpu.memref_slice %arg3[%add3A_213] : memref<320000xi32, #tpu.memory_space<hbm>> -> memref<40xi32, #tpu.memory_space<hbm>>
    %dma_start3A_236 = tpu.memref_slice %arg9[%dma_start3A_231] : memref<8x!tpu.dma_semaphore, #tpu.memory_space<semaphore_mem>> -> memref<1x!tpu.dma_semaphore, #tpu.memory_space<semaphore_mem>>
    %dma_start3A_237 = tpu.memref_squeeze %dma_start3A_236 : memref<1x!tpu.dma_semaphore, #tpu.memory_space<semaphore_mem>> -> memref<!tpu.dma_semaphore, #tpu.memory_space<semaphore_mem>>
    %dma_start3A_238 = arith.constant 0 : i32
    %dma_start3A_239 = tpu.memref_slice %arg6[%dma_start3A_230, %dma_start3A_238] : memref<8x40xi32, #tpu.memory_space<vmem>> -> memref<1x40xi32, #tpu.memory_space<vmem>>
    %dma_start3A_240 = tpu.memref_squeeze %dma_start3A_239 : memref<1x40xi32, #tpu.memory_space<vmem>> -> memref<40xi32, #tpu.memory_space<vmem>>
    %dma_start3A_241 = tpu.memref_slice %arg3[%add3A_213] : memref<320000xi32, #tpu.memory_space<hbm>> -> memref<40xi32, #tpu.memory_space<hbm>>
    tpu.enqueue_dma source(%dma_start3A_241 : memref<40xi32, #tpu.memory_space<hbm>>) target(%dma_start3A_240 : memref<40xi32, #tpu.memory_space<vmem>>) target_semaphore(%dma_start3A_237 : memref<!tpu.dma_semaphore, #tpu.memory_space<semaphore_mem>>)
    %broadcast_in_dim3A = arith.constant 0.000000e+00 : f32
    %broadcast_in_dim3A_242 = vector.broadcast %broadcast_in_dim3A : f32 to vector<16xf32>
    %scan3A = arith.constant 0 : i32
    %scan3A_243 = arith.constant 0 : i32
    %scan3A_244 = arith.constant 40 : i32
    %scan3A_245 = arith.addi %scan3A_243, %scan3A_244 : i32
    %scan3A_246 = arith.constant 1 : i32
    scf.for %scan3A_444 = %scan3A_243 to %scan3A_245 step %scan3A_246  : i32 {
      %swap3A = arith.index_cast %scan3A_444 : i32 to index
      %swap3A_445 = arith.constant 0 : index
      %swap3A_446 = tpu.vector_load %arg7[%swap3A, %swap3A_445] {strides = array<i32>} : memref<40x128xf32, #tpu.memory_space<vmem>>, vector<1x16xf32>,
      %swap3A_447 = vector.shape_cast %swap3A_446 : vector<1x16xf32> to vector<16xf32>
      %swap3A_448 = vector.shape_cast %broadcast_in_dim3A_242 : vector<16xf32> to vector<1x16xf32>
      tpu.vector_store %arg7[%swap3A, %swap3A_445], %swap3A_448 {strides = array<i32>} : memref<40x128xf32, #tpu.memory_space<vmem>>, vector<1x16xf32>,
      %swap3A_449 = arith.index_cast %scan3A_444 : i32 to index
      %swap3A_450 = arith.constant 16 : index
      %swap3A_451 = tpu.vector_load %arg7[%swap3A_449, %swap3A_450] {strides = array<i32>} : memref<40x128xf32, #tpu.memory_space<vmem>>, vector<1x16xf32>,
      %swap3A_452 = vector.shape_cast %swap3A_451 : vector<1x16xf32> to vector<16xf32>
      %swap3A_453 = vector.shape_cast %broadcast_in_dim3A_242 : vector<16xf32> to vector<1x16xf32>
      tpu.vector_store %arg7[%swap3A_449, %swap3A_450], %swap3A_453 {strides = array<i32>} : memref<40x128xf32, #tpu.memory_space<vmem>>, vector<1x16xf32>,
      %swap3A_454 = arith.index_cast %scan3A_444 : i32 to index
      %swap3A_455 = arith.constant 32 : index
      %swap3A_456 = tpu.vector_load %arg7[%swap3A_454, %swap3A_455] {strides = array<i32>} : memref<40x128xf32, #tpu.memory_space<vmem>>, vector<1x16xf32>,
      %swap3A_457 = vector.shape_cast %swap3A_456 : vector<1x16xf32> to vector<16xf32>
      %swap3A_458 = vector.shape_cast %broadcast_in_dim3A_242 : vector<16xf32> to vector<1x16xf32>
      tpu.vector_store %arg7[%swap3A_454, %swap3A_455], %swap3A_458 {strides = array<i32>} : memref<40x128xf32, #tpu.memory_space<vmem>>, vector<1x16xf32>,
      %swap3A_459 = arith.index_cast %scan3A_444 : i32 to index
      %swap3A_460 = arith.constant 48 : index
      %swap3A_461 = tpu.vector_load %arg7[%swap3A_459, %swap3A_460] {strides = array<i32>} : memref<40x128xf32, #tpu.memory_space<vmem>>, vector<1x16xf32>,
      %swap3A_462 = vector.shape_cast %swap3A_461 : vector<1x16xf32> to vector<16xf32>
      %swap3A_463 = vector.shape_cast %broadcast_in_dim3A_242 : vector<16xf32> to vector<1x16xf32>
      tpu.vector_store %arg7[%swap3A_459, %swap3A_460], %swap3A_463 {strides = array<i32>} : memref<40x128xf32, #tpu.memory_space<vmem>>, vector<1x16xf32>,
      %swap3A_464 = arith.index_cast %scan3A_444 : i32 to index
      %swap3A_465 = arith.constant 64 : index
      %swap3A_466 = tpu.vector_load %arg7[%swap3A_464, %swap3A_465] {strides = array<i32>} : memref<40x128xf32, #tpu.memory_space<vmem>>, vector<1x16xf32>,
      %swap3A_467 = vector.shape_cast %swap3A_466 : vector<1x16xf32> to vector<16xf32>
      %swap3A_468 = vector.shape_cast %broadcast_in_dim3A_242 : vector<16xf32> to vector<1x16xf32>
      tpu.vector_store %arg7[%swap3A_464, %swap3A_465], %swap3A_468 {strides = array<i32>} : memref<40x128xf32, #tpu.memory_space<vmem>>, vector<1x16xf32>,
      %swap3A_469 = arith.index_cast %scan3A_444 : i32 to index
      %swap3A_470 = arith.constant 80 : index
      %swap3A_471 = tpu.vector_load %arg7[%swap3A_469, %swap3A_470] {strides = array<i32>} : memref<40x128xf32, #tpu.memory_space<vmem>>, vector<1x16xf32>,
      %swap3A_472 = vector.shape_cast %swap3A_471 : vector<1x16xf32> to vector<16xf32>
      %swap3A_473 = vector.shape_cast %broadcast_in_dim3A_242 : vector<16xf32> to vector<1x16xf32>
      tpu.vector_store %arg7[%swap3A_469, %swap3A_470], %swap3A_473 {strides = array<i32>} : memref<40x128xf32, #tpu.memory_space<vmem>>, vector<1x16xf32>,
      %swap3A_474 = arith.index_cast %scan3A_444 : i32 to index
      %swap3A_475 = arith.constant 96 : index
      %swap3A_476 = tpu.vector_load %arg7[%swap3A_474, %swap3A_475] {strides = array<i32>} : memref<40x128xf32, #tpu.memory_space<vmem>>, vector<1x16xf32>,
      %swap3A_477 = vector.shape_cast %swap3A_476 : vector<1x16xf32> to vector<16xf32>
      %swap3A_478 = vector.shape_cast %broadcast_in_dim3A_242 : vector<16xf32> to vector<1x16xf32>
      tpu.vector_store %arg7[%swap3A_474, %swap3A_475], %swap3A_478 {strides = array<i32>} : memref<40x128xf32, #tpu.memory_space<vmem>>, vector<1x16xf32>,
      %swap3A_479 = arith.index_cast %scan3A_444 : i32 to index
      %swap3A_480 = arith.constant 112 : index
      %swap3A_481 = tpu.vector_load %arg7[%swap3A_479, %swap3A_480] {strides = array<i32>} : memref<40x128xf32, #tpu.memory_space<vmem>>, vector<1x16xf32>,
      %swap3A_482 = vector.shape_cast %swap3A_481 : vector<1x16xf32> to vector<16xf32>
      %swap3A_483 = vector.shape_cast %broadcast_in_dim3A_242 : vector<16xf32> to vector<1x16xf32>
      tpu.vector_store %arg7[%swap3A_479, %swap3A_480], %swap3A_483 {strides = array<i32>} : memref<40x128xf32, #tpu.memory_space<vmem>>, vector<1x16xf32>,
    }
    %scan3A_247 = arith.constant 40 : i32
    %mul3A_248 = arith.constant 640 : i32
    %mul3A_249 = arith.muli %arg1, %mul3A_248 : i32
    %add3A_250 = arith.constant 0 : i32
    %add3A_251 = arith.addi %mul3A_249, %add3A_250 : i32
    "tpu.region"() ({
      %run_scoped3A = tpu.sem_alloc : memref<!tpu.dma_semaphore, #tpu.memory_space<semaphore_mem>>
      %dma_start3A_444 = arith.constant 0 : i32
      %dma_start3A_445 = tpu.memref_slice %arg8[%add3A_251, %dma_start3A_444] : memref<10240x128xf32, #tpu.memory_space<vmem_shared>> -> memref<40x128xf32, #tpu.memory_space<vmem_shared>>
      %dma_start3A_446 = arith.constant 0 : i32
      %dma_start3A_447 = tpu.memref_slice %arg8[%add3A_251, %dma_start3A_446] : memref<10240x128xf32, #tpu.memory_space<vmem_shared>> -> memref<40x128xf32, #tpu.memory_space<vmem_shared>>
      tpu.enqueue_dma source(%arg7 : memref<40x128xf32, #tpu.memory_space<vmem>>) target(%dma_start3A_447 : memref<40x128xf32, #tpu.memory_space<vmem_shared>>) target_semaphore(%run_scoped3A : memref<!tpu.dma_semaphore, #tpu.memory_space<semaphore_mem>>)
      %dma_wait3A_448 = arith.constant 0 : i32
      %dma_wait3A_449 = tpu.memref_slice %arg8[%add3A_251, %dma_wait3A_448] : memref<10240x128xf32, #tpu.memory_space<vmem_shared>> -> memref<40x128xf32, #tpu.memory_space<vmem_shared>>
      %dma_wait3A_450 = arith.constant 0 : i32
      %dma_wait3A_451 = tpu.memref_slice %arg8[%add3A_251, %dma_wait3A_450] : memref<10240x128xf32, #tpu.memory_space<vmem_shared>> -> memref<40x128xf32, #tpu.memory_space<vmem_shared>>
      tpu.wait_dma2 semaphore(%run_scoped3A : memref<!tpu.dma_semaphore, #tpu.memory_space<semaphore_mem>>) src(%arg7 : memref<40x128xf32, #tpu.memory_space<vmem>>) dst(%dma_wait3A_451 : memref<40x128xf32, #tpu.memory_space<vmem_shared>>)
      tpu.yield
    }) : () -> ()
    %mul3A_252 = arith.constant 640 : i32
    %mul3A_253 = arith.muli %arg1, %mul3A_252 : i32
    %add3A_254 = arith.constant 40 : i32
    %add3A_255 = arith.addi %mul3A_253, %add3A_254 : i32
    "tpu.region"() ({
      %run_scoped3A = tpu.sem_alloc : memref<!tpu.dma_semaphore, #tpu.memory_space<semaphore_mem>>
      %dma_start3A_444 = arith.constant 0 : i32
      %dma_start3A_445 = tpu.memref_slice %arg8[%add3A_255, %dma_start3A_444] : memref<10240x128xf32, #tpu.memory_space<vmem_shared>> -> memref<40x128xf32, #tpu.memory_space<vmem_shared>>
      %dma_start3A_446 = arith.constant 0 : i32
      %dma_start3A_447 = tpu.memref_slice %arg8[%add3A_255, %dma_start3A_446] : memref<10240x128xf32, #tpu.memory_space<vmem_shared>> -> memref<40x128xf32, #tpu.memory_space<vmem_shared>>
      tpu.enqueue_dma source(%arg7 : memref<40x128xf32, #tpu.memory_space<vmem>>) target(%dma_start3A_447 : memref<40x128xf32, #tpu.memory_space<vmem_shared>>) target_semaphore(%run_scoped3A : memref<!tpu.dma_semaphore, #tpu.memory_space<semaphore_mem>>)
      %dma_wait3A_448 = arith.constant 0 : i32
      %dma_wait3A_449 = tpu.memref_slice %arg8[%add3A_255, %dma_wait3A_448] : memref<10240x128xf32, #tpu.memory_space<vmem_shared>> -> memref<40x128xf32, #tpu.memory_space<vmem_shared>>
      %dma_wait3A_450 = arith.constant 0 : i32
      %dma_wait3A_451 = tpu.memref_slice %arg8[%add3A_255, %dma_wait3A_450] : memref<10240x128xf32, #tpu.memory_space<vmem_shared>> -> memref<40x128xf32, #tpu.memory_space<vmem_shared>>
      tpu.wait_dma2 semaphore(%run_scoped3A : memref<!tpu.dma_semaphore, #tpu.memory_space<semaphore_mem>>) src(%arg7 : memref<40x128xf32, #tpu.memory_space<vmem>>) dst(%dma_wait3A_451 : memref<40x128xf32, #tpu.memory_space<vmem_shared>>)
      tpu.yield
    }) : () -> ()
    %mul3A_256 = arith.constant 640 : i32
    %mul3A_257 = arith.muli %arg1, %mul3A_256 : i32
    %add3A_258 = arith.constant 80 : i32
    %add3A_259 = arith.addi %mul3A_257, %add3A_258 : i32
    "tpu.region"() ({
      %run_scoped3A = tpu.sem_alloc : memref<!tpu.dma_semaphore, #tpu.memory_space<semaphore_mem>>
      %dma_start3A_444 = arith.constant 0 : i32
      %dma_start3A_445 = tpu.memref_slice %arg8[%add3A_259, %dma_start3A_444] : memref<10240x128xf32, #tpu.memory_space<vmem_shared>> -> memref<40x128xf32, #tpu.memory_space<vmem_shared>>
      %dma_start3A_446 = arith.constant 0 : i32
      %dma_start3A_447 = tpu.memref_slice %arg8[%add3A_259, %dma_start3A_446] : memref<10240x128xf32, #tpu.memory_space<vmem_shared>> -> memref<40x128xf32, #tpu.memory_space<vmem_shared>>
      tpu.enqueue_dma source(%arg7 : memref<40x128xf32, #tpu.memory_space<vmem>>) target(%dma_start3A_447 : memref<40x128xf32, #tpu.memory_space<vmem_shared>>) target_semaphore(%run_scoped3A : memref<!tpu.dma_semaphore, #tpu.memory_space<semaphore_mem>>)
      %dma_wait3A_448 = arith.constant 0 : i32
      %dma_wait3A_449 = tpu.memref_slice %arg8[%add3A_259, %dma_wait3A_448] : memref<10240x128xf32, #tpu.memory_space<vmem_shared>> -> memref<40x128xf32, #tpu.memory_space<vmem_shared>>
      %dma_wait3A_450 = arith.constant 0 : i32
      %dma_wait3A_451 = tpu.memref_slice %arg8[%add3A_259, %dma_wait3A_450] : memref<10240x128xf32, #tpu.memory_space<vmem_shared>> -> memref<40x128xf32, #tpu.memory_space<vmem_shared>>
      tpu.wait_dma2 semaphore(%run_scoped3A : memref<!tpu.dma_semaphore, #tpu.memory_space<semaphore_mem>>) src(%arg7 : memref<40x128xf32, #tpu.memory_space<vmem>>) dst(%dma_wait3A_451 : memref<40x128xf32, #tpu.memory_space<vmem_shared>>)
      tpu.yield
    }) : () -> ()
    %mul3A_260 = arith.constant 640 : i32
    %mul3A_261 = arith.muli %arg1, %mul3A_260 : i32
    %add3A_262 = arith.constant 120 : i32
    %add3A_263 = arith.addi %mul3A_261, %add3A_262 : i32
    "tpu.region"() ({
      %run_scoped3A = tpu.sem_alloc : memref<!tpu.dma_semaphore, #tpu.memory_space<semaphore_mem>>
      %dma_start3A_444 = arith.constant 0 : i32
      %dma_start3A_445 = tpu.memref_slice %arg8[%add3A_263, %dma_start3A_444] : memref<10240x128xf32, #tpu.memory_space<vmem_shared>> -> memref<40x128xf32, #tpu.memory_space<vmem_shared>>
      %dma_start3A_446 = arith.constant 0 : i32
      %dma_start3A_447 = tpu.memref_slice %arg8[%add3A_263, %dma_start3A_446] : memref<10240x128xf32, #tpu.memory_space<vmem_shared>> -> memref<40x128xf32, #tpu.memory_space<vmem_shared>>
      tpu.enqueue_dma source(%arg7 : memref<40x128xf32, #tpu.memory_space<vmem>>) target(%dma_start3A_447 : memref<40x128xf32, #tpu.memory_space<vmem_shared>>) target_semaphore(%run_scoped3A : memref<!tpu.dma_semaphore, #tpu.memory_space<semaphore_mem>>)
      %dma_wait3A_448 = arith.constant 0 : i32
      %dma_wait3A_449 = tpu.memref_slice %arg8[%add3A_263, %dma_wait3A_448] : memref<10240x128xf32, #tpu.memory_space<vmem_shared>> -> memref<40x128xf32, #tpu.memory_space<vmem_shared>>
      %dma_wait3A_450 = arith.constant 0 : i32
      %dma_wait3A_451 = tpu.memref_slice %arg8[%add3A_263, %dma_wait3A_450] : memref<10240x128xf32, #tpu.memory_space<vmem_shared>> -> memref<40x128xf32, #tpu.memory_space<vmem_shared>>
      tpu.wait_dma2 semaphore(%run_scoped3A : memref<!tpu.dma_semaphore, #tpu.memory_space<semaphore_mem>>) src(%arg7 : memref<40x128xf32, #tpu.memory_space<vmem>>) dst(%dma_wait3A_451 : memref<40x128xf32, #tpu.memory_space<vmem_shared>>)
      tpu.yield
    }) : () -> ()
    %mul3A_264 = arith.constant 640 : i32
    %mul3A_265 = arith.muli %arg1, %mul3A_264 : i32
    %add3A_266 = arith.constant 160 : i32
    %add3A_267 = arith.addi %mul3A_265, %add3A_266 : i32
    "tpu.region"() ({
      %run_scoped3A = tpu.sem_alloc : memref<!tpu.dma_semaphore, #tpu.memory_space<semaphore_mem>>
      %dma_start3A_444 = arith.constant 0 : i32
      %dma_start3A_445 = tpu.memref_slice %arg8[%add3A_267, %dma_start3A_444] : memref<10240x128xf32, #tpu.memory_space<vmem_shared>> -> memref<40x128xf32, #tpu.memory_space<vmem_shared>>
      %dma_start3A_446 = arith.constant 0 : i32
      %dma_start3A_447 = tpu.memref_slice %arg8[%add3A_267, %dma_start3A_446] : memref<10240x128xf32, #tpu.memory_space<vmem_shared>> -> memref<40x128xf32, #tpu.memory_space<vmem_shared>>
      tpu.enqueue_dma source(%arg7 : memref<40x128xf32, #tpu.memory_space<vmem>>) target(%dma_start3A_447 : memref<40x128xf32, #tpu.memory_space<vmem_shared>>) target_semaphore(%run_scoped3A : memref<!tpu.dma_semaphore, #tpu.memory_space<semaphore_mem>>)
      %dma_wait3A_448 = arith.constant 0 : i32
      %dma_wait3A_449 = tpu.memref_slice %arg8[%add3A_267, %dma_wait3A_448] : memref<10240x128xf32, #tpu.memory_space<vmem_shared>> -> memref<40x128xf32, #tpu.memory_space<vmem_shared>>
      %dma_wait3A_450 = arith.constant 0 : i32
      %dma_wait3A_451 = tpu.memref_slice %arg8[%add3A_267, %dma_wait3A_450] : memref<10240x128xf32, #tpu.memory_space<vmem_shared>> -> memref<40x128xf32, #tpu.memory_space<vmem_shared>>
      tpu.wait_dma2 semaphore(%run_scoped3A : memref<!tpu.dma_semaphore, #tpu.memory_space<semaphore_mem>>) src(%arg7 : memref<40x128xf32, #tpu.memory_space<vmem>>) dst(%dma_wait3A_451 : memref<40x128xf32, #tpu.memory_space<vmem_shared>>)
      tpu.yield
    }) : () -> ()
    %mul3A_268 = arith.constant 640 : i32
    %mul3A_269 = arith.muli %arg1, %mul3A_268 : i32
    %add3A_270 = arith.constant 200 : i32
    %add3A_271 = arith.addi %mul3A_269, %add3A_270 : i32
    "tpu.region"() ({
      %run_scoped3A = tpu.sem_alloc : memref<!tpu.dma_semaphore, #tpu.memory_space<semaphore_mem>>
      %dma_start3A_444 = arith.constant 0 : i32
      %dma_start3A_445 = tpu.memref_slice %arg8[%add3A_271, %dma_start3A_444] : memref<10240x128xf32, #tpu.memory_space<vmem_shared>> -> memref<40x128xf32, #tpu.memory_space<vmem_shared>>
      %dma_start3A_446 = arith.constant 0 : i32
      %dma_start3A_447 = tpu.memref_slice %arg8[%add3A_271, %dma_start3A_446] : memref<10240x128xf32, #tpu.memory_space<vmem_shared>> -> memref<40x128xf32, #tpu.memory_space<vmem_shared>>
      tpu.enqueue_dma source(%arg7 : memref<40x128xf32, #tpu.memory_space<vmem>>) target(%dma_start3A_447 : memref<40x128xf32, #tpu.memory_space<vmem_shared>>) target_semaphore(%run_scoped3A : memref<!tpu.dma_semaphore, #tpu.memory_space<semaphore_mem>>)
      %dma_wait3A_448 = arith.constant 0 : i32
      %dma_wait3A_449 = tpu.memref_slice %arg8[%add3A_271, %dma_wait3A_448] : memref<10240x128xf32, #tpu.memory_space<vmem_shared>> -> memref<40x128xf32, #tpu.memory_space<vmem_shared>>
      %dma_wait3A_450 = arith.constant 0 : i32
      %dma_wait3A_451 = tpu.memref_slice %arg8[%add3A_271, %dma_wait3A_450] : memref<10240x128xf32, #tpu.memory_space<vmem_shared>> -> memref<40x128xf32, #tpu.memory_space<vmem_shared>>
      tpu.wait_dma2 semaphore(%run_scoped3A : memref<!tpu.dma_semaphore, #tpu.memory_space<semaphore_mem>>) src(%arg7 : memref<40x128xf32, #tpu.memory_space<vmem>>) dst(%dma_wait3A_451 : memref<40x128xf32, #tpu.memory_space<vmem_shared>>)
      tpu.yield
    }) : () -> ()
    %mul3A_272 = arith.constant 640 : i32
    %mul3A_273 = arith.muli %arg1, %mul3A_272 : i32
    %add3A_274 = arith.constant 240 : i32
    %add3A_275 = arith.addi %mul3A_273, %add3A_274 : i32
    "tpu.region"() ({
      %run_scoped3A = tpu.sem_alloc : memref<!tpu.dma_semaphore, #tpu.memory_space<semaphore_mem>>
      %dma_start3A_444 = arith.constant 0 : i32
      %dma_start3A_445 = tpu.memref_slice %arg8[%add3A_275, %dma_start3A_444] : memref<10240x128xf32, #tpu.memory_space<vmem_shared>> -> memref<40x128xf32, #tpu.memory_space<vmem_shared>>
      %dma_start3A_446 = arith.constant 0 : i32
      %dma_start3A_447 = tpu.memref_slice %arg8[%add3A_275, %dma_start3A_446] : memref<10240x128xf32, #tpu.memory_space<vmem_shared>> -> memref<40x128xf32, #tpu.memory_space<vmem_shared>>
      tpu.enqueue_dma source(%arg7 : memref<40x128xf32, #tpu.memory_space<vmem>>) target(%dma_start3A_447 : memref<40x128xf32, #tpu.memory_space<vmem_shared>>) target_semaphore(%run_scoped3A : memref<!tpu.dma_semaphore, #tpu.memory_space<semaphore_mem>>)
      %dma_wait3A_448 = arith.constant 0 : i32
      %dma_wait3A_449 = tpu.memref_slice %arg8[%add3A_275, %dma_wait3A_448] : memref<10240x128xf32, #tpu.memory_space<vmem_shared>> -> memref<40x128xf32, #tpu.memory_space<vmem_shared>>
      %dma_wait3A_450 = arith.constant 0 : i32
      %dma_wait3A_451 = tpu.memref_slice %arg8[%add3A_275, %dma_wait3A_450] : memref<10240x128xf32, #tpu.memory_space<vmem_shared>> -> memref<40x128xf32, #tpu.memory_space<vmem_shared>>
      tpu.wait_dma2 semaphore(%run_scoped3A : memref<!tpu.dma_semaphore, #tpu.memory_space<semaphore_mem>>) src(%arg7 : memref<40x128xf32, #tpu.memory_space<vmem>>) dst(%dma_wait3A_451 : memref<40x128xf32, #tpu.memory_space<vmem_shared>>)
      tpu.yield
    }) : () -> ()
    %mul3A_276 = arith.constant 640 : i32
    %mul3A_277 = arith.muli %arg1, %mul3A_276 : i32
    %add3A_278 = arith.constant 280 : i32
    %add3A_279 = arith.addi %mul3A_277, %add3A_278 : i32
    "tpu.region"() ({
      %run_scoped3A = tpu.sem_alloc : memref<!tpu.dma_semaphore, #tpu.memory_space<semaphore_mem>>
      %dma_start3A_444 = arith.constant 0 : i32
      %dma_start3A_445 = tpu.memref_slice %arg8[%add3A_279, %dma_start3A_444] : memref<10240x128xf32, #tpu.memory_space<vmem_shared>> -> memref<40x128xf32, #tpu.memory_space<vmem_shared>>
      %dma_start3A_446 = arith.constant 0 : i32
      %dma_start3A_447 = tpu.memref_slice %arg8[%add3A_279, %dma_start3A_446] : memref<10240x128xf32, #tpu.memory_space<vmem_shared>> -> memref<40x128xf32, #tpu.memory_space<vmem_shared>>
      tpu.enqueue_dma source(%arg7 : memref<40x128xf32, #tpu.memory_space<vmem>>) target(%dma_start3A_447 : memref<40x128xf32, #tpu.memory_space<vmem_shared>>) target_semaphore(%run_scoped3A : memref<!tpu.dma_semaphore, #tpu.memory_space<semaphore_mem>>)
      %dma_wait3A_448 = arith.constant 0 : i32
      %dma_wait3A_449 = tpu.memref_slice %arg8[%add3A_279, %dma_wait3A_448] : memref<10240x128xf32, #tpu.memory_space<vmem_shared>> -> memref<40x128xf32, #tpu.memory_space<vmem_shared>>
      %dma_wait3A_450 = arith.constant 0 : i32
      %dma_wait3A_451 = tpu.memref_slice %arg8[%add3A_279, %dma_wait3A_450] : memref<10240x128xf32, #tpu.memory_space<vmem_shared>> -> memref<40x128xf32, #tpu.memory_space<vmem_shared>>
      tpu.wait_dma2 semaphore(%run_scoped3A : memref<!tpu.dma_semaphore, #tpu.memory_space<semaphore_mem>>) src(%arg7 : memref<40x128xf32, #tpu.memory_space<vmem>>) dst(%dma_wait3A_451 : memref<40x128xf32, #tpu.memory_space<vmem_shared>>)
      tpu.yield
    }) : () -> ()
    %mul3A_280 = arith.constant 640 : i32
    %mul3A_281 = arith.muli %arg1, %mul3A_280 : i32
    %add3A_282 = arith.constant 320 : i32
    %add3A_283 = arith.addi %mul3A_281, %add3A_282 : i32
    "tpu.region"() ({
      %run_scoped3A = tpu.sem_alloc : memref<!tpu.dma_semaphore, #tpu.memory_space<semaphore_mem>>
      %dma_start3A_444 = arith.constant 0 : i32
      %dma_start3A_445 = tpu.memref_slice %arg8[%add3A_283, %dma_start3A_444] : memref<10240x128xf32, #tpu.memory_space<vmem_shared>> -> memref<40x128xf32, #tpu.memory_space<vmem_shared>>
      %dma_start3A_446 = arith.constant 0 : i32
      %dma_start3A_447 = tpu.memref_slice %arg8[%add3A_283, %dma_start3A_446] : memref<10240x128xf32, #tpu.memory_space<vmem_shared>> -> memref<40x128xf32, #tpu.memory_space<vmem_shared>>
      tpu.enqueue_dma source(%arg7 : memref<40x128xf32, #tpu.memory_space<vmem>>) target(%dma_start3A_447 : memref<40x128xf32, #tpu.memory_space<vmem_shared>>) target_semaphore(%run_scoped3A : memref<!tpu.dma_semaphore, #tpu.memory_space<semaphore_mem>>)
      %dma_wait3A_448 = arith.constant 0 : i32
      %dma_wait3A_449 = tpu.memref_slice %arg8[%add3A_283, %dma_wait3A_448] : memref<10240x128xf32, #tpu.memory_space<vmem_shared>> -> memref<40x128xf32, #tpu.memory_space<vmem_shared>>
      %dma_wait3A_450 = arith.constant 0 : i32
      %dma_wait3A_451 = tpu.memref_slice %arg8[%add3A_283, %dma_wait3A_450] : memref<10240x128xf32, #tpu.memory_space<vmem_shared>> -> memref<40x128xf32, #tpu.memory_space<vmem_shared>>
      tpu.wait_dma2 semaphore(%run_scoped3A : memref<!tpu.dma_semaphore, #tpu.memory_space<semaphore_mem>>) src(%arg7 : memref<40x128xf32, #tpu.memory_space<vmem>>) dst(%dma_wait3A_451 : memref<40x128xf32, #tpu.memory_space<vmem_shared>>)
      tpu.yield
    }) : () -> ()
    %mul3A_284 = arith.constant 640 : i32
    %mul3A_285 = arith.muli %arg1, %mul3A_284 : i32
    %add3A_286 = arith.constant 360 : i32
    %add3A_287 = arith.addi %mul3A_285, %add3A_286 : i32
    "tpu.region"() ({
      %run_scoped3A = tpu.sem_alloc : memref<!tpu.dma_semaphore, #tpu.memory_space<semaphore_mem>>
      %dma_start3A_444 = arith.constant 0 : i32
      %dma_start3A_445 = tpu.memref_slice %arg8[%add3A_287, %dma_start3A_444] : memref<10240x128xf32, #tpu.memory_space<vmem_shared>> -> memref<40x128xf32, #tpu.memory_space<vmem_shared>>
      %dma_start3A_446 = arith.constant 0 : i32
      %dma_start3A_447 = tpu.memref_slice %arg8[%add3A_287, %dma_start3A_446] : memref<10240x128xf32, #tpu.memory_space<vmem_shared>> -> memref<40x128xf32, #tpu.memory_space<vmem_shared>>
      tpu.enqueue_dma source(%arg7 : memref<40x128xf32, #tpu.memory_space<vmem>>) target(%dma_start3A_447 : memref<40x128xf32, #tpu.memory_space<vmem_shared>>) target_semaphore(%run_scoped3A : memref<!tpu.dma_semaphore, #tpu.memory_space<semaphore_mem>>)
      %dma_wait3A_448 = arith.constant 0 : i32
      %dma_wait3A_449 = tpu.memref_slice %arg8[%add3A_287, %dma_wait3A_448] : memref<10240x128xf32, #tpu.memory_space<vmem_shared>> -> memref<40x128xf32, #tpu.memory_space<vmem_shared>>
      %dma_wait3A_450 = arith.constant 0 : i32
      %dma_wait3A_451 = tpu.memref_slice %arg8[%add3A_287, %dma_wait3A_450] : memref<10240x128xf32, #tpu.memory_space<vmem_shared>> -> memref<40x128xf32, #tpu.memory_space<vmem_shared>>
      tpu.wait_dma2 semaphore(%run_scoped3A : memref<!tpu.dma_semaphore, #tpu.memory_space<semaphore_mem>>) src(%arg7 : memref<40x128xf32, #tpu.memory_space<vmem>>) dst(%dma_wait3A_451 : memref<40x128xf32, #tpu.memory_space<vmem_shared>>)
      tpu.yield
    }) : () -> ()
    %mul3A_288 = arith.constant 640 : i32
    %mul3A_289 = arith.muli %arg1, %mul3A_288 : i32
    %add3A_290 = arith.constant 400 : i32
    %add3A_291 = arith.addi %mul3A_289, %add3A_290 : i32
    "tpu.region"() ({
      %run_scoped3A = tpu.sem_alloc : memref<!tpu.dma_semaphore, #tpu.memory_space<semaphore_mem>>
      %dma_start3A_444 = arith.constant 0 : i32
      %dma_start3A_445 = tpu.memref_slice %arg8[%add3A_291, %dma_start3A_444] : memref<10240x128xf32, #tpu.memory_space<vmem_shared>> -> memref<40x128xf32, #tpu.memory_space<vmem_shared>>
      %dma_start3A_446 = arith.constant 0 : i32
      %dma_start3A_447 = tpu.memref_slice %arg8[%add3A_291, %dma_start3A_446] : memref<10240x128xf32, #tpu.memory_space<vmem_shared>> -> memref<40x128xf32, #tpu.memory_space<vmem_shared>>
      tpu.enqueue_dma source(%arg7 : memref<40x128xf32, #tpu.memory_space<vmem>>) target(%dma_start3A_447 : memref<40x128xf32, #tpu.memory_space<vmem_shared>>) target_semaphore(%run_scoped3A : memref<!tpu.dma_semaphore, #tpu.memory_space<semaphore_mem>>)
      %dma_wait3A_448 = arith.constant 0 : i32
      %dma_wait3A_449 = tpu.memref_slice %arg8[%add3A_291, %dma_wait3A_448] : memref<10240x128xf32, #tpu.memory_space<vmem_shared>> -> memref<40x128xf32, #tpu.memory_space<vmem_shared>>
      %dma_wait3A_450 = arith.constant 0 : i32
      %dma_wait3A_451 = tpu.memref_slice %arg8[%add3A_291, %dma_wait3A_450] : memref<10240x128xf32, #tpu.memory_space<vmem_shared>> -> memref<40x128xf32, #tpu.memory_space<vmem_shared>>
      tpu.wait_dma2 semaphore(%run_scoped3A : memref<!tpu.dma_semaphore, #tpu.memory_space<semaphore_mem>>) src(%arg7 : memref<40x128xf32, #tpu.memory_space<vmem>>) dst(%dma_wait3A_451 : memref<40x128xf32, #tpu.memory_space<vmem_shared>>)
      tpu.yield
    }) : () -> ()
    %mul3A_292 = arith.constant 640 : i32
    %mul3A_293 = arith.muli %arg1, %mul3A_292 : i32
    %add3A_294 = arith.constant 440 : i32
    %add3A_295 = arith.addi %mul3A_293, %add3A_294 : i32
    "tpu.region"() ({
      %run_scoped3A = tpu.sem_alloc : memref<!tpu.dma_semaphore, #tpu.memory_space<semaphore_mem>>
      %dma_start3A_444 = arith.constant 0 : i32
      %dma_start3A_445 = tpu.memref_slice %arg8[%add3A_295, %dma_start3A_444] : memref<10240x128xf32, #tpu.memory_space<vmem_shared>> -> memref<40x128xf32, #tpu.memory_space<vmem_shared>>
      %dma_start3A_446 = arith.constant 0 : i32
      %dma_start3A_447 = tpu.memref_slice %arg8[%add3A_295, %dma_start3A_446] : memref<10240x128xf32, #tpu.memory_space<vmem_shared>> -> memref<40x128xf32, #tpu.memory_space<vmem_shared>>
      tpu.enqueue_dma source(%arg7 : memref<40x128xf32, #tpu.memory_space<vmem>>) target(%dma_start3A_447 : memref<40x128xf32, #tpu.memory_space<vmem_shared>>) target_semaphore(%run_scoped3A : memref<!tpu.dma_semaphore, #tpu.memory_space<semaphore_mem>>)
      %dma_wait3A_448 = arith.constant 0 : i32
      %dma_wait3A_449 = tpu.memref_slice %arg8[%add3A_295, %dma_wait3A_448] : memref<10240x128xf32, #tpu.memory_space<vmem_shared>> -> memref<40x128xf32, #tpu.memory_space<vmem_shared>>
      %dma_wait3A_450 = arith.constant 0 : i32
      %dma_wait3A_451 = tpu.memref_slice %arg8[%add3A_295, %dma_wait3A_450] : memref<10240x128xf32, #tpu.memory_space<vmem_shared>> -> memref<40x128xf32, #tpu.memory_space<vmem_shared>>
      tpu.wait_dma2 semaphore(%run_scoped3A : memref<!tpu.dma_semaphore, #tpu.memory_space<semaphore_mem>>) src(%arg7 : memref<40x128xf32, #tpu.memory_space<vmem>>) dst(%dma_wait3A_451 : memref<40x128xf32, #tpu.memory_space<vmem_shared>>)
      tpu.yield
    }) : () -> ()
    %mul3A_296 = arith.constant 640 : i32
    %mul3A_297 = arith.muli %arg1, %mul3A_296 : i32
    %add3A_298 = arith.constant 480 : i32
    %add3A_299 = arith.addi %mul3A_297, %add3A_298 : i32
    "tpu.region"() ({
      %run_scoped3A = tpu.sem_alloc : memref<!tpu.dma_semaphore, #tpu.memory_space<semaphore_mem>>
      %dma_start3A_444 = arith.constant 0 : i32
      %dma_start3A_445 = tpu.memref_slice %arg8[%add3A_299, %dma_start3A_444] : memref<10240x128xf32, #tpu.memory_space<vmem_shared>> -> memref<40x128xf32, #tpu.memory_space<vmem_shared>>
      %dma_start3A_446 = arith.constant 0 : i32
      %dma_start3A_447 = tpu.memref_slice %arg8[%add3A_299, %dma_start3A_446] : memref<10240x128xf32, #tpu.memory_space<vmem_shared>> -> memref<40x128xf32, #tpu.memory_space<vmem_shared>>
      tpu.enqueue_dma source(%arg7 : memref<40x128xf32, #tpu.memory_space<vmem>>) target(%dma_start3A_447 : memref<40x128xf32, #tpu.memory_space<vmem_shared>>) target_semaphore(%run_scoped3A : memref<!tpu.dma_semaphore, #tpu.memory_space<semaphore_mem>>)
      %dma_wait3A_448 = arith.constant 0 : i32
      %dma_wait3A_449 = tpu.memref_slice %arg8[%add3A_299, %dma_wait3A_448] : memref<10240x128xf32, #tpu.memory_space<vmem_shared>> -> memref<40x128xf32, #tpu.memory_space<vmem_shared>>
      %dma_wait3A_450 = arith.constant 0 : i32
      %dma_wait3A_451 = tpu.memref_slice %arg8[%add3A_299, %dma_wait3A_450] : memref<10240x128xf32, #tpu.memory_space<vmem_shared>> -> memref<40x128xf32, #tpu.memory_space<vmem_shared>>
      tpu.wait_dma2 semaphore(%run_scoped3A : memref<!tpu.dma_semaphore, #tpu.memory_space<semaphore_mem>>) src(%arg7 : memref<40x128xf32, #tpu.memory_space<vmem>>) dst(%dma_wait3A_451 : memref<40x128xf32, #tpu.memory_space<vmem_shared>>)
      tpu.yield
    }) : () -> ()
    %mul3A_300 = arith.constant 640 : i32
    %mul3A_301 = arith.muli %arg1, %mul3A_300 : i32
    %add3A_302 = arith.constant 520 : i32
    %add3A_303 = arith.addi %mul3A_301, %add3A_302 : i32
    "tpu.region"() ({
      %run_scoped3A = tpu.sem_alloc : memref<!tpu.dma_semaphore, #tpu.memory_space<semaphore_mem>>
      %dma_start3A_444 = arith.constant 0 : i32
      %dma_start3A_445 = tpu.memref_slice %arg8[%add3A_303, %dma_start3A_444] : memref<10240x128xf32, #tpu.memory_space<vmem_shared>> -> memref<40x128xf32, #tpu.memory_space<vmem_shared>>
      %dma_start3A_446 = arith.constant 0 : i32
      %dma_start3A_447 = tpu.memref_slice %arg8[%add3A_303, %dma_start3A_446] : memref<10240x128xf32, #tpu.memory_space<vmem_shared>> -> memref<40x128xf32, #tpu.memory_space<vmem_shared>>
      tpu.enqueue_dma source(%arg7 : memref<40x128xf32, #tpu.memory_space<vmem>>) target(%dma_start3A_447 : memref<40x128xf32, #tpu.memory_space<vmem_shared>>) target_semaphore(%run_scoped3A : memref<!tpu.dma_semaphore, #tpu.memory_space<semaphore_mem>>)
      %dma_wait3A_448 = arith.constant 0 : i32
      %dma_wait3A_449 = tpu.memref_slice %arg8[%add3A_303, %dma_wait3A_448] : memref<10240x128xf32, #tpu.memory_space<vmem_shared>> -> memref<40x128xf32, #tpu.memory_space<vmem_shared>>
      %dma_wait3A_450 = arith.constant 0 : i32
      %dma_wait3A_451 = tpu.memref_slice %arg8[%add3A_303, %dma_wait3A_450] : memref<10240x128xf32, #tpu.memory_space<vmem_shared>> -> memref<40x128xf32, #tpu.memory_space<vmem_shared>>
      tpu.wait_dma2 semaphore(%run_scoped3A : memref<!tpu.dma_semaphore, #tpu.memory_space<semaphore_mem>>) src(%arg7 : memref<40x128xf32, #tpu.memory_space<vmem>>) dst(%dma_wait3A_451 : memref<40x128xf32, #tpu.memory_space<vmem_shared>>)
      tpu.yield
    }) : () -> ()
    %mul3A_304 = arith.constant 640 : i32
    %mul3A_305 = arith.muli %arg1, %mul3A_304 : i32
    %add3A_306 = arith.constant 560 : i32
    %add3A_307 = arith.addi %mul3A_305, %add3A_306 : i32
    "tpu.region"() ({
      %run_scoped3A = tpu.sem_alloc : memref<!tpu.dma_semaphore, #tpu.memory_space<semaphore_mem>>
      %dma_start3A_444 = arith.constant 0 : i32
      %dma_start3A_445 = tpu.memref_slice %arg8[%add3A_307, %dma_start3A_444] : memref<10240x128xf32, #tpu.memory_space<vmem_shared>> -> memref<40x128xf32, #tpu.memory_space<vmem_shared>>
      %dma_start3A_446 = arith.constant 0 : i32
      %dma_start3A_447 = tpu.memref_slice %arg8[%add3A_307, %dma_start3A_446] : memref<10240x128xf32, #tpu.memory_space<vmem_shared>> -> memref<40x128xf32, #tpu.memory_space<vmem_shared>>
      tpu.enqueue_dma source(%arg7 : memref<40x128xf32, #tpu.memory_space<vmem>>) target(%dma_start3A_447 : memref<40x128xf32, #tpu.memory_space<vmem_shared>>) target_semaphore(%run_scoped3A : memref<!tpu.dma_semaphore, #tpu.memory_space<semaphore_mem>>)
      %dma_wait3A_448 = arith.constant 0 : i32
      %dma_wait3A_449 = tpu.memref_slice %arg8[%add3A_307, %dma_wait3A_448] : memref<10240x128xf32, #tpu.memory_space<vmem_shared>> -> memref<40x128xf32, #tpu.memory_space<vmem_shared>>
      %dma_wait3A_450 = arith.constant 0 : i32
      %dma_wait3A_451 = tpu.memref_slice %arg8[%add3A_307, %dma_wait3A_450] : memref<10240x128xf32, #tpu.memory_space<vmem_shared>> -> memref<40x128xf32, #tpu.memory_space<vmem_shared>>
      tpu.wait_dma2 semaphore(%run_scoped3A : memref<!tpu.dma_semaphore, #tpu.memory_space<semaphore_mem>>) src(%arg7 : memref<40x128xf32, #tpu.memory_space<vmem>>) dst(%dma_wait3A_451 : memref<40x128xf32, #tpu.memory_space<vmem_shared>>)
      tpu.yield
    }) : () -> ()
    %mul3A_308 = arith.constant 640 : i32
    %mul3A_309 = arith.muli %arg1, %mul3A_308 : i32
    %add3A_310 = arith.constant 600 : i32
    %add3A_311 = arith.addi %mul3A_309, %add3A_310 : i32
    "tpu.region"() ({
      %run_scoped3A = tpu.sem_alloc : memref<!tpu.dma_semaphore, #tpu.memory_space<semaphore_mem>>
      %dma_start3A_444 = arith.constant 0 : i32
      %dma_start3A_445 = tpu.memref_slice %arg8[%add3A_311, %dma_start3A_444] : memref<10240x128xf32, #tpu.memory_space<vmem_shared>> -> memref<40x128xf32, #tpu.memory_space<vmem_shared>>
      %dma_start3A_446 = arith.constant 0 : i32
      %dma_start3A_447 = tpu.memref_slice %arg8[%add3A_311, %dma_start3A_446] : memref<10240x128xf32, #tpu.memory_space<vmem_shared>> -> memref<40x128xf32, #tpu.memory_space<vmem_shared>>
      tpu.enqueue_dma source(%arg7 : memref<40x128xf32, #tpu.memory_space<vmem>>) target(%dma_start3A_447 : memref<40x128xf32, #tpu.memory_space<vmem_shared>>) target_semaphore(%run_scoped3A : memref<!tpu.dma_semaphore, #tpu.memory_space<semaphore_mem>>)
      %dma_wait3A_448 = arith.constant 0 : i32
      %dma_wait3A_449 = tpu.memref_slice %arg8[%add3A_311, %dma_wait3A_448] : memref<10240x128xf32, #tpu.memory_space<vmem_shared>> -> memref<40x128xf32, #tpu.memory_space<vmem_shared>>
      %dma_wait3A_450 = arith.constant 0 : i32
      %dma_wait3A_451 = tpu.memref_slice %arg8[%add3A_311, %dma_wait3A_450] : memref<10240x128xf32, #tpu.memory_space<vmem_shared>> -> memref<40x128xf32, #tpu.memory_space<vmem_shared>>
      tpu.wait_dma2 semaphore(%run_scoped3A : memref<!tpu.dma_semaphore, #tpu.memory_space<semaphore_mem>>) src(%arg7 : memref<40x128xf32, #tpu.memory_space<vmem>>) dst(%dma_wait3A_451 : memref<40x128xf32, #tpu.memory_space<vmem_shared>>)
      tpu.yield
    }) : () -> ()
    %barrier3A = arith.constant 0 : index
    tpu.barrier barrier_id(%barrier3A)
    %scan3A_312 = arith.constant 0 : i32
    %scan3A_313 = arith.constant 32 : i32
    %scan3A_314 = arith.addi %scan3A_312, %scan3A_313 : i32
    %scan3A_315 = arith.constant 1 : i32
    scf.for %scan3A_444 = %scan3A_312 to %scan3A_314 step %scan3A_315  : i32 {
      %mul3A_445 = arith.constant 8 : i32
      %mul3A_446 = arith.muli %scan3A_444, %mul3A_445 : i32
      %add3A_447 = arith.constant 0 : i32
      %add3A_448 = arith.addi %add3A_447, %mul3A_446 : i32
      %add3A_449 = arith.constant 0 : i32
      %add3A_450 = arith.addi %add3A_448, %add3A_449 : i32
      %lt3A = arith.constant 250 : i32
      %lt3A_451 = arith.cmpi slt, %add3A_450, %lt3A : i32
      %convert_element_type3A = arith.extui %lt3A_451 : i1 to i32
      %cond3A = arith.constant 0 : i32
      %cond3A_452 = arith.cmpi ne, %convert_element_type3A, %cond3A : i32
      scf.if %cond3A_452 {
        %dma_wait3A_595 = arith.constant 0 : i32
        %dma_wait3A_596 = arith.constant 0 : i32
        %dma_wait3A_597 = arith.constant 0 : i32
        %dma_wait3A_598 = arith.constant 0 : i32
        %dma_wait3A_599 = tpu.memref_slice %arg5[%dma_wait3A_595, %dma_wait3A_597, %dma_wait3A_598] : memref<8x40x128xf32, #tpu.memory_space<vmem>> -> memref<1x40x128xf32, #tpu.memory_space<vmem>>
        %dma_wait3A_600 = tpu.memref_squeeze %dma_wait3A_599 : memref<1x40x128xf32, #tpu.memory_space<vmem>> -> memref<40x128xf32, #tpu.memory_space<vmem>>
        %dma_wait3A_601 = arith.constant 0 : i32
        %dma_wait3A_602 = arith.constant 0 : i32
        %dma_wait3A_603 = tpu.memref_slice %arg2[%dma_wait3A_601, %dma_wait3A_602] : memref<320000x128xf32, #tpu.memory_space<hbm>> -> memref<40x128xf32, #tpu.memory_space<hbm>>
        %dma_wait3A_604 = tpu.memref_slice %arg9[%dma_wait3A_596] : memref<8x!tpu.dma_semaphore, #tpu.memory_space<semaphore_mem>> -> memref<1x!tpu.dma_semaphore, #tpu.memory_space<semaphore_mem>>
        %dma_wait3A_605 = tpu.memref_squeeze %dma_wait3A_604 : memref<1x!tpu.dma_semaphore, #tpu.memory_space<semaphore_mem>> -> memref<!tpu.dma_semaphore, #tpu.memory_space<semaphore_mem>>
        %dma_wait3A_606 = arith.constant 0 : i32
        %dma_wait3A_607 = arith.constant 0 : i32
        %dma_wait3A_608 = tpu.memref_slice %arg5[%dma_wait3A_595, %dma_wait3A_606, %dma_wait3A_607] : memref<8x40x128xf32, #tpu.memory_space<vmem>> -> memref<1x40x128xf32, #tpu.memory_space<vmem>>
        %dma_wait3A_609 = tpu.memref_squeeze %dma_wait3A_608 : memref<1x40x128xf32, #tpu.memory_space<vmem>> -> memref<40x128xf32, #tpu.memory_space<vmem>>
        %dma_wait3A_610 = arith.constant 0 : i32
        %dma_wait3A_611 = arith.constant 0 : i32
        %dma_wait3A_612 = tpu.memref_slice %arg2[%dma_wait3A_610, %dma_wait3A_611] : memref<320000x128xf32, #tpu.memory_space<hbm>> -> memref<40x128xf32, #tpu.memory_space<hbm>>
        tpu.wait_dma2 semaphore(%dma_wait3A_605 : memref<!tpu.dma_semaphore, #tpu.memory_space<semaphore_mem>>) src(%dma_wait3A_612 : memref<40x128xf32, #tpu.memory_space<hbm>>) dst(%dma_wait3A_609 : memref<40x128xf32, #tpu.memory_space<vmem>>)
        %dma_wait3A_613 = arith.constant 0 : i32
        %dma_wait3A_614 = arith.constant 0 : i32
        %dma_wait3A_615 = arith.constant 0 : i32
        %dma_wait3A_616 = tpu.memref_slice %arg6[%dma_wait3A_613, %dma_wait3A_615] : memref<8x40xi32, #tpu.memory_space<vmem>> -> memref<1x40xi32, #tpu.memory_space<vmem>>
        %dma_wait3A_617 = tpu.memref_squeeze %dma_wait3A_616 : memref<1x40xi32, #tpu.memory_space<vmem>> -> memref<40xi32, #tpu.memory_space<vmem>>
        %dma_wait3A_618 = arith.constant 0 : i32
        %dma_wait3A_619 = tpu.memref_slice %arg3[%dma_wait3A_618] : memref<320000xi32, #tpu.memory_space<hbm>> -> memref<40xi32, #tpu.memory_space<hbm>>
        %dma_wait3A_620 = tpu.memref_slice %arg9[%dma_wait3A_614] : memref<8x!tpu.dma_semaphore, #tpu.memory_space<semaphore_mem>> -> memref<1x!tpu.dma_semaphore, #tpu.memory_space<semaphore_mem>>
        %dma_wait3A_621 = tpu.memref_squeeze %dma_wait3A_620 : memref<1x!tpu.dma_semaphore, #tpu.memory_space<semaphore_mem>> -> memref<!tpu.dma_semaphore, #tpu.memory_space<semaphore_mem>>
        %dma_wait3A_622 = arith.constant 0 : i32
        %dma_wait3A_623 = tpu.memref_slice %arg6[%dma_wait3A_613, %dma_wait3A_622] : memref<8x40xi32, #tpu.memory_space<vmem>> -> memref<1x40xi32, #tpu.memory_space<vmem>>
        %dma_wait3A_624 = tpu.memref_squeeze %dma_wait3A_623 : memref<1x40xi32, #tpu.memory_space<vmem>> -> memref<40xi32, #tpu.memory_space<vmem>>
        %dma_wait3A_625 = arith.constant 0 : i32
        %dma_wait3A_626 = tpu.memref_slice %arg3[%dma_wait3A_625] : memref<320000xi32, #tpu.memory_space<hbm>> -> memref<40xi32, #tpu.memory_space<hbm>>
        tpu.wait_dma2 semaphore(%dma_wait3A_621 : memref<!tpu.dma_semaphore, #tpu.memory_space<semaphore_mem>>) src(%dma_wait3A_626 : memref<40xi32, #tpu.memory_space<hbm>>) dst(%dma_wait3A_624 : memref<40xi32, #tpu.memory_space<vmem>>)
        %dma_start3A_627 = arith.constant 0 : i32
        %dma_start3A_628 = arith.constant 0 : i32
        %dma_start3A_629 = arith.constant 0 : i32
        %dma_start3A_630 = arith.constant 0 : i32
        %dma_start3A_631 = arith.constant 0 : i32
        %dma_start3A_632 = tpu.memref_slice %arg5[%dma_start3A_627, %dma_start3A_630, %dma_start3A_631] : memref<8x40x128xf32, #tpu.memory_space<vmem>> -> memref<1x40x128xf32, #tpu.memory_space<vmem>>
        %dma_start3A_633 = tpu.memref_squeeze %dma_start3A_632 : memref<1x40x128xf32, #tpu.memory_space<vmem>> -> memref<40x128xf32, #tpu.memory_space<vmem>>
        %dma_start3A_634 = arith.constant 0 : i32
        %dma_start3A_635 = tpu.memref_slice %arg6[%dma_start3A_628, %dma_start3A_634] : memref<8x40xi32, #tpu.memory_space<vmem>> -> memref<1x40xi32, #tpu.memory_space<vmem>>
        %dma_start3A_636 = tpu.memref_squeeze %dma_start3A_635 : memref<1x40xi32, #tpu.memory_space<vmem>> -> memref<40xi32, #tpu.memory_space<vmem>>
        %dma_start3A_637 = arith.constant 0 : i32
        %dma_start3A_638 = arith.constant 0 : i32
        %dma_start3A_639 = tpu.memref_slice %arg8[%dma_start3A_637, %dma_start3A_638] : memref<10240x128xf32, #tpu.memory_space<vmem_shared>> -> memref<10240x128xf32, #tpu.memory_space<vmem_shared>>
        %dma_start3A_640 = tpu.memref_slice %arg10[%dma_start3A_629] : memref<8x!tpu.dma_semaphore, #tpu.memory_space<semaphore_mem>> -> memref<1x!tpu.dma_semaphore, #tpu.memory_space<semaphore_mem>>
        %dma_start3A_641 = tpu.memref_squeeze %dma_start3A_640 : memref<1x!tpu.dma_semaphore, #tpu.memory_space<semaphore_mem>> -> memref<!tpu.dma_semaphore, #tpu.memory_space<semaphore_mem>>
        tpu.enqueue_indirect_dma source(%dma_start3A_633 : memref<40x128xf32, #tpu.memory_space<vmem>>) target(%dma_start3A_639 : memref<10240x128xf32, #tpu.memory_space<vmem_shared>>) offsets(%dma_start3A_636 : memref<40xi32, #tpu.memory_space<vmem>>) semaphore(%dma_start3A_641 : memref<!tpu.dma_semaphore, #tpu.memory_space<semaphore_mem>>) {add = true}
      } else {
      }
      %sub3A = arith.constant 1 : i32
      %sub3A_453 = arith.subi %add3A_450, %sub3A : i32
      %add3A_454 = arith.constant 8 : i32
      %add3A_455 = arith.addi %sub3A_453, %add3A_454 : i32
      %ge3A = arith.constant 1 : i32
      %ge3A_456 = arith.cmpi sge, %add3A_450, %ge3A : i32
      %lt3A_457 = arith.constant 250 : i32
      %lt3A_458 = arith.cmpi slt, %add3A_455, %lt3A_457 : i32
      %and3A = arith.andi %ge3A_456, %lt3A_458 : i1
      %convert_element_type3A_459 = arith.extui %and3A : i1 to i32
      %cond3A_460 = arith.constant 0 : i32
      %cond3A_461 = arith.cmpi ne, %convert_element_type3A_459, %cond3A_460 : i32
      scf.if %cond3A_461 {
        %dma_wait3A_595 = arith.constant 7 : i32
        %dma_wait3A_596 = arith.constant 7 : i32
        %dma_wait3A_597 = arith.constant 7 : i32
        %dma_wait3A_598 = arith.constant 0 : i32
        %dma_wait3A_599 = arith.constant 0 : i32
        %dma_wait3A_600 = tpu.memref_slice %arg5[%dma_wait3A_595, %dma_wait3A_598, %dma_wait3A_599] : memref<8x40x128xf32, #tpu.memory_space<vmem>> -> memref<1x40x128xf32, #tpu.memory_space<vmem>>
        %dma_wait3A_601 = tpu.memref_squeeze %dma_wait3A_600 : memref<1x40x128xf32, #tpu.memory_space<vmem>> -> memref<40x128xf32, #tpu.memory_space<vmem>>
        %dma_wait3A_602 = arith.constant 0 : i32
        %dma_wait3A_603 = tpu.memref_slice %arg6[%dma_wait3A_596, %dma_wait3A_602] : memref<8x40xi32, #tpu.memory_space<vmem>> -> memref<1x40xi32, #tpu.memory_space<vmem>>
        %dma_wait3A_604 = tpu.memref_squeeze %dma_wait3A_603 : memref<1x40xi32, #tpu.memory_space<vmem>> -> memref<40xi32, #tpu.memory_space<vmem>>
        %dma_wait3A_605 = arith.constant 0 : i32
        %dma_wait3A_606 = arith.constant 0 : i32
        %dma_wait3A_607 = tpu.memref_slice %arg8[%dma_wait3A_605, %dma_wait3A_606] : memref<10240x128xf32, #tpu.memory_space<vmem_shared>> -> memref<10240x128xf32, #tpu.memory_space<vmem_shared>>
        %dma_wait3A_608 = tpu.memref_slice %arg10[%dma_wait3A_597] : memref<8x!tpu.dma_semaphore, #tpu.memory_space<semaphore_mem>> -> memref<1x!tpu.dma_semaphore, #tpu.memory_space<semaphore_mem>>
        %dma_wait3A_609 = tpu.memref_squeeze %dma_wait3A_608 : memref<1x!tpu.dma_semaphore, #tpu.memory_space<semaphore_mem>> -> memref<!tpu.dma_semaphore, #tpu.memory_space<semaphore_mem>>
        tpu.wait_indirect_dma semaphore(%dma_wait3A_609 : memref<!tpu.dma_semaphore, #tpu.memory_space<semaphore_mem>>) src(%dma_wait3A_601 : memref<40x128xf32, #tpu.memory_space<vmem>>) dst(%dma_wait3A_607 : memref<10240x128xf32, #tpu.memory_space<vmem_shared>>)
        %mul3A_610 = arith.constant 40 : i32
        %mul3A_611 = arith.muli %add3A_455, %mul3A_610 : i32
        %add3A_612 = arith.addi %mul3A_2, %mul3A_611 : i32
        %dma_start3A_613 = arith.constant 7 : i32
        %dma_start3A_614 = arith.constant 7 : i32
        %dma_start3A_615 = arith.constant 0 : i32
        %dma_start3A_616 = arith.constant 0 : i32
        %dma_start3A_617 = tpu.memref_slice %arg5[%dma_start3A_613, %dma_start3A_615, %dma_start3A_616] : memref<8x40x128xf32, #tpu.memory_space<vmem>> -> memref<1x40x128xf32, #tpu.memory_space<vmem>>
        %dma_start3A_618 = tpu.memref_squeeze %dma_start3A_617 : memref<1x40x128xf32, #tpu.memory_space<vmem>> -> memref<40x128xf32, #tpu.memory_space<vmem>>
        %dma_start3A_619 = arith.constant 0 : i32
        %dma_start3A_620 = tpu.memref_slice %arg2[%add3A_612, %dma_start3A_619] : memref<320000x128xf32, #tpu.memory_space<hbm>> -> memref<40x128xf32, #tpu.memory_space<hbm>>
        %dma_start3A_621 = tpu.memref_slice %arg9[%dma_start3A_614] : memref<8x!tpu.dma_semaphore, #tpu.memory_space<semaphore_mem>> -> memref<1x!tpu.dma_semaphore, #tpu.memory_space<semaphore_mem>>
        %dma_start3A_622 = tpu.memref_squeeze %dma_start3A_621 : memref<1x!tpu.dma_semaphore, #tpu.memory_space<semaphore_mem>> -> memref<!tpu.dma_semaphore, #tpu.memory_space<semaphore_mem>>
        %dma_start3A_623 = arith.constant 0 : i32
        %dma_start3A_624 = arith.constant 0 : i32
        %dma_start3A_625 = tpu.memref_slice %arg5[%dma_start3A_613, %dma_start3A_623, %dma_start3A_624] : memref<8x40x128xf32, #tpu.memory_space<vmem>> -> memref<1x40x128xf32, #tpu.memory_space<vmem>>
        %dma_start3A_626 = tpu.memref_squeeze %dma_start3A_625 : memref<1x40x128xf32, #tpu.memory_space<vmem>> -> memref<40x128xf32, #tpu.memory_space<vmem>>
        %dma_start3A_627 = arith.constant 0 : i32
        %dma_start3A_628 = tpu.memref_slice %arg2[%add3A_612, %dma_start3A_627] : memref<320000x128xf32, #tpu.memory_space<hbm>> -> memref<40x128xf32, #tpu.memory_space<hbm>>
        tpu.enqueue_dma source(%dma_start3A_628 : memref<40x128xf32, #tpu.memory_space<hbm>>) target(%dma_start3A_626 : memref<40x128xf32, #tpu.memory_space<vmem>>) target_semaphore(%dma_start3A_622 : memref<!tpu.dma_semaphore, #tpu.memory_space<semaphore_mem>>)
        %dma_start3A_629 = arith.constant 7 : i32
        %dma_start3A_630 = arith.constant 7 : i32
        %dma_start3A_631 = arith.constant 0 : i32
        %dma_start3A_632 = tpu.memref_slice %arg6[%dma_start3A_629, %dma_start3A_631] : memref<8x40xi32, #tpu.memory_space<vmem>> -> memref<1x40xi32, #tpu.memory_space<vmem>>
        %dma_start3A_633 = tpu.memref_squeeze %dma_start3A_632 : memref<1x40xi32, #tpu.memory_space<vmem>> -> memref<40xi32, #tpu.memory_space<vmem>>
        %dma_start3A_634 = tpu.memref_slice %arg3[%add3A_612] : memref<320000xi32, #tpu.memory_space<hbm>> -> memref<40xi32, #tpu.memory_space<hbm>>
        %dma_start3A_635 = tpu.memref_slice %arg9[%dma_start3A_630] : memref<8x!tpu.dma_semaphore, #tpu.memory_space<semaphore_mem>> -> memref<1x!tpu.dma_semaphore, #tpu.memory_space<semaphore_mem>>
        %dma_start3A_636 = tpu.memref_squeeze %dma_start3A_635 : memref<1x!tpu.dma_semaphore, #tpu.memory_space<semaphore_mem>> -> memref<!tpu.dma_semaphore, #tpu.memory_space<semaphore_mem>>
        %dma_start3A_637 = arith.constant 0 : i32
        %dma_start3A_638 = tpu.memref_slice %arg6[%dma_start3A_629, %dma_start3A_637] : memref<8x40xi32, #tpu.memory_space<vmem>> -> memref<1x40xi32, #tpu.memory_space<vmem>>
        %dma_start3A_639 = tpu.memref_squeeze %dma_start3A_638 : memref<1x40xi32, #tpu.memory_space<vmem>> -> memref<40xi32, #tpu.memory_space<vmem>>
        %dma_start3A_640 = tpu.memref_slice %arg3[%add3A_612] : memref<320000xi32, #tpu.memory_space<hbm>> -> memref<40xi32, #tpu.memory_space<hbm>>
        tpu.enqueue_dma source(%dma_start3A_640 : memref<40xi32, #tpu.memory_space<hbm>>) target(%dma_start3A_639 : memref<40xi32, #tpu.memory_space<vmem>>) target_semaphore(%dma_start3A_636 : memref<!tpu.dma_semaphore, #tpu.memory_space<semaphore_mem>>)
      } else {
      }
      %add3A_462 = arith.constant 1 : i32
      %add3A_463 = arith.addi %add3A_448, %add3A_462 : i32
      %lt3A_464 = arith.constant 250 : i32
      %lt3A_465 = arith.cmpi slt, %add3A_463, %lt3A_464 : i32
      %convert_element_type3A_466 = arith.extui %lt3A_465 : i1 to i32
      %cond3A_467 = arith.constant 0 : i32
      %cond3A_468 = arith.cmpi ne, %convert_element_type3A_466, %cond3A_467 : i32
      scf.if %cond3A_468 {
        %dma_wait3A_595 = arith.constant 1 : i32
        %dma_wait3A_596 = arith.constant 1 : i32
        %dma_wait3A_597 = arith.constant 0 : i32
        %dma_wait3A_598 = arith.constant 0 : i32
        %dma_wait3A_599 = tpu.memref_slice %arg5[%dma_wait3A_595, %dma_wait3A_597, %dma_wait3A_598] : memref<8x40x128xf32, #tpu.memory_space<vmem>> -> memref<1x40x128xf32, #tpu.memory_space<vmem>>
        %dma_wait3A_600 = tpu.memref_squeeze %dma_wait3A_599 : memref<1x40x128xf32, #tpu.memory_space<vmem>> -> memref<40x128xf32, #tpu.memory_space<vmem>>
        %dma_wait3A_601 = arith.constant 0 : i32
        %dma_wait3A_602 = arith.constant 0 : i32
        %dma_wait3A_603 = tpu.memref_slice %arg2[%dma_wait3A_601, %dma_wait3A_602] : memref<320000x128xf32, #tpu.memory_space<hbm>> -> memref<40x128xf32, #tpu.memory_space<hbm>>
        %dma_wait3A_604 = tpu.memref_slice %arg9[%dma_wait3A_596] : memref<8x!tpu.dma_semaphore, #tpu.memory_space<semaphore_mem>> -> memref<1x!tpu.dma_semaphore, #tpu.memory_space<semaphore_mem>>
        %dma_wait3A_605 = tpu.memref_squeeze %dma_wait3A_604 : memref<1x!tpu.dma_semaphore, #tpu.memory_space<semaphore_mem>> -> memref<!tpu.dma_semaphore, #tpu.memory_space<semaphore_mem>>
        %dma_wait3A_606 = arith.constant 0 : i32
        %dma_wait3A_607 = arith.constant 0 : i32
        %dma_wait3A_608 = tpu.memref_slice %arg5[%dma_wait3A_595, %dma_wait3A_606, %dma_wait3A_607] : memref<8x40x128xf32, #tpu.memory_space<vmem>> -> memref<1x40x128xf32, #tpu.memory_space<vmem>>
        %dma_wait3A_609 = tpu.memref_squeeze %dma_wait3A_608 : memref<1x40x128xf32, #tpu.memory_space<vmem>> -> memref<40x128xf32, #tpu.memory_space<vmem>>
        %dma_wait3A_610 = arith.constant 0 : i32
        %dma_wait3A_611 = arith.constant 0 : i32
        %dma_wait3A_612 = tpu.memref_slice %arg2[%dma_wait3A_610, %dma_wait3A_611] : memref<320000x128xf32, #tpu.memory_space<hbm>> -> memref<40x128xf32, #tpu.memory_space<hbm>>
        tpu.wait_dma2 semaphore(%dma_wait3A_605 : memref<!tpu.dma_semaphore, #tpu.memory_space<semaphore_mem>>) src(%dma_wait3A_612 : memref<40x128xf32, #tpu.memory_space<hbm>>) dst(%dma_wait3A_609 : memref<40x128xf32, #tpu.memory_space<vmem>>)
        %dma_wait3A_613 = arith.constant 1 : i32
        %dma_wait3A_614 = arith.constant 1 : i32
        %dma_wait3A_615 = arith.constant 0 : i32
        %dma_wait3A_616 = tpu.memref_slice %arg6[%dma_wait3A_613, %dma_wait3A_615] : memref<8x40xi32, #tpu.memory_space<vmem>> -> memref<1x40xi32, #tpu.memory_space<vmem>>
        %dma_wait3A_617 = tpu.memref_squeeze %dma_wait3A_616 : memref<1x40xi32, #tpu.memory_space<vmem>> -> memref<40xi32, #tpu.memory_space<vmem>>
        %dma_wait3A_618 = arith.constant 0 : i32
        %dma_wait3A_619 = tpu.memref_slice %arg3[%dma_wait3A_618] : memref<320000xi32, #tpu.memory_space<hbm>> -> memref<40xi32, #tpu.memory_space<hbm>>
        %dma_wait3A_620 = tpu.memref_slice %arg9[%dma_wait3A_614] : memref<8x!tpu.dma_semaphore, #tpu.memory_space<semaphore_mem>> -> memref<1x!tpu.dma_semaphore, #tpu.memory_space<semaphore_mem>>
        %dma_wait3A_621 = tpu.memref_squeeze %dma_wait3A_620 : memref<1x!tpu.dma_semaphore, #tpu.memory_space<semaphore_mem>> -> memref<!tpu.dma_semaphore, #tpu.memory_space<semaphore_mem>>
        %dma_wait3A_622 = arith.constant 0 : i32
        %dma_wait3A_623 = tpu.memref_slice %arg6[%dma_wait3A_613, %dma_wait3A_622] : memref<8x40xi32, #tpu.memory_space<vmem>> -> memref<1x40xi32, #tpu.memory_space<vmem>>
        %dma_wait3A_624 = tpu.memref_squeeze %dma_wait3A_623 : memref<1x40xi32, #tpu.memory_space<vmem>> -> memref<40xi32, #tpu.memory_space<vmem>>
        %dma_wait3A_625 = arith.constant 0 : i32
        %dma_wait3A_626 = tpu.memref_slice %arg3[%dma_wait3A_625] : memref<320000xi32, #tpu.memory_space<hbm>> -> memref<40xi32, #tpu.memory_space<hbm>>
        tpu.wait_dma2 semaphore(%dma_wait3A_621 : memref<!tpu.dma_semaphore, #tpu.memory_space<semaphore_mem>>) src(%dma_wait3A_626 : memref<40xi32, #tpu.memory_space<hbm>>) dst(%dma_wait3A_624 : memref<40xi32, #tpu.memory_space<vmem>>)
        %dma_start3A_627 = arith.constant 1 : i32
        %dma_start3A_628 = arith.constant 1 : i32
        %dma_start3A_629 = arith.constant 1 : i32
        %dma_start3A_630 = arith.constant 0 : i32
        %dma_start3A_631 = arith.constant 0 : i32
        %dma_start3A_632 = tpu.memref_slice %arg5[%dma_start3A_627, %dma_start3A_630, %dma_start3A_631] : memref<8x40x128xf32, #tpu.memory_space<vmem>> -> memref<1x40x128xf32, #tpu.memory_space<vmem>>
        %dma_start3A_633 = tpu.memref_squeeze %dma_start3A_632 : memref<1x40x128xf32, #tpu.memory_space<vmem>> -> memref<40x128xf32, #tpu.memory_space<vmem>>
        %dma_start3A_634 = arith.constant 0 : i32
        %dma_start3A_635 = tpu.memref_slice %arg6[%dma_start3A_628, %dma_start3A_634] : memref<8x40xi32, #tpu.memory_space<vmem>> -> memref<1x40xi32, #tpu.memory_space<vmem>>
        %dma_start3A_636 = tpu.memref_squeeze %dma_start3A_635 : memref<1x40xi32, #tpu.memory_space<vmem>> -> memref<40xi32, #tpu.memory_space<vmem>>
        %dma_start3A_637 = arith.constant 0 : i32
        %dma_start3A_638 = arith.constant 0 : i32
        %dma_start3A_639 = tpu.memref_slice %arg8[%dma_start3A_637, %dma_start3A_638] : memref<10240x128xf32, #tpu.memory_space<vmem_shared>> -> memref<10240x128xf32, #tpu.memory_space<vmem_shared>>
        %dma_start3A_640 = tpu.memref_slice %arg10[%dma_start3A_629] : memref<8x!tpu.dma_semaphore, #tpu.memory_space<semaphore_mem>> -> memref<1x!tpu.dma_semaphore, #tpu.memory_space<semaphore_mem>>
        %dma_start3A_641 = tpu.memref_squeeze %dma_start3A_640 : memref<1x!tpu.dma_semaphore, #tpu.memory_space<semaphore_mem>> -> memref<!tpu.dma_semaphore, #tpu.memory_space<semaphore_mem>>
        tpu.enqueue_indirect_dma source(%dma_start3A_633 : memref<40x128xf32, #tpu.memory_space<vmem>>) target(%dma_start3A_639 : memref<10240x128xf32, #tpu.memory_space<vmem_shared>>) offsets(%dma_start3A_636 : memref<40xi32, #tpu.memory_space<vmem>>) semaphore(%dma_start3A_641 : memref<!tpu.dma_semaphore, #tpu.memory_space<semaphore_mem>>) {add = true}
      } else {
      }
      %sub3A_469 = arith.constant 1 : i32
      %sub3A_470 = arith.subi %add3A_463, %sub3A_469 : i32
      %add3A_471 = arith.constant 8 : i32
      %add3A_472 = arith.addi %sub3A_470, %add3A_471 : i32
      %ge3A_473 = arith.constant 1 : i32
      %ge3A_474 = arith.cmpi sge, %add3A_463, %ge3A_473 : i32
      %lt3A_475 = arith.constant 250 : i32
      %lt3A_476 = arith.cmpi slt, %add3A_472, %lt3A_475 : i32
      %and3A_477 = arith.andi %ge3A_474, %lt3A_476 : i1
      %convert_element_type3A_478 = arith.extui %and3A_477 : i1 to i32
      %cond3A_479 = arith.constant 0 : i32
      %cond3A_480 = arith.cmpi ne, %convert_element_type3A_478, %cond3A_479 : i32
      scf.if %cond3A_480 {
        %dma_wait3A_595 = arith.constant 0 : i32
        %dma_wait3A_596 = arith.constant 0 : i32
        %dma_wait3A_597 = arith.constant 0 : i32
        %dma_wait3A_598 = arith.constant 0 : i32
        %dma_wait3A_599 = arith.constant 0 : i32
        %dma_wait3A_600 = tpu.memref_slice %arg5[%dma_wait3A_595, %dma_wait3A_598, %dma_wait3A_599] : memref<8x40x128xf32, #tpu.memory_space<vmem>> -> memref<1x40x128xf32, #tpu.memory_space<vmem>>
        %dma_wait3A_601 = tpu.memref_squeeze %dma_wait3A_600 : memref<1x40x128xf32, #tpu.memory_space<vmem>> -> memref<40x128xf32, #tpu.memory_space<vmem>>
        %dma_wait3A_602 = arith.constant 0 : i32
        %dma_wait3A_603 = tpu.memref_slice %arg6[%dma_wait3A_596, %dma_wait3A_602] : memref<8x40xi32, #tpu.memory_space<vmem>> -> memref<1x40xi32, #tpu.memory_space<vmem>>
        %dma_wait3A_604 = tpu.memref_squeeze %dma_wait3A_603 : memref<1x40xi32, #tpu.memory_space<vmem>> -> memref<40xi32, #tpu.memory_space<vmem>>
        %dma_wait3A_605 = arith.constant 0 : i32
        %dma_wait3A_606 = arith.constant 0 : i32
        %dma_wait3A_607 = tpu.memref_slice %arg8[%dma_wait3A_605, %dma_wait3A_606] : memref<10240x128xf32, #tpu.memory_space<vmem_shared>> -> memref<10240x128xf32, #tpu.memory_space<vmem_shared>>
        %dma_wait3A_608 = tpu.memref_slice %arg10[%dma_wait3A_597] : memref<8x!tpu.dma_semaphore, #tpu.memory_space<semaphore_mem>> -> memref<1x!tpu.dma_semaphore, #tpu.memory_space<semaphore_mem>>
        %dma_wait3A_609 = tpu.memref_squeeze %dma_wait3A_608 : memref<1x!tpu.dma_semaphore, #tpu.memory_space<semaphore_mem>> -> memref<!tpu.dma_semaphore, #tpu.memory_space<semaphore_mem>>
        tpu.wait_indirect_dma semaphore(%dma_wait3A_609 : memref<!tpu.dma_semaphore, #tpu.memory_space<semaphore_mem>>) src(%dma_wait3A_601 : memref<40x128xf32, #tpu.memory_space<vmem>>) dst(%dma_wait3A_607 : memref<10240x128xf32, #tpu.memory_space<vmem_shared>>)
        %mul3A_610 = arith.constant 40 : i32
        %mul3A_611 = arith.muli %add3A_472, %mul3A_610 : i32
        %add3A_612 = arith.addi %mul3A_2, %mul3A_611 : i32
        %dma_start3A_613 = arith.constant 0 : i32
        %dma_start3A_614 = arith.constant 0 : i32
        %dma_start3A_615 = arith.constant 0 : i32
        %dma_start3A_616 = arith.constant 0 : i32
        %dma_start3A_617 = tpu.memref_slice %arg5[%dma_start3A_613, %dma_start3A_615, %dma_start3A_616] : memref<8x40x128xf32, #tpu.memory_space<vmem>> -> memref<1x40x128xf32, #tpu.memory_space<vmem>>
        %dma_start3A_618 = tpu.memref_squeeze %dma_start3A_617 : memref<1x40x128xf32, #tpu.memory_space<vmem>> -> memref<40x128xf32, #tpu.memory_space<vmem>>
        %dma_start3A_619 = arith.constant 0 : i32
        %dma_start3A_620 = tpu.memref_slice %arg2[%add3A_612, %dma_start3A_619] : memref<320000x128xf32, #tpu.memory_space<hbm>> -> memref<40x128xf32, #tpu.memory_space<hbm>>
        %dma_start3A_621 = tpu.memref_slice %arg9[%dma_start3A_614] : memref<8x!tpu.dma_semaphore, #tpu.memory_space<semaphore_mem>> -> memref<1x!tpu.dma_semaphore, #tpu.memory_space<semaphore_mem>>
        %dma_start3A_622 = tpu.memref_squeeze %dma_start3A_621 : memref<1x!tpu.dma_semaphore, #tpu.memory_space<semaphore_mem>> -> memref<!tpu.dma_semaphore, #tpu.memory_space<semaphore_mem>>
        %dma_start3A_623 = arith.constant 0 : i32
        %dma_start3A_624 = arith.constant 0 : i32
        %dma_start3A_625 = tpu.memref_slice %arg5[%dma_start3A_613, %dma_start3A_623, %dma_start3A_624] : memref<8x40x128xf32, #tpu.memory_space<vmem>> -> memref<1x40x128xf32, #tpu.memory_space<vmem>>
        %dma_start3A_626 = tpu.memref_squeeze %dma_start3A_625 : memref<1x40x128xf32, #tpu.memory_space<vmem>> -> memref<40x128xf32, #tpu.memory_space<vmem>>
        %dma_start3A_627 = arith.constant 0 : i32
        %dma_start3A_628 = tpu.memref_slice %arg2[%add3A_612, %dma_start3A_627] : memref<320000x128xf32, #tpu.memory_space<hbm>> -> memref<40x128xf32, #tpu.memory_space<hbm>>
        tpu.enqueue_dma source(%dma_start3A_628 : memref<40x128xf32, #tpu.memory_space<hbm>>) target(%dma_start3A_626 : memref<40x128xf32, #tpu.memory_space<vmem>>) target_semaphore(%dma_start3A_622 : memref<!tpu.dma_semaphore, #tpu.memory_space<semaphore_mem>>)
        %dma_start3A_629 = arith.constant 0 : i32
        %dma_start3A_630 = arith.constant 0 : i32
        %dma_start3A_631 = arith.constant 0 : i32
        %dma_start3A_632 = tpu.memref_slice %arg6[%dma_start3A_629, %dma_start3A_631] : memref<8x40xi32, #tpu.memory_space<vmem>> -> memref<1x40xi32, #tpu.memory_space<vmem>>
        %dma_start3A_633 = tpu.memref_squeeze %dma_start3A_632 : memref<1x40xi32, #tpu.memory_space<vmem>> -> memref<40xi32, #tpu.memory_space<vmem>>
        %dma_start3A_634 = tpu.memref_slice %arg3[%add3A_612] : memref<320000xi32, #tpu.memory_space<hbm>> -> memref<40xi32, #tpu.memory_space<hbm>>
        %dma_start3A_635 = tpu.memref_slice %arg9[%dma_start3A_630] : memref<8x!tpu.dma_semaphore, #tpu.memory_space<semaphore_mem>> -> memref<1x!tpu.dma_semaphore, #tpu.memory_space<semaphore_mem>>
        %dma_start3A_636 = tpu.memref_squeeze %dma_start3A_635 : memref<1x!tpu.dma_semaphore, #tpu.memory_space<semaphore_mem>> -> memref<!tpu.dma_semaphore, #tpu.memory_space<semaphore_mem>>
        %dma_start3A_637 = arith.constant 0 : i32
        %dma_start3A_638 = tpu.memref_slice %arg6[%dma_start3A_629, %dma_start3A_637] : memref<8x40xi32, #tpu.memory_space<vmem>> -> memref<1x40xi32, #tpu.memory_space<vmem>>
        %dma_start3A_639 = tpu.memref_squeeze %dma_start3A_638 : memref<1x40xi32, #tpu.memory_space<vmem>> -> memref<40xi32, #tpu.memory_space<vmem>>
        %dma_start3A_640 = tpu.memref_slice %arg3[%add3A_612] : memref<320000xi32, #tpu.memory_space<hbm>> -> memref<40xi32, #tpu.memory_space<hbm>>
        tpu.enqueue_dma source(%dma_start3A_640 : memref<40xi32, #tpu.memory_space<hbm>>) target(%dma_start3A_639 : memref<40xi32, #tpu.memory_space<vmem>>) target_semaphore(%dma_start3A_636 : memref<!tpu.dma_semaphore, #tpu.memory_space<semaphore_mem>>)
      } else {
      }
      %add3A_481 = arith.constant 2 : i32
      %add3A_482 = arith.addi %add3A_448, %add3A_481 : i32
      %lt3A_483 = arith.constant 250 : i32
      %lt3A_484 = arith.cmpi slt, %add3A_482, %lt3A_483 : i32
      %convert_element_type3A_485 = arith.extui %lt3A_484 : i1 to i32
      %cond3A_486 = arith.constant 0 : i32
      %cond3A_487 = arith.cmpi ne, %convert_element_type3A_485, %cond3A_486 : i32
      scf.if %cond3A_487 {
        %dma_wait3A_595 = arith.constant 2 : i32
        %dma_wait3A_596 = arith.constant 2 : i32
        %dma_wait3A_597 = arith.constant 0 : i32
        %dma_wait3A_598 = arith.constant 0 : i32
        %dma_wait3A_599 = tpu.memref_slice %arg5[%dma_wait3A_595, %dma_wait3A_597, %dma_wait3A_598] : memref<8x40x128xf32, #tpu.memory_space<vmem>> -> memref<1x40x128xf32, #tpu.memory_space<vmem>>
        %dma_wait3A_600 = tpu.memref_squeeze %dma_wait3A_599 : memref<1x40x128xf32, #tpu.memory_space<vmem>> -> memref<40x128xf32, #tpu.memory_space<vmem>>
        %dma_wait3A_601 = arith.constant 0 : i32
        %dma_wait3A_602 = arith.constant 0 : i32
        %dma_wait3A_603 = tpu.memref_slice %arg2[%dma_wait3A_601, %dma_wait3A_602] : memref<320000x128xf32, #tpu.memory_space<hbm>> -> memref<40x128xf32, #tpu.memory_space<hbm>>
        %dma_wait3A_604 = tpu.memref_slice %arg9[%dma_wait3A_596] : memref<8x!tpu.dma_semaphore, #tpu.memory_space<semaphore_mem>> -> memref<1x!tpu.dma_semaphore, #tpu.memory_space<semaphore_mem>>
        %dma_wait3A_605 = tpu.memref_squeeze %dma_wait3A_604 : memref<1x!tpu.dma_semaphore, #tpu.memory_space<semaphore_mem>> -> memref<!tpu.dma_semaphore, #tpu.memory_space<semaphore_mem>>
        %dma_wait3A_606 = arith.constant 0 : i32
        %dma_wait3A_607 = arith.constant 0 : i32
        %dma_wait3A_608 = tpu.memref_slice %arg5[%dma_wait3A_595, %dma_wait3A_606, %dma_wait3A_607] : memref<8x40x128xf32, #tpu.memory_space<vmem>> -> memref<1x40x128xf32, #tpu.memory_space<vmem>>
        %dma_wait3A_609 = tpu.memref_squeeze %dma_wait3A_608 : memref<1x40x128xf32, #tpu.memory_space<vmem>> -> memref<40x128xf32, #tpu.memory_space<vmem>>
        %dma_wait3A_610 = arith.constant 0 : i32
        %dma_wait3A_611 = arith.constant 0 : i32
        %dma_wait3A_612 = tpu.memref_slice %arg2[%dma_wait3A_610, %dma_wait3A_611] : memref<320000x128xf32, #tpu.memory_space<hbm>> -> memref<40x128xf32, #tpu.memory_space<hbm>>
        tpu.wait_dma2 semaphore(%dma_wait3A_605 : memref<!tpu.dma_semaphore, #tpu.memory_space<semaphore_mem>>) src(%dma_wait3A_612 : memref<40x128xf32, #tpu.memory_space<hbm>>) dst(%dma_wait3A_609 : memref<40x128xf32, #tpu.memory_space<vmem>>)
        %dma_wait3A_613 = arith.constant 2 : i32
        %dma_wait3A_614 = arith.constant 2 : i32
        %dma_wait3A_615 = arith.constant 0 : i32
        %dma_wait3A_616 = tpu.memref_slice %arg6[%dma_wait3A_613, %dma_wait3A_615] : memref<8x40xi32, #tpu.memory_space<vmem>> -> memref<1x40xi32, #tpu.memory_space<vmem>>
        %dma_wait3A_617 = tpu.memref_squeeze %dma_wait3A_616 : memref<1x40xi32, #tpu.memory_space<vmem>> -> memref<40xi32, #tpu.memory_space<vmem>>
        %dma_wait3A_618 = arith.constant 0 : i32
        %dma_wait3A_619 = tpu.memref_slice %arg3[%dma_wait3A_618] : memref<320000xi32, #tpu.memory_space<hbm>> -> memref<40xi32, #tpu.memory_space<hbm>>
        %dma_wait3A_620 = tpu.memref_slice %arg9[%dma_wait3A_614] : memref<8x!tpu.dma_semaphore, #tpu.memory_space<semaphore_mem>> -> memref<1x!tpu.dma_semaphore, #tpu.memory_space<semaphore_mem>>
        %dma_wait3A_621 = tpu.memref_squeeze %dma_wait3A_620 : memref<1x!tpu.dma_semaphore, #tpu.memory_space<semaphore_mem>> -> memref<!tpu.dma_semaphore, #tpu.memory_space<semaphore_mem>>
        %dma_wait3A_622 = arith.constant 0 : i32
        %dma_wait3A_623 = tpu.memref_slice %arg6[%dma_wait3A_613, %dma_wait3A_622] : memref<8x40xi32, #tpu.memory_space<vmem>> -> memref<1x40xi32, #tpu.memory_space<vmem>>
        %dma_wait3A_624 = tpu.memref_squeeze %dma_wait3A_623 : memref<1x40xi32, #tpu.memory_space<vmem>> -> memref<40xi32, #tpu.memory_space<vmem>>
        %dma_wait3A_625 = arith.constant 0 : i32
        %dma_wait3A_626 = tpu.memref_slice %arg3[%dma_wait3A_625] : memref<320000xi32, #tpu.memory_space<hbm>> -> memref<40xi32, #tpu.memory_space<hbm>>
        tpu.wait_dma2 semaphore(%dma_wait3A_621 : memref<!tpu.dma_semaphore, #tpu.memory_space<semaphore_mem>>) src(%dma_wait3A_626 : memref<40xi32, #tpu.memory_space<hbm>>) dst(%dma_wait3A_624 : memref<40xi32, #tpu.memory_space<vmem>>)
        %dma_start3A_627 = arith.constant 2 : i32
        %dma_start3A_628 = arith.constant 2 : i32
        %dma_start3A_629 = arith.constant 2 : i32
        %dma_start3A_630 = arith.constant 0 : i32
        %dma_start3A_631 = arith.constant 0 : i32
        %dma_start3A_632 = tpu.memref_slice %arg5[%dma_start3A_627, %dma_start3A_630, %dma_start3A_631] : memref<8x40x128xf32, #tpu.memory_space<vmem>> -> memref<1x40x128xf32, #tpu.memory_space<vmem>>
        %dma_start3A_633 = tpu.memref_squeeze %dma_start3A_632 : memref<1x40x128xf32, #tpu.memory_space<vmem>> -> memref<40x128xf32, #tpu.memory_space<vmem>>
        %dma_start3A_634 = arith.constant 0 : i32
        %dma_start3A_635 = tpu.memref_slice %arg6[%dma_start3A_628, %dma_start3A_634] : memref<8x40xi32, #tpu.memory_space<vmem>> -> memref<1x40xi32, #tpu.memory_space<vmem>>
        %dma_start3A_636 = tpu.memref_squeeze %dma_start3A_635 : memref<1x40xi32, #tpu.memory_space<vmem>> -> memref<40xi32, #tpu.memory_space<vmem>>
        %dma_start3A_637 = arith.constant 0 : i32
        %dma_start3A_638 = arith.constant 0 : i32
        %dma_start3A_639 = tpu.memref_slice %arg8[%dma_start3A_637, %dma_start3A_638] : memref<10240x128xf32, #tpu.memory_space<vmem_shared>> -> memref<10240x128xf32, #tpu.memory_space<vmem_shared>>
        %dma_start3A_640 = tpu.memref_slice %arg10[%dma_start3A_629] : memref<8x!tpu.dma_semaphore, #tpu.memory_space<semaphore_mem>> -> memref<1x!tpu.dma_semaphore, #tpu.memory_space<semaphore_mem>>
        %dma_start3A_641 = tpu.memref_squeeze %dma_start3A_640 : memref<1x!tpu.dma_semaphore, #tpu.memory_space<semaphore_mem>> -> memref<!tpu.dma_semaphore, #tpu.memory_space<semaphore_mem>>
        tpu.enqueue_indirect_dma source(%dma_start3A_633 : memref<40x128xf32, #tpu.memory_space<vmem>>) target(%dma_start3A_639 : memref<10240x128xf32, #tpu.memory_space<vmem_shared>>) offsets(%dma_start3A_636 : memref<40xi32, #tpu.memory_space<vmem>>) semaphore(%dma_start3A_641 : memref<!tpu.dma_semaphore, #tpu.memory_space<semaphore_mem>>) {add = true}
      } else {
      }
      %sub3A_488 = arith.constant 1 : i32
      %sub3A_489 = arith.subi %add3A_482, %sub3A_488 : i32
      %add3A_490 = arith.constant 8 : i32
      %add3A_491 = arith.addi %sub3A_489, %add3A_490 : i32
      %ge3A_492 = arith.constant 1 : i32
      %ge3A_493 = arith.cmpi sge, %add3A_482, %ge3A_492 : i32
      %lt3A_494 = arith.constant 250 : i32
      %lt3A_495 = arith.cmpi slt, %add3A_491, %lt3A_494 : i32
      %and3A_496 = arith.andi %ge3A_493, %lt3A_495 : i1
      %convert_element_type3A_497 = arith.extui %and3A_496 : i1 to i32
      %cond3A_498 = arith.constant 0 : i32
      %cond3A_499 = arith.cmpi ne, %convert_element_type3A_497, %cond3A_498 : i32
      scf.if %cond3A_499 {
        %dma_wait3A_595 = arith.constant 1 : i32
        %dma_wait3A_596 = arith.constant 1 : i32
        %dma_wait3A_597 = arith.constant 1 : i32
        %dma_wait3A_598 = arith.constant 0 : i32
        %dma_wait3A_599 = arith.constant 0 : i32
        %dma_wait3A_600 = tpu.memref_slice %arg5[%dma_wait3A_595, %dma_wait3A_598, %dma_wait3A_599] : memref<8x40x128xf32, #tpu.memory_space<vmem>> -> memref<1x40x128xf32, #tpu.memory_space<vmem>>
        %dma_wait3A_601 = tpu.memref_squeeze %dma_wait3A_600 : memref<1x40x128xf32, #tpu.memory_space<vmem>> -> memref<40x128xf32, #tpu.memory_space<vmem>>
        %dma_wait3A_602 = arith.constant 0 : i32
        %dma_wait3A_603 = tpu.memref_slice %arg6[%dma_wait3A_596, %dma_wait3A_602] : memref<8x40xi32, #tpu.memory_space<vmem>> -> memref<1x40xi32, #tpu.memory_space<vmem>>
        %dma_wait3A_604 = tpu.memref_squeeze %dma_wait3A_603 : memref<1x40xi32, #tpu.memory_space<vmem>> -> memref<40xi32, #tpu.memory_space<vmem>>
        %dma_wait3A_605 = arith.constant 0 : i32
        %dma_wait3A_606 = arith.constant 0 : i32
        %dma_wait3A_607 = tpu.memref_slice %arg8[%dma_wait3A_605, %dma_wait3A_606] : memref<10240x128xf32, #tpu.memory_space<vmem_shared>> -> memref<10240x128xf32, #tpu.memory_space<vmem_shared>>
        %dma_wait3A_608 = tpu.memref_slice %arg10[%dma_wait3A_597] : memref<8x!tpu.dma_semaphore, #tpu.memory_space<semaphore_mem>> -> memref<1x!tpu.dma_semaphore, #tpu.memory_space<semaphore_mem>>
        %dma_wait3A_609 = tpu.memref_squeeze %dma_wait3A_608 : memref<1x!tpu.dma_semaphore, #tpu.memory_space<semaphore_mem>> -> memref<!tpu.dma_semaphore, #tpu.memory_space<semaphore_mem>>
        tpu.wait_indirect_dma semaphore(%dma_wait3A_609 : memref<!tpu.dma_semaphore, #tpu.memory_space<semaphore_mem>>) src(%dma_wait3A_601 : memref<40x128xf32, #tpu.memory_space<vmem>>) dst(%dma_wait3A_607 : memref<10240x128xf32, #tpu.memory_space<vmem_shared>>)
        %mul3A_610 = arith.constant 40 : i32
        %mul3A_611 = arith.muli %add3A_491, %mul3A_610 : i32
        %add3A_612 = arith.addi %mul3A_2, %mul3A_611 : i32
        %dma_start3A_613 = arith.constant 1 : i32
        %dma_start3A_614 = arith.constant 1 : i32
        %dma_start3A_615 = arith.constant 0 : i32
        %dma_start3A_616 = arith.constant 0 : i32
        %dma_start3A_617 = tpu.memref_slice %arg5[%dma_start3A_613, %dma_start3A_615, %dma_start3A_616] : memref<8x40x128xf32, #tpu.memory_space<vmem>> -> memref<1x40x128xf32, #tpu.memory_space<vmem>>
        %dma_start3A_618 = tpu.memref_squeeze %dma_start3A_617 : memref<1x40x128xf32, #tpu.memory_space<vmem>> -> memref<40x128xf32, #tpu.memory_space<vmem>>
        %dma_start3A_619 = arith.constant 0 : i32
        %dma_start3A_620 = tpu.memref_slice %arg2[%add3A_612, %dma_start3A_619] : memref<320000x128xf32, #tpu.memory_space<hbm>> -> memref<40x128xf32, #tpu.memory_space<hbm>>
        %dma_start3A_621 = tpu.memref_slice %arg9[%dma_start3A_614] : memref<8x!tpu.dma_semaphore, #tpu.memory_space<semaphore_mem>> -> memref<1x!tpu.dma_semaphore, #tpu.memory_space<semaphore_mem>>
        %dma_start3A_622 = tpu.memref_squeeze %dma_start3A_621 : memref<1x!tpu.dma_semaphore, #tpu.memory_space<semaphore_mem>> -> memref<!tpu.dma_semaphore, #tpu.memory_space<semaphore_mem>>
        %dma_start3A_623 = arith.constant 0 : i32
        %dma_start3A_624 = arith.constant 0 : i32
        %dma_start3A_625 = tpu.memref_slice %arg5[%dma_start3A_613, %dma_start3A_623, %dma_start3A_624] : memref<8x40x128xf32, #tpu.memory_space<vmem>> -> memref<1x40x128xf32, #tpu.memory_space<vmem>>
        %dma_start3A_626 = tpu.memref_squeeze %dma_start3A_625 : memref<1x40x128xf32, #tpu.memory_space<vmem>> -> memref<40x128xf32, #tpu.memory_space<vmem>>
        %dma_start3A_627 = arith.constant 0 : i32
        %dma_start3A_628 = tpu.memref_slice %arg2[%add3A_612, %dma_start3A_627] : memref<320000x128xf32, #tpu.memory_space<hbm>> -> memref<40x128xf32, #tpu.memory_space<hbm>>
        tpu.enqueue_dma source(%dma_start3A_628 : memref<40x128xf32, #tpu.memory_space<hbm>>) target(%dma_start3A_626 : memref<40x128xf32, #tpu.memory_space<vmem>>) target_semaphore(%dma_start3A_622 : memref<!tpu.dma_semaphore, #tpu.memory_space<semaphore_mem>>)
        %dma_start3A_629 = arith.constant 1 : i32
        %dma_start3A_630 = arith.constant 1 : i32
        %dma_start3A_631 = arith.constant 0 : i32
        %dma_start3A_632 = tpu.memref_slice %arg6[%dma_start3A_629, %dma_start3A_631] : memref<8x40xi32, #tpu.memory_space<vmem>> -> memref<1x40xi32, #tpu.memory_space<vmem>>
        %dma_start3A_633 = tpu.memref_squeeze %dma_start3A_632 : memref<1x40xi32, #tpu.memory_space<vmem>> -> memref<40xi32, #tpu.memory_space<vmem>>
        %dma_start3A_634 = tpu.memref_slice %arg3[%add3A_612] : memref<320000xi32, #tpu.memory_space<hbm>> -> memref<40xi32, #tpu.memory_space<hbm>>
        %dma_start3A_635 = tpu.memref_slice %arg9[%dma_start3A_630] : memref<8x!tpu.dma_semaphore, #tpu.memory_space<semaphore_mem>> -> memref<1x!tpu.dma_semaphore, #tpu.memory_space<semaphore_mem>>
        %dma_start3A_636 = tpu.memref_squeeze %dma_start3A_635 : memref<1x!tpu.dma_semaphore, #tpu.memory_space<semaphore_mem>> -> memref<!tpu.dma_semaphore, #tpu.memory_space<semaphore_mem>>
        %dma_start3A_637 = arith.constant 0 : i32
        %dma_start3A_638 = tpu.memref_slice %arg6[%dma_start3A_629, %dma_start3A_637] : memref<8x40xi32, #tpu.memory_space<vmem>> -> memref<1x40xi32, #tpu.memory_space<vmem>>
        %dma_start3A_639 = tpu.memref_squeeze %dma_start3A_638 : memref<1x40xi32, #tpu.memory_space<vmem>> -> memref<40xi32, #tpu.memory_space<vmem>>
        %dma_start3A_640 = tpu.memref_slice %arg3[%add3A_612] : memref<320000xi32, #tpu.memory_space<hbm>> -> memref<40xi32, #tpu.memory_space<hbm>>
        tpu.enqueue_dma source(%dma_start3A_640 : memref<40xi32, #tpu.memory_space<hbm>>) target(%dma_start3A_639 : memref<40xi32, #tpu.memory_space<vmem>>) target_semaphore(%dma_start3A_636 : memref<!tpu.dma_semaphore, #tpu.memory_space<semaphore_mem>>)
      } else {
      }
      %add3A_500 = arith.constant 3 : i32
      %add3A_501 = arith.addi %add3A_448, %add3A_500 : i32
      %lt3A_502 = arith.constant 250 : i32
      %lt3A_503 = arith.cmpi slt, %add3A_501, %lt3A_502 : i32
      %convert_element_type3A_504 = arith.extui %lt3A_503 : i1 to i32
      %cond3A_505 = arith.constant 0 : i32
      %cond3A_506 = arith.cmpi ne, %convert_element_type3A_504, %cond3A_505 : i32
      scf.if %cond3A_506 {
        %dma_wait3A_595 = arith.constant 3 : i32
        %dma_wait3A_596 = arith.constant 3 : i32
        %dma_wait3A_597 = arith.constant 0 : i32
        %dma_wait3A_598 = arith.constant 0 : i32
        %dma_wait3A_599 = tpu.memref_slice %arg5[%dma_wait3A_595, %dma_wait3A_597, %dma_wait3A_598] : memref<8x40x128xf32, #tpu.memory_space<vmem>> -> memref<1x40x128xf32, #tpu.memory_space<vmem>>
        %dma_wait3A_600 = tpu.memref_squeeze %dma_wait3A_599 : memref<1x40x128xf32, #tpu.memory_space<vmem>> -> memref<40x128xf32, #tpu.memory_space<vmem>>
        %dma_wait3A_601 = arith.constant 0 : i32
        %dma_wait3A_602 = arith.constant 0 : i32
        %dma_wait3A_603 = tpu.memref_slice %arg2[%dma_wait3A_601, %dma_wait3A_602] : memref<320000x128xf32, #tpu.memory_space<hbm>> -> memref<40x128xf32, #tpu.memory_space<hbm>>
        %dma_wait3A_604 = tpu.memref_slice %arg9[%dma_wait3A_596] : memref<8x!tpu.dma_semaphore, #tpu.memory_space<semaphore_mem>> -> memref<1x!tpu.dma_semaphore, #tpu.memory_space<semaphore_mem>>
        %dma_wait3A_605 = tpu.memref_squeeze %dma_wait3A_604 : memref<1x!tpu.dma_semaphore, #tpu.memory_space<semaphore_mem>> -> memref<!tpu.dma_semaphore, #tpu.memory_space<semaphore_mem>>
        %dma_wait3A_606 = arith.constant 0 : i32
        %dma_wait3A_607 = arith.constant 0 : i32
        %dma_wait3A_608 = tpu.memref_slice %arg5[%dma_wait3A_595, %dma_wait3A_606, %dma_wait3A_607] : memref<8x40x128xf32, #tpu.memory_space<vmem>> -> memref<1x40x128xf32, #tpu.memory_space<vmem>>
        %dma_wait3A_609 = tpu.memref_squeeze %dma_wait3A_608 : memref<1x40x128xf32, #tpu.memory_space<vmem>> -> memref<40x128xf32, #tpu.memory_space<vmem>>
        %dma_wait3A_610 = arith.constant 0 : i32
        %dma_wait3A_611 = arith.constant 0 : i32
        %dma_wait3A_612 = tpu.memref_slice %arg2[%dma_wait3A_610, %dma_wait3A_611] : memref<320000x128xf32, #tpu.memory_space<hbm>> -> memref<40x128xf32, #tpu.memory_space<hbm>>
        tpu.wait_dma2 semaphore(%dma_wait3A_605 : memref<!tpu.dma_semaphore, #tpu.memory_space<semaphore_mem>>) src(%dma_wait3A_612 : memref<40x128xf32, #tpu.memory_space<hbm>>) dst(%dma_wait3A_609 : memref<40x128xf32, #tpu.memory_space<vmem>>)
        %dma_wait3A_613 = arith.constant 3 : i32
        %dma_wait3A_614 = arith.constant 3 : i32
        %dma_wait3A_615 = arith.constant 0 : i32
        %dma_wait3A_616 = tpu.memref_slice %arg6[%dma_wait3A_613, %dma_wait3A_615] : memref<8x40xi32, #tpu.memory_space<vmem>> -> memref<1x40xi32, #tpu.memory_space<vmem>>
        %dma_wait3A_617 = tpu.memref_squeeze %dma_wait3A_616 : memref<1x40xi32, #tpu.memory_space<vmem>> -> memref<40xi32, #tpu.memory_space<vmem>>
        %dma_wait3A_618 = arith.constant 0 : i32
        %dma_wait3A_619 = tpu.memref_slice %arg3[%dma_wait3A_618] : memref<320000xi32, #tpu.memory_space<hbm>> -> memref<40xi32, #tpu.memory_space<hbm>>
        %dma_wait3A_620 = tpu.memref_slice %arg9[%dma_wait3A_614] : memref<8x!tpu.dma_semaphore, #tpu.memory_space<semaphore_mem>> -> memref<1x!tpu.dma_semaphore, #tpu.memory_space<semaphore_mem>>
        %dma_wait3A_621 = tpu.memref_squeeze %dma_wait3A_620 : memref<1x!tpu.dma_semaphore, #tpu.memory_space<semaphore_mem>> -> memref<!tpu.dma_semaphore, #tpu.memory_space<semaphore_mem>>
        %dma_wait3A_622 = arith.constant 0 : i32
        %dma_wait3A_623 = tpu.memref_slice %arg6[%dma_wait3A_613, %dma_wait3A_622] : memref<8x40xi32, #tpu.memory_space<vmem>> -> memref<1x40xi32, #tpu.memory_space<vmem>>
        %dma_wait3A_624 = tpu.memref_squeeze %dma_wait3A_623 : memref<1x40xi32, #tpu.memory_space<vmem>> -> memref<40xi32, #tpu.memory_space<vmem>>
        %dma_wait3A_625 = arith.constant 0 : i32
        %dma_wait3A_626 = tpu.memref_slice %arg3[%dma_wait3A_625] : memref<320000xi32, #tpu.memory_space<hbm>> -> memref<40xi32, #tpu.memory_space<hbm>>
        tpu.wait_dma2 semaphore(%dma_wait3A_621 : memref<!tpu.dma_semaphore, #tpu.memory_space<semaphore_mem>>) src(%dma_wait3A_626 : memref<40xi32, #tpu.memory_space<hbm>>) dst(%dma_wait3A_624 : memref<40xi32, #tpu.memory_space<vmem>>)
        %dma_start3A_627 = arith.constant 3 : i32
        %dma_start3A_628 = arith.constant 3 : i32
        %dma_start3A_629 = arith.constant 3 : i32
        %dma_start3A_630 = arith.constant 0 : i32
        %dma_start3A_631 = arith.constant 0 : i32
        %dma_start3A_632 = tpu.memref_slice %arg5[%dma_start3A_627, %dma_start3A_630, %dma_start3A_631] : memref<8x40x128xf32, #tpu.memory_space<vmem>> -> memref<1x40x128xf32, #tpu.memory_space<vmem>>
        %dma_start3A_633 = tpu.memref_squeeze %dma_start3A_632 : memref<1x40x128xf32, #tpu.memory_space<vmem>> -> memref<40x128xf32, #tpu.memory_space<vmem>>
        %dma_start3A_634 = arith.constant 0 : i32
        %dma_start3A_635 = tpu.memref_slice %arg6[%dma_start3A_628, %dma_start3A_634] : memref<8x40xi32, #tpu.memory_space<vmem>> -> memref<1x40xi32, #tpu.memory_space<vmem>>
        %dma_start3A_636 = tpu.memref_squeeze %dma_start3A_635 : memref<1x40xi32, #tpu.memory_space<vmem>> -> memref<40xi32, #tpu.memory_space<vmem>>
        %dma_start3A_637 = arith.constant 0 : i32
        %dma_start3A_638 = arith.constant 0 : i32
        %dma_start3A_639 = tpu.memref_slice %arg8[%dma_start3A_637, %dma_start3A_638] : memref<10240x128xf32, #tpu.memory_space<vmem_shared>> -> memref<10240x128xf32, #tpu.memory_space<vmem_shared>>
        %dma_start3A_640 = tpu.memref_slice %arg10[%dma_start3A_629] : memref<8x!tpu.dma_semaphore, #tpu.memory_space<semaphore_mem>> -> memref<1x!tpu.dma_semaphore, #tpu.memory_space<semaphore_mem>>
        %dma_start3A_641 = tpu.memref_squeeze %dma_start3A_640 : memref<1x!tpu.dma_semaphore, #tpu.memory_space<semaphore_mem>> -> memref<!tpu.dma_semaphore, #tpu.memory_space<semaphore_mem>>
        tpu.enqueue_indirect_dma source(%dma_start3A_633 : memref<40x128xf32, #tpu.memory_space<vmem>>) target(%dma_start3A_639 : memref<10240x128xf32, #tpu.memory_space<vmem_shared>>) offsets(%dma_start3A_636 : memref<40xi32, #tpu.memory_space<vmem>>) semaphore(%dma_start3A_641 : memref<!tpu.dma_semaphore, #tpu.memory_space<semaphore_mem>>) {add = true}
      } else {
      }
      %sub3A_507 = arith.constant 1 : i32
      %sub3A_508 = arith.subi %add3A_501, %sub3A_507 : i32
      %add3A_509 = arith.constant 8 : i32
      %add3A_510 = arith.addi %sub3A_508, %add3A_509 : i32
      %ge3A_511 = arith.constant 1 : i32
      %ge3A_512 = arith.cmpi sge, %add3A_501, %ge3A_511 : i32
      %lt3A_513 = arith.constant 250 : i32
      %lt3A_514 = arith.cmpi slt, %add3A_510, %lt3A_513 : i32
      %and3A_515 = arith.andi %ge3A_512, %lt3A_514 : i1
      %convert_element_type3A_516 = arith.extui %and3A_515 : i1 to i32
      %cond3A_517 = arith.constant 0 : i32
      %cond3A_518 = arith.cmpi ne, %convert_element_type3A_516, %cond3A_517 : i32
      scf.if %cond3A_518 {
        %dma_wait3A_595 = arith.constant 2 : i32
        %dma_wait3A_596 = arith.constant 2 : i32
        %dma_wait3A_597 = arith.constant 2 : i32
        %dma_wait3A_598 = arith.constant 0 : i32
        %dma_wait3A_599 = arith.constant 0 : i32
        %dma_wait3A_600 = tpu.memref_slice %arg5[%dma_wait3A_595, %dma_wait3A_598, %dma_wait3A_599] : memref<8x40x128xf32, #tpu.memory_space<vmem>> -> memref<1x40x128xf32, #tpu.memory_space<vmem>>
        %dma_wait3A_601 = tpu.memref_squeeze %dma_wait3A_600 : memref<1x40x128xf32, #tpu.memory_space<vmem>> -> memref<40x128xf32, #tpu.memory_space<vmem>>
        %dma_wait3A_602 = arith.constant 0 : i32
        %dma_wait3A_603 = tpu.memref_slice %arg6[%dma_wait3A_596, %dma_wait3A_602] : memref<8x40xi32, #tpu.memory_space<vmem>> -> memref<1x40xi32, #tpu.memory_space<vmem>>
        %dma_wait3A_604 = tpu.memref_squeeze %dma_wait3A_603 : memref<1x40xi32, #tpu.memory_space<vmem>> -> memref<40xi32, #tpu.memory_space<vmem>>
        %dma_wait3A_605 = arith.constant 0 : i32
        %dma_wait3A_606 = arith.constant 0 : i32
        %dma_wait3A_607 = tpu.memref_slice %arg8[%dma_wait3A_605, %dma_wait3A_606] : memref<10240x128xf32, #tpu.memory_space<vmem_shared>> -> memref<10240x128xf32, #tpu.memory_space<vmem_shared>>
        %dma_wait3A_608 = tpu.memref_slice %arg10[%dma_wait3A_597] : memref<8x!tpu.dma_semaphore, #tpu.memory_space<semaphore_mem>> -> memref<1x!tpu.dma_semaphore, #tpu.memory_space<semaphore_mem>>
        %dma_wait3A_609 = tpu.memref_squeeze %dma_wait3A_608 : memref<1x!tpu.dma_semaphore, #tpu.memory_space<semaphore_mem>> -> memref<!tpu.dma_semaphore, #tpu.memory_space<semaphore_mem>>
        tpu.wait_indirect_dma semaphore(%dma_wait3A_609 : memref<!tpu.dma_semaphore, #tpu.memory_space<semaphore_mem>>) src(%dma_wait3A_601 : memref<40x128xf32, #tpu.memory_space<vmem>>) dst(%dma_wait3A_607 : memref<10240x128xf32, #tpu.memory_space<vmem_shared>>)
        %mul3A_610 = arith.constant 40 : i32
        %mul3A_611 = arith.muli %add3A_510, %mul3A_610 : i32
        %add3A_612 = arith.addi %mul3A_2, %mul3A_611 : i32
        %dma_start3A_613 = arith.constant 2 : i32
        %dma_start3A_614 = arith.constant 2 : i32
        %dma_start3A_615 = arith.constant 0 : i32
        %dma_start3A_616 = arith.constant 0 : i32
        %dma_start3A_617 = tpu.memref_slice %arg5[%dma_start3A_613, %dma_start3A_615, %dma_start3A_616] : memref<8x40x128xf32, #tpu.memory_space<vmem>> -> memref<1x40x128xf32, #tpu.memory_space<vmem>>
        %dma_start3A_618 = tpu.memref_squeeze %dma_start3A_617 : memref<1x40x128xf32, #tpu.memory_space<vmem>> -> memref<40x128xf32, #tpu.memory_space<vmem>>
        %dma_start3A_619 = arith.constant 0 : i32
        %dma_start3A_620 = tpu.memref_slice %arg2[%add3A_612, %dma_start3A_619] : memref<320000x128xf32, #tpu.memory_space<hbm>> -> memref<40x128xf32, #tpu.memory_space<hbm>>
        %dma_start3A_621 = tpu.memref_slice %arg9[%dma_start3A_614] : memref<8x!tpu.dma_semaphore, #tpu.memory_space<semaphore_mem>> -> memref<1x!tpu.dma_semaphore, #tpu.memory_space<semaphore_mem>>
        %dma_start3A_622 = tpu.memref_squeeze %dma_start3A_621 : memref<1x!tpu.dma_semaphore, #tpu.memory_space<semaphore_mem>> -> memref<!tpu.dma_semaphore, #tpu.memory_space<semaphore_mem>>
        %dma_start3A_623 = arith.constant 0 : i32
        %dma_start3A_624 = arith.constant 0 : i32
        %dma_start3A_625 = tpu.memref_slice %arg5[%dma_start3A_613, %dma_start3A_623, %dma_start3A_624] : memref<8x40x128xf32, #tpu.memory_space<vmem>> -> memref<1x40x128xf32, #tpu.memory_space<vmem>>
        %dma_start3A_626 = tpu.memref_squeeze %dma_start3A_625 : memref<1x40x128xf32, #tpu.memory_space<vmem>> -> memref<40x128xf32, #tpu.memory_space<vmem>>
        %dma_start3A_627 = arith.constant 0 : i32
        %dma_start3A_628 = tpu.memref_slice %arg2[%add3A_612, %dma_start3A_627] : memref<320000x128xf32, #tpu.memory_space<hbm>> -> memref<40x128xf32, #tpu.memory_space<hbm>>
        tpu.enqueue_dma source(%dma_start3A_628 : memref<40x128xf32, #tpu.memory_space<hbm>>) target(%dma_start3A_626 : memref<40x128xf32, #tpu.memory_space<vmem>>) target_semaphore(%dma_start3A_622 : memref<!tpu.dma_semaphore, #tpu.memory_space<semaphore_mem>>)
        %dma_start3A_629 = arith.constant 2 : i32
        %dma_start3A_630 = arith.constant 2 : i32
        %dma_start3A_631 = arith.constant 0 : i32
        %dma_start3A_632 = tpu.memref_slice %arg6[%dma_start3A_629, %dma_start3A_631] : memref<8x40xi32, #tpu.memory_space<vmem>> -> memref<1x40xi32, #tpu.memory_space<vmem>>
        %dma_start3A_633 = tpu.memref_squeeze %dma_start3A_632 : memref<1x40xi32, #tpu.memory_space<vmem>> -> memref<40xi32, #tpu.memory_space<vmem>>
        %dma_start3A_634 = tpu.memref_slice %arg3[%add3A_612] : memref<320000xi32, #tpu.memory_space<hbm>> -> memref<40xi32, #tpu.memory_space<hbm>>
        %dma_start3A_635 = tpu.memref_slice %arg9[%dma_start3A_630] : memref<8x!tpu.dma_semaphore, #tpu.memory_space<semaphore_mem>> -> memref<1x!tpu.dma_semaphore, #tpu.memory_space<semaphore_mem>>
        %dma_start3A_636 = tpu.memref_squeeze %dma_start3A_635 : memref<1x!tpu.dma_semaphore, #tpu.memory_space<semaphore_mem>> -> memref<!tpu.dma_semaphore, #tpu.memory_space<semaphore_mem>>
        %dma_start3A_637 = arith.constant 0 : i32
        %dma_start3A_638 = tpu.memref_slice %arg6[%dma_start3A_629, %dma_start3A_637] : memref<8x40xi32, #tpu.memory_space<vmem>> -> memref<1x40xi32, #tpu.memory_space<vmem>>
        %dma_start3A_639 = tpu.memref_squeeze %dma_start3A_638 : memref<1x40xi32, #tpu.memory_space<vmem>> -> memref<40xi32, #tpu.memory_space<vmem>>
        %dma_start3A_640 = tpu.memref_slice %arg3[%add3A_612] : memref<320000xi32, #tpu.memory_space<hbm>> -> memref<40xi32, #tpu.memory_space<hbm>>
        tpu.enqueue_dma source(%dma_start3A_640 : memref<40xi32, #tpu.memory_space<hbm>>) target(%dma_start3A_639 : memref<40xi32, #tpu.memory_space<vmem>>) target_semaphore(%dma_start3A_636 : memref<!tpu.dma_semaphore, #tpu.memory_space<semaphore_mem>>)
      } else {
      }
      %add3A_519 = arith.constant 4 : i32
      %add3A_520 = arith.addi %add3A_448, %add3A_519 : i32
      %lt3A_521 = arith.constant 250 : i32
      %lt3A_522 = arith.cmpi slt, %add3A_520, %lt3A_521 : i32
      %convert_element_type3A_523 = arith.extui %lt3A_522 : i1 to i32
      %cond3A_524 = arith.constant 0 : i32
      %cond3A_525 = arith.cmpi ne, %convert_element_type3A_523, %cond3A_524 : i32
      scf.if %cond3A_525 {
        %dma_wait3A_595 = arith.constant 4 : i32
        %dma_wait3A_596 = arith.constant 4 : i32
        %dma_wait3A_597 = arith.constant 0 : i32
        %dma_wait3A_598 = arith.constant 0 : i32
        %dma_wait3A_599 = tpu.memref_slice %arg5[%dma_wait3A_595, %dma_wait3A_597, %dma_wait3A_598] : memref<8x40x128xf32, #tpu.memory_space<vmem>> -> memref<1x40x128xf32, #tpu.memory_space<vmem>>
        %dma_wait3A_600 = tpu.memref_squeeze %dma_wait3A_599 : memref<1x40x128xf32, #tpu.memory_space<vmem>> -> memref<40x128xf32, #tpu.memory_space<vmem>>
        %dma_wait3A_601 = arith.constant 0 : i32
        %dma_wait3A_602 = arith.constant 0 : i32
        %dma_wait3A_603 = tpu.memref_slice %arg2[%dma_wait3A_601, %dma_wait3A_602] : memref<320000x128xf32, #tpu.memory_space<hbm>> -> memref<40x128xf32, #tpu.memory_space<hbm>>
        %dma_wait3A_604 = tpu.memref_slice %arg9[%dma_wait3A_596] : memref<8x!tpu.dma_semaphore, #tpu.memory_space<semaphore_mem>> -> memref<1x!tpu.dma_semaphore, #tpu.memory_space<semaphore_mem>>
        %dma_wait3A_605 = tpu.memref_squeeze %dma_wait3A_604 : memref<1x!tpu.dma_semaphore, #tpu.memory_space<semaphore_mem>> -> memref<!tpu.dma_semaphore, #tpu.memory_space<semaphore_mem>>
        %dma_wait3A_606 = arith.constant 0 : i32
        %dma_wait3A_607 = arith.constant 0 : i32
        %dma_wait3A_608 = tpu.memref_slice %arg5[%dma_wait3A_595, %dma_wait3A_606, %dma_wait3A_607] : memref<8x40x128xf32, #tpu.memory_space<vmem>> -> memref<1x40x128xf32, #tpu.memory_space<vmem>>
        %dma_wait3A_609 = tpu.memref_squeeze %dma_wait3A_608 : memref<1x40x128xf32, #tpu.memory_space<vmem>> -> memref<40x128xf32, #tpu.memory_space<vmem>>
        %dma_wait3A_610 = arith.constant 0 : i32
        %dma_wait3A_611 = arith.constant 0 : i32
        %dma_wait3A_612 = tpu.memref_slice %arg2[%dma_wait3A_610, %dma_wait3A_611] : memref<320000x128xf32, #tpu.memory_space<hbm>> -> memref<40x128xf32, #tpu.memory_space<hbm>>
        tpu.wait_dma2 semaphore(%dma_wait3A_605 : memref<!tpu.dma_semaphore, #tpu.memory_space<semaphore_mem>>) src(%dma_wait3A_612 : memref<40x128xf32, #tpu.memory_space<hbm>>) dst(%dma_wait3A_609 : memref<40x128xf32, #tpu.memory_space<vmem>>)
        %dma_wait3A_613 = arith.constant 4 : i32
        %dma_wait3A_614 = arith.constant 4 : i32
        %dma_wait3A_615 = arith.constant 0 : i32
        %dma_wait3A_616 = tpu.memref_slice %arg6[%dma_wait3A_613, %dma_wait3A_615] : memref<8x40xi32, #tpu.memory_space<vmem>> -> memref<1x40xi32, #tpu.memory_space<vmem>>
        %dma_wait3A_617 = tpu.memref_squeeze %dma_wait3A_616 : memref<1x40xi32, #tpu.memory_space<vmem>> -> memref<40xi32, #tpu.memory_space<vmem>>
        %dma_wait3A_618 = arith.constant 0 : i32
        %dma_wait3A_619 = tpu.memref_slice %arg3[%dma_wait3A_618] : memref<320000xi32, #tpu.memory_space<hbm>> -> memref<40xi32, #tpu.memory_space<hbm>>
        %dma_wait3A_620 = tpu.memref_slice %arg9[%dma_wait3A_614] : memref<8x!tpu.dma_semaphore, #tpu.memory_space<semaphore_mem>> -> memref<1x!tpu.dma_semaphore, #tpu.memory_space<semaphore_mem>>
        %dma_wait3A_621 = tpu.memref_squeeze %dma_wait3A_620 : memref<1x!tpu.dma_semaphore, #tpu.memory_space<semaphore_mem>> -> memref<!tpu.dma_semaphore, #tpu.memory_space<semaphore_mem>>
        %dma_wait3A_622 = arith.constant 0 : i32
        %dma_wait3A_623 = tpu.memref_slice %arg6[%dma_wait3A_613, %dma_wait3A_622] : memref<8x40xi32, #tpu.memory_space<vmem>> -> memref<1x40xi32, #tpu.memory_space<vmem>>
        %dma_wait3A_624 = tpu.memref_squeeze %dma_wait3A_623 : memref<1x40xi32, #tpu.memory_space<vmem>> -> memref<40xi32, #tpu.memory_space<vmem>>
        %dma_wait3A_625 = arith.constant 0 : i32
        %dma_wait3A_626 = tpu.memref_slice %arg3[%dma_wait3A_625] : memref<320000xi32, #tpu.memory_space<hbm>> -> memref<40xi32, #tpu.memory_space<hbm>>
        tpu.wait_dma2 semaphore(%dma_wait3A_621 : memref<!tpu.dma_semaphore, #tpu.memory_space<semaphore_mem>>) src(%dma_wait3A_626 : memref<40xi32, #tpu.memory_space<hbm>>) dst(%dma_wait3A_624 : memref<40xi32, #tpu.memory_space<vmem>>)
        %dma_start3A_627 = arith.constant 4 : i32
        %dma_start3A_628 = arith.constant 4 : i32
        %dma_start3A_629 = arith.constant 4 : i32
        %dma_start3A_630 = arith.constant 0 : i32
        %dma_start3A_631 = arith.constant 0 : i32
        %dma_start3A_632 = tpu.memref_slice %arg5[%dma_start3A_627, %dma_start3A_630, %dma_start3A_631] : memref<8x40x128xf32, #tpu.memory_space<vmem>> -> memref<1x40x128xf32, #tpu.memory_space<vmem>>
        %dma_start3A_633 = tpu.memref_squeeze %dma_start3A_632 : memref<1x40x128xf32, #tpu.memory_space<vmem>> -> memref<40x128xf32, #tpu.memory_space<vmem>>
        %dma_start3A_634 = arith.constant 0 : i32
        %dma_start3A_635 = tpu.memref_slice %arg6[%dma_start3A_628, %dma_start3A_634] : memref<8x40xi32, #tpu.memory_space<vmem>> -> memref<1x40xi32, #tpu.memory_space<vmem>>
        %dma_start3A_636 = tpu.memref_squeeze %dma_start3A_635 : memref<1x40xi32, #tpu.memory_space<vmem>> -> memref<40xi32, #tpu.memory_space<vmem>>
        %dma_start3A_637 = arith.constant 0 : i32
        %dma_start3A_638 = arith.constant 0 : i32
        %dma_start3A_639 = tpu.memref_slice %arg8[%dma_start3A_637, %dma_start3A_638] : memref<10240x128xf32, #tpu.memory_space<vmem_shared>> -> memref<10240x128xf32, #tpu.memory_space<vmem_shared>>
        %dma_start3A_640 = tpu.memref_slice %arg10[%dma_start3A_629] : memref<8x!tpu.dma_semaphore, #tpu.memory_space<semaphore_mem>> -> memref<1x!tpu.dma_semaphore, #tpu.memory_space<semaphore_mem>>
        %dma_start3A_641 = tpu.memref_squeeze %dma_start3A_640 : memref<1x!tpu.dma_semaphore, #tpu.memory_space<semaphore_mem>> -> memref<!tpu.dma_semaphore, #tpu.memory_space<semaphore_mem>>
        tpu.enqueue_indirect_dma source(%dma_start3A_633 : memref<40x128xf32, #tpu.memory_space<vmem>>) target(%dma_start3A_639 : memref<10240x128xf32, #tpu.memory_space<vmem_shared>>) offsets(%dma_start3A_636 : memref<40xi32, #tpu.memory_space<vmem>>) semaphore(%dma_start3A_641 : memref<!tpu.dma_semaphore, #tpu.memory_space<semaphore_mem>>) {add = true}
      } else {
      }
      %sub3A_526 = arith.constant 1 : i32
      %sub3A_527 = arith.subi %add3A_520, %sub3A_526 : i32
      %add3A_528 = arith.constant 8 : i32
      %add3A_529 = arith.addi %sub3A_527, %add3A_528 : i32
      %ge3A_530 = arith.constant 1 : i32
      %ge3A_531 = arith.cmpi sge, %add3A_520, %ge3A_530 : i32
      %lt3A_532 = arith.constant 250 : i32
      %lt3A_533 = arith.cmpi slt, %add3A_529, %lt3A_532 : i32
      %and3A_534 = arith.andi %ge3A_531, %lt3A_533 : i1
      %convert_element_type3A_535 = arith.extui %and3A_534 : i1 to i32
      %cond3A_536 = arith.constant 0 : i32
      %cond3A_537 = arith.cmpi ne, %convert_element_type3A_535, %cond3A_536 : i32
      scf.if %cond3A_537 {
        %dma_wait3A_595 = arith.constant 3 : i32
        %dma_wait3A_596 = arith.constant 3 : i32
        %dma_wait3A_597 = arith.constant 3 : i32
        %dma_wait3A_598 = arith.constant 0 : i32
        %dma_wait3A_599 = arith.constant 0 : i32
        %dma_wait3A_600 = tpu.memref_slice %arg5[%dma_wait3A_595, %dma_wait3A_598, %dma_wait3A_599] : memref<8x40x128xf32, #tpu.memory_space<vmem>> -> memref<1x40x128xf32, #tpu.memory_space<vmem>>
        %dma_wait3A_601 = tpu.memref_squeeze %dma_wait3A_600 : memref<1x40x128xf32, #tpu.memory_space<vmem>> -> memref<40x128xf32, #tpu.memory_space<vmem>>
        %dma_wait3A_602 = arith.constant 0 : i32
        %dma_wait3A_603 = tpu.memref_slice %arg6[%dma_wait3A_596, %dma_wait3A_602] : memref<8x40xi32, #tpu.memory_space<vmem>> -> memref<1x40xi32, #tpu.memory_space<vmem>>
        %dma_wait3A_604 = tpu.memref_squeeze %dma_wait3A_603 : memref<1x40xi32, #tpu.memory_space<vmem>> -> memref<40xi32, #tpu.memory_space<vmem>>
        %dma_wait3A_605 = arith.constant 0 : i32
        %dma_wait3A_606 = arith.constant 0 : i32
        %dma_wait3A_607 = tpu.memref_slice %arg8[%dma_wait3A_605, %dma_wait3A_606] : memref<10240x128xf32, #tpu.memory_space<vmem_shared>> -> memref<10240x128xf32, #tpu.memory_space<vmem_shared>>
        %dma_wait3A_608 = tpu.memref_slice %arg10[%dma_wait3A_597] : memref<8x!tpu.dma_semaphore, #tpu.memory_space<semaphore_mem>> -> memref<1x!tpu.dma_semaphore, #tpu.memory_space<semaphore_mem>>
        %dma_wait3A_609 = tpu.memref_squeeze %dma_wait3A_608 : memref<1x!tpu.dma_semaphore, #tpu.memory_space<semaphore_mem>> -> memref<!tpu.dma_semaphore, #tpu.memory_space<semaphore_mem>>
        tpu.wait_indirect_dma semaphore(%dma_wait3A_609 : memref<!tpu.dma_semaphore, #tpu.memory_space<semaphore_mem>>) src(%dma_wait3A_601 : memref<40x128xf32, #tpu.memory_space<vmem>>) dst(%dma_wait3A_607 : memref<10240x128xf32, #tpu.memory_space<vmem_shared>>)
        %mul3A_610 = arith.constant 40 : i32
        %mul3A_611 = arith.muli %add3A_529, %mul3A_610 : i32
        %add3A_612 = arith.addi %mul3A_2, %mul3A_611 : i32
        %dma_start3A_613 = arith.constant 3 : i32
        %dma_start3A_614 = arith.constant 3 : i32
        %dma_start3A_615 = arith.constant 0 : i32
        %dma_start3A_616 = arith.constant 0 : i32
        %dma_start3A_617 = tpu.memref_slice %arg5[%dma_start3A_613, %dma_start3A_615, %dma_start3A_616] : memref<8x40x128xf32, #tpu.memory_space<vmem>> -> memref<1x40x128xf32, #tpu.memory_space<vmem>>
        %dma_start3A_618 = tpu.memref_squeeze %dma_start3A_617 : memref<1x40x128xf32, #tpu.memory_space<vmem>> -> memref<40x128xf32, #tpu.memory_space<vmem>>
        %dma_start3A_619 = arith.constant 0 : i32
        %dma_start3A_620 = tpu.memref_slice %arg2[%add3A_612, %dma_start3A_619] : memref<320000x128xf32, #tpu.memory_space<hbm>> -> memref<40x128xf32, #tpu.memory_space<hbm>>
        %dma_start3A_621 = tpu.memref_slice %arg9[%dma_start3A_614] : memref<8x!tpu.dma_semaphore, #tpu.memory_space<semaphore_mem>> -> memref<1x!tpu.dma_semaphore, #tpu.memory_space<semaphore_mem>>
        %dma_start3A_622 = tpu.memref_squeeze %dma_start3A_621 : memref<1x!tpu.dma_semaphore, #tpu.memory_space<semaphore_mem>> -> memref<!tpu.dma_semaphore, #tpu.memory_space<semaphore_mem>>
        %dma_start3A_623 = arith.constant 0 : i32
        %dma_start3A_624 = arith.constant 0 : i32
        %dma_start3A_625 = tpu.memref_slice %arg5[%dma_start3A_613, %dma_start3A_623, %dma_start3A_624] : memref<8x40x128xf32, #tpu.memory_space<vmem>> -> memref<1x40x128xf32, #tpu.memory_space<vmem>>
        %dma_start3A_626 = tpu.memref_squeeze %dma_start3A_625 : memref<1x40x128xf32, #tpu.memory_space<vmem>> -> memref<40x128xf32, #tpu.memory_space<vmem>>
        %dma_start3A_627 = arith.constant 0 : i32
        %dma_start3A_628 = tpu.memref_slice %arg2[%add3A_612, %dma_start3A_627] : memref<320000x128xf32, #tpu.memory_space<hbm>> -> memref<40x128xf32, #tpu.memory_space<hbm>>
        tpu.enqueue_dma source(%dma_start3A_628 : memref<40x128xf32, #tpu.memory_space<hbm>>) target(%dma_start3A_626 : memref<40x128xf32, #tpu.memory_space<vmem>>) target_semaphore(%dma_start3A_622 : memref<!tpu.dma_semaphore, #tpu.memory_space<semaphore_mem>>)
        %dma_start3A_629 = arith.constant 3 : i32
        %dma_start3A_630 = arith.constant 3 : i32
        %dma_start3A_631 = arith.constant 0 : i32
        %dma_start3A_632 = tpu.memref_slice %arg6[%dma_start3A_629, %dma_start3A_631] : memref<8x40xi32, #tpu.memory_space<vmem>> -> memref<1x40xi32, #tpu.memory_space<vmem>>
        %dma_start3A_633 = tpu.memref_squeeze %dma_start3A_632 : memref<1x40xi32, #tpu.memory_space<vmem>> -> memref<40xi32, #tpu.memory_space<vmem>>
        %dma_start3A_634 = tpu.memref_slice %arg3[%add3A_612] : memref<320000xi32, #tpu.memory_space<hbm>> -> memref<40xi32, #tpu.memory_space<hbm>>
        %dma_start3A_635 = tpu.memref_slice %arg9[%dma_start3A_630] : memref<8x!tpu.dma_semaphore, #tpu.memory_space<semaphore_mem>> -> memref<1x!tpu.dma_semaphore, #tpu.memory_space<semaphore_mem>>
        %dma_start3A_636 = tpu.memref_squeeze %dma_start3A_635 : memref<1x!tpu.dma_semaphore, #tpu.memory_space<semaphore_mem>> -> memref<!tpu.dma_semaphore, #tpu.memory_space<semaphore_mem>>
        %dma_start3A_637 = arith.constant 0 : i32
        %dma_start3A_638 = tpu.memref_slice %arg6[%dma_start3A_629, %dma_start3A_637] : memref<8x40xi32, #tpu.memory_space<vmem>> -> memref<1x40xi32, #tpu.memory_space<vmem>>
        %dma_start3A_639 = tpu.memref_squeeze %dma_start3A_638 : memref<1x40xi32, #tpu.memory_space<vmem>> -> memref<40xi32, #tpu.memory_space<vmem>>
        %dma_start3A_640 = tpu.memref_slice %arg3[%add3A_612] : memref<320000xi32, #tpu.memory_space<hbm>> -> memref<40xi32, #tpu.memory_space<hbm>>
        tpu.enqueue_dma source(%dma_start3A_640 : memref<40xi32, #tpu.memory_space<hbm>>) target(%dma_start3A_639 : memref<40xi32, #tpu.memory_space<vmem>>) target_semaphore(%dma_start3A_636 : memref<!tpu.dma_semaphore, #tpu.memory_space<semaphore_mem>>)
      } else {
      }
      %add3A_538 = arith.constant 5 : i32
      %add3A_539 = arith.addi %add3A_448, %add3A_538 : i32
      %lt3A_540 = arith.constant 250 : i32
      %lt3A_541 = arith.cmpi slt, %add3A_539, %lt3A_540 : i32
      %convert_element_type3A_542 = arith.extui %lt3A_541 : i1 to i32
      %cond3A_543 = arith.constant 0 : i32
      %cond3A_544 = arith.cmpi ne, %convert_element_type3A_542, %cond3A_543 : i32
      scf.if %cond3A_544 {
        %dma_wait3A_595 = arith.constant 5 : i32
        %dma_wait3A_596 = arith.constant 5 : i32
        %dma_wait3A_597 = arith.constant 0 : i32
        %dma_wait3A_598 = arith.constant 0 : i32
        %dma_wait3A_599 = tpu.memref_slice %arg5[%dma_wait3A_595, %dma_wait3A_597, %dma_wait3A_598] : memref<8x40x128xf32, #tpu.memory_space<vmem>> -> memref<1x40x128xf32, #tpu.memory_space<vmem>>
        %dma_wait3A_600 = tpu.memref_squeeze %dma_wait3A_599 : memref<1x40x128xf32, #tpu.memory_space<vmem>> -> memref<40x128xf32, #tpu.memory_space<vmem>>
        %dma_wait3A_601 = arith.constant 0 : i32
        %dma_wait3A_602 = arith.constant 0 : i32
        %dma_wait3A_603 = tpu.memref_slice %arg2[%dma_wait3A_601, %dma_wait3A_602] : memref<320000x128xf32, #tpu.memory_space<hbm>> -> memref<40x128xf32, #tpu.memory_space<hbm>>
        %dma_wait3A_604 = tpu.memref_slice %arg9[%dma_wait3A_596] : memref<8x!tpu.dma_semaphore, #tpu.memory_space<semaphore_mem>> -> memref<1x!tpu.dma_semaphore, #tpu.memory_space<semaphore_mem>>
        %dma_wait3A_605 = tpu.memref_squeeze %dma_wait3A_604 : memref<1x!tpu.dma_semaphore, #tpu.memory_space<semaphore_mem>> -> memref<!tpu.dma_semaphore, #tpu.memory_space<semaphore_mem>>
        %dma_wait3A_606 = arith.constant 0 : i32
        %dma_wait3A_607 = arith.constant 0 : i32
        %dma_wait3A_608 = tpu.memref_slice %arg5[%dma_wait3A_595, %dma_wait3A_606, %dma_wait3A_607] : memref<8x40x128xf32, #tpu.memory_space<vmem>> -> memref<1x40x128xf32, #tpu.memory_space<vmem>>
        %dma_wait3A_609 = tpu.memref_squeeze %dma_wait3A_608 : memref<1x40x128xf32, #tpu.memory_space<vmem>> -> memref<40x128xf32, #tpu.memory_space<vmem>>
        %dma_wait3A_610 = arith.constant 0 : i32
        %dma_wait3A_611 = arith.constant 0 : i32
        %dma_wait3A_612 = tpu.memref_slice %arg2[%dma_wait3A_610, %dma_wait3A_611] : memref<320000x128xf32, #tpu.memory_space<hbm>> -> memref<40x128xf32, #tpu.memory_space<hbm>>
        tpu.wait_dma2 semaphore(%dma_wait3A_605 : memref<!tpu.dma_semaphore, #tpu.memory_space<semaphore_mem>>) src(%dma_wait3A_612 : memref<40x128xf32, #tpu.memory_space<hbm>>) dst(%dma_wait3A_609 : memref<40x128xf32, #tpu.memory_space<vmem>>)
        %dma_wait3A_613 = arith.constant 5 : i32
        %dma_wait3A_614 = arith.constant 5 : i32
        %dma_wait3A_615 = arith.constant 0 : i32
        %dma_wait3A_616 = tpu.memref_slice %arg6[%dma_wait3A_613, %dma_wait3A_615] : memref<8x40xi32, #tpu.memory_space<vmem>> -> memref<1x40xi32, #tpu.memory_space<vmem>>
        %dma_wait3A_617 = tpu.memref_squeeze %dma_wait3A_616 : memref<1x40xi32, #tpu.memory_space<vmem>> -> memref<40xi32, #tpu.memory_space<vmem>>
        %dma_wait3A_618 = arith.constant 0 : i32
        %dma_wait3A_619 = tpu.memref_slice %arg3[%dma_wait3A_618] : memref<320000xi32, #tpu.memory_space<hbm>> -> memref<40xi32, #tpu.memory_space<hbm>>
        %dma_wait3A_620 = tpu.memref_slice %arg9[%dma_wait3A_614] : memref<8x!tpu.dma_semaphore, #tpu.memory_space<semaphore_mem>> -> memref<1x!tpu.dma_semaphore, #tpu.memory_space<semaphore_mem>>
        %dma_wait3A_621 = tpu.memref_squeeze %dma_wait3A_620 : memref<1x!tpu.dma_semaphore, #tpu.memory_space<semaphore_mem>> -> memref<!tpu.dma_semaphore, #tpu.memory_space<semaphore_mem>>
        %dma_wait3A_622 = arith.constant 0 : i32
        %dma_wait3A_623 = tpu.memref_slice %arg6[%dma_wait3A_613, %dma_wait3A_622] : memref<8x40xi32, #tpu.memory_space<vmem>> -> memref<1x40xi32, #tpu.memory_space<vmem>>
        %dma_wait3A_624 = tpu.memref_squeeze %dma_wait3A_623 : memref<1x40xi32, #tpu.memory_space<vmem>> -> memref<40xi32, #tpu.memory_space<vmem>>
        %dma_wait3A_625 = arith.constant 0 : i32
        %dma_wait3A_626 = tpu.memref_slice %arg3[%dma_wait3A_625] : memref<320000xi32, #tpu.memory_space<hbm>> -> memref<40xi32, #tpu.memory_space<hbm>>
        tpu.wait_dma2 semaphore(%dma_wait3A_621 : memref<!tpu.dma_semaphore, #tpu.memory_space<semaphore_mem>>) src(%dma_wait3A_626 : memref<40xi32, #tpu.memory_space<hbm>>) dst(%dma_wait3A_624 : memref<40xi32, #tpu.memory_space<vmem>>)
        %dma_start3A_627 = arith.constant 5 : i32
        %dma_start3A_628 = arith.constant 5 : i32
        %dma_start3A_629 = arith.constant 5 : i32
        %dma_start3A_630 = arith.constant 0 : i32
        %dma_start3A_631 = arith.constant 0 : i32
        %dma_start3A_632 = tpu.memref_slice %arg5[%dma_start3A_627, %dma_start3A_630, %dma_start3A_631] : memref<8x40x128xf32, #tpu.memory_space<vmem>> -> memref<1x40x128xf32, #tpu.memory_space<vmem>>
        %dma_start3A_633 = tpu.memref_squeeze %dma_start3A_632 : memref<1x40x128xf32, #tpu.memory_space<vmem>> -> memref<40x128xf32, #tpu.memory_space<vmem>>
        %dma_start3A_634 = arith.constant 0 : i32
        %dma_start3A_635 = tpu.memref_slice %arg6[%dma_start3A_628, %dma_start3A_634] : memref<8x40xi32, #tpu.memory_space<vmem>> -> memref<1x40xi32, #tpu.memory_space<vmem>>
        %dma_start3A_636 = tpu.memref_squeeze %dma_start3A_635 : memref<1x40xi32, #tpu.memory_space<vmem>> -> memref<40xi32, #tpu.memory_space<vmem>>
        %dma_start3A_637 = arith.constant 0 : i32
        %dma_start3A_638 = arith.constant 0 : i32
        %dma_start3A_639 = tpu.memref_slice %arg8[%dma_start3A_637, %dma_start3A_638] : memref<10240x128xf32, #tpu.memory_space<vmem_shared>> -> memref<10240x128xf32, #tpu.memory_space<vmem_shared>>
        %dma_start3A_640 = tpu.memref_slice %arg10[%dma_start3A_629] : memref<8x!tpu.dma_semaphore, #tpu.memory_space<semaphore_mem>> -> memref<1x!tpu.dma_semaphore, #tpu.memory_space<semaphore_mem>>
        %dma_start3A_641 = tpu.memref_squeeze %dma_start3A_640 : memref<1x!tpu.dma_semaphore, #tpu.memory_space<semaphore_mem>> -> memref<!tpu.dma_semaphore, #tpu.memory_space<semaphore_mem>>
        tpu.enqueue_indirect_dma source(%dma_start3A_633 : memref<40x128xf32, #tpu.memory_space<vmem>>) target(%dma_start3A_639 : memref<10240x128xf32, #tpu.memory_space<vmem_shared>>) offsets(%dma_start3A_636 : memref<40xi32, #tpu.memory_space<vmem>>) semaphore(%dma_start3A_641 : memref<!tpu.dma_semaphore, #tpu.memory_space<semaphore_mem>>) {add = true}
      } else {
      }
      %sub3A_545 = arith.constant 1 : i32
      %sub3A_546 = arith.subi %add3A_539, %sub3A_545 : i32
      %add3A_547 = arith.constant 8 : i32
      %add3A_548 = arith.addi %sub3A_546, %add3A_547 : i32
      %ge3A_549 = arith.constant 1 : i32
      %ge3A_550 = arith.cmpi sge, %add3A_539, %ge3A_549 : i32
      %lt3A_551 = arith.constant 250 : i32
      %lt3A_552 = arith.cmpi slt, %add3A_548, %lt3A_551 : i32
      %and3A_553 = arith.andi %ge3A_550, %lt3A_552 : i1
      %convert_element_type3A_554 = arith.extui %and3A_553 : i1 to i32
      %cond3A_555 = arith.constant 0 : i32
      %cond3A_556 = arith.cmpi ne, %convert_element_type3A_554, %cond3A_555 : i32
      scf.if %cond3A_556 {
        %dma_wait3A_595 = arith.constant 4 : i32
        %dma_wait3A_596 = arith.constant 4 : i32
        %dma_wait3A_597 = arith.constant 4 : i32
        %dma_wait3A_598 = arith.constant 0 : i32
        %dma_wait3A_599 = arith.constant 0 : i32
        %dma_wait3A_600 = tpu.memref_slice %arg5[%dma_wait3A_595, %dma_wait3A_598, %dma_wait3A_599] : memref<8x40x128xf32, #tpu.memory_space<vmem>> -> memref<1x40x128xf32, #tpu.memory_space<vmem>>
        %dma_wait3A_601 = tpu.memref_squeeze %dma_wait3A_600 : memref<1x40x128xf32, #tpu.memory_space<vmem>> -> memref<40x128xf32, #tpu.memory_space<vmem>>
        %dma_wait3A_602 = arith.constant 0 : i32
        %dma_wait3A_603 = tpu.memref_slice %arg6[%dma_wait3A_596, %dma_wait3A_602] : memref<8x40xi32, #tpu.memory_space<vmem>> -> memref<1x40xi32, #tpu.memory_space<vmem>>
        %dma_wait3A_604 = tpu.memref_squeeze %dma_wait3A_603 : memref<1x40xi32, #tpu.memory_space<vmem>> -> memref<40xi32, #tpu.memory_space<vmem>>
        %dma_wait3A_605 = arith.constant 0 : i32
        %dma_wait3A_606 = arith.constant 0 : i32
        %dma_wait3A_607 = tpu.memref_slice %arg8[%dma_wait3A_605, %dma_wait3A_606] : memref<10240x128xf32, #tpu.memory_space<vmem_shared>> -> memref<10240x128xf32, #tpu.memory_space<vmem_shared>>
        %dma_wait3A_608 = tpu.memref_slice %arg10[%dma_wait3A_597] : memref<8x!tpu.dma_semaphore, #tpu.memory_space<semaphore_mem>> -> memref<1x!tpu.dma_semaphore, #tpu.memory_space<semaphore_mem>>
        %dma_wait3A_609 = tpu.memref_squeeze %dma_wait3A_608 : memref<1x!tpu.dma_semaphore, #tpu.memory_space<semaphore_mem>> -> memref<!tpu.dma_semaphore, #tpu.memory_space<semaphore_mem>>
        tpu.wait_indirect_dma semaphore(%dma_wait3A_609 : memref<!tpu.dma_semaphore, #tpu.memory_space<semaphore_mem>>) src(%dma_wait3A_601 : memref<40x128xf32, #tpu.memory_space<vmem>>) dst(%dma_wait3A_607 : memref<10240x128xf32, #tpu.memory_space<vmem_shared>>)
        %mul3A_610 = arith.constant 40 : i32
        %mul3A_611 = arith.muli %add3A_548, %mul3A_610 : i32
        %add3A_612 = arith.addi %mul3A_2, %mul3A_611 : i32
        %dma_start3A_613 = arith.constant 4 : i32
        %dma_start3A_614 = arith.constant 4 : i32
        %dma_start3A_615 = arith.constant 0 : i32
        %dma_start3A_616 = arith.constant 0 : i32
        %dma_start3A_617 = tpu.memref_slice %arg5[%dma_start3A_613, %dma_start3A_615, %dma_start3A_616] : memref<8x40x128xf32, #tpu.memory_space<vmem>> -> memref<1x40x128xf32, #tpu.memory_space<vmem>>
        %dma_start3A_618 = tpu.memref_squeeze %dma_start3A_617 : memref<1x40x128xf32, #tpu.memory_space<vmem>> -> memref<40x128xf32, #tpu.memory_space<vmem>>
        %dma_start3A_619 = arith.constant 0 : i32
        %dma_start3A_620 = tpu.memref_slice %arg2[%add3A_612, %dma_start3A_619] : memref<320000x128xf32, #tpu.memory_space<hbm>> -> memref<40x128xf32, #tpu.memory_space<hbm>>
        %dma_start3A_621 = tpu.memref_slice %arg9[%dma_start3A_614] : memref<8x!tpu.dma_semaphore, #tpu.memory_space<semaphore_mem>> -> memref<1x!tpu.dma_semaphore, #tpu.memory_space<semaphore_mem>>
        %dma_start3A_622 = tpu.memref_squeeze %dma_start3A_621 : memref<1x!tpu.dma_semaphore, #tpu.memory_space<semaphore_mem>> -> memref<!tpu.dma_semaphore, #tpu.memory_space<semaphore_mem>>
        %dma_start3A_623 = arith.constant 0 : i32
        %dma_start3A_624 = arith.constant 0 : i32
        %dma_start3A_625 = tpu.memref_slice %arg5[%dma_start3A_613, %dma_start3A_623, %dma_start3A_624] : memref<8x40x128xf32, #tpu.memory_space<vmem>> -> memref<1x40x128xf32, #tpu.memory_space<vmem>>
        %dma_start3A_626 = tpu.memref_squeeze %dma_start3A_625 : memref<1x40x128xf32, #tpu.memory_space<vmem>> -> memref<40x128xf32, #tpu.memory_space<vmem>>
        %dma_start3A_627 = arith.constant 0 : i32
        %dma_start3A_628 = tpu.memref_slice %arg2[%add3A_612, %dma_start3A_627] : memref<320000x128xf32, #tpu.memory_space<hbm>> -> memref<40x128xf32, #tpu.memory_space<hbm>>
        tpu.enqueue_dma source(%dma_start3A_628 : memref<40x128xf32, #tpu.memory_space<hbm>>) target(%dma_start3A_626 : memref<40x128xf32, #tpu.memory_space<vmem>>) target_semaphore(%dma_start3A_622 : memref<!tpu.dma_semaphore, #tpu.memory_space<semaphore_mem>>)
        %dma_start3A_629 = arith.constant 4 : i32
        %dma_start3A_630 = arith.constant 4 : i32
        %dma_start3A_631 = arith.constant 0 : i32
        %dma_start3A_632 = tpu.memref_slice %arg6[%dma_start3A_629, %dma_start3A_631] : memref<8x40xi32, #tpu.memory_space<vmem>> -> memref<1x40xi32, #tpu.memory_space<vmem>>
        %dma_start3A_633 = tpu.memref_squeeze %dma_start3A_632 : memref<1x40xi32, #tpu.memory_space<vmem>> -> memref<40xi32, #tpu.memory_space<vmem>>
        %dma_start3A_634 = tpu.memref_slice %arg3[%add3A_612] : memref<320000xi32, #tpu.memory_space<hbm>> -> memref<40xi32, #tpu.memory_space<hbm>>
        %dma_start3A_635 = tpu.memref_slice %arg9[%dma_start3A_630] : memref<8x!tpu.dma_semaphore, #tpu.memory_space<semaphore_mem>> -> memref<1x!tpu.dma_semaphore, #tpu.memory_space<semaphore_mem>>
        %dma_start3A_636 = tpu.memref_squeeze %dma_start3A_635 : memref<1x!tpu.dma_semaphore, #tpu.memory_space<semaphore_mem>> -> memref<!tpu.dma_semaphore, #tpu.memory_space<semaphore_mem>>
        %dma_start3A_637 = arith.constant 0 : i32
        %dma_start3A_638 = tpu.memref_slice %arg6[%dma_start3A_629, %dma_start3A_637] : memref<8x40xi32, #tpu.memory_space<vmem>> -> memref<1x40xi32, #tpu.memory_space<vmem>>
        %dma_start3A_639 = tpu.memref_squeeze %dma_start3A_638 : memref<1x40xi32, #tpu.memory_space<vmem>> -> memref<40xi32, #tpu.memory_space<vmem>>
        %dma_start3A_640 = tpu.memref_slice %arg3[%add3A_612] : memref<320000xi32, #tpu.memory_space<hbm>> -> memref<40xi32, #tpu.memory_space<hbm>>
        tpu.enqueue_dma source(%dma_start3A_640 : memref<40xi32, #tpu.memory_space<hbm>>) target(%dma_start3A_639 : memref<40xi32, #tpu.memory_space<vmem>>) target_semaphore(%dma_start3A_636 : memref<!tpu.dma_semaphore, #tpu.memory_space<semaphore_mem>>)
      } else {
      }
      %add3A_557 = arith.constant 6 : i32
      %add3A_558 = arith.addi %add3A_448, %add3A_557 : i32
      %lt3A_559 = arith.constant 250 : i32
      %lt3A_560 = arith.cmpi slt, %add3A_558, %lt3A_559 : i32
      %convert_element_type3A_561 = arith.extui %lt3A_560 : i1 to i32
      %cond3A_562 = arith.constant 0 : i32
      %cond3A_563 = arith.cmpi ne, %convert_element_type3A_561, %cond3A_562 : i32
      scf.if %cond3A_563 {
        %dma_wait3A_595 = arith.constant 6 : i32
        %dma_wait3A_596 = arith.constant 6 : i32
        %dma_wait3A_597 = arith.constant 0 : i32
        %dma_wait3A_598 = arith.constant 0 : i32
        %dma_wait3A_599 = tpu.memref_slice %arg5[%dma_wait3A_595, %dma_wait3A_597, %dma_wait3A_598] : memref<8x40x128xf32, #tpu.memory_space<vmem>> -> memref<1x40x128xf32, #tpu.memory_space<vmem>>
        %dma_wait3A_600 = tpu.memref_squeeze %dma_wait3A_599 : memref<1x40x128xf32, #tpu.memory_space<vmem>> -> memref<40x128xf32, #tpu.memory_space<vmem>>
        %dma_wait3A_601 = arith.constant 0 : i32
        %dma_wait3A_602 = arith.constant 0 : i32
        %dma_wait3A_603 = tpu.memref_slice %arg2[%dma_wait3A_601, %dma_wait3A_602] : memref<320000x128xf32, #tpu.memory_space<hbm>> -> memref<40x128xf32, #tpu.memory_space<hbm>>
        %dma_wait3A_604 = tpu.memref_slice %arg9[%dma_wait3A_596] : memref<8x!tpu.dma_semaphore, #tpu.memory_space<semaphore_mem>> -> memref<1x!tpu.dma_semaphore, #tpu.memory_space<semaphore_mem>>
        %dma_wait3A_605 = tpu.memref_squeeze %dma_wait3A_604 : memref<1x!tpu.dma_semaphore, #tpu.memory_space<semaphore_mem>> -> memref<!tpu.dma_semaphore, #tpu.memory_space<semaphore_mem>>
        %dma_wait3A_606 = arith.constant 0 : i32
        %dma_wait3A_607 = arith.constant 0 : i32
        %dma_wait3A_608 = tpu.memref_slice %arg5[%dma_wait3A_595, %dma_wait3A_606, %dma_wait3A_607] : memref<8x40x128xf32, #tpu.memory_space<vmem>> -> memref<1x40x128xf32, #tpu.memory_space<vmem>>
        %dma_wait3A_609 = tpu.memref_squeeze %dma_wait3A_608 : memref<1x40x128xf32, #tpu.memory_space<vmem>> -> memref<40x128xf32, #tpu.memory_space<vmem>>
        %dma_wait3A_610 = arith.constant 0 : i32
        %dma_wait3A_611 = arith.constant 0 : i32
        %dma_wait3A_612 = tpu.memref_slice %arg2[%dma_wait3A_610, %dma_wait3A_611] : memref<320000x128xf32, #tpu.memory_space<hbm>> -> memref<40x128xf32, #tpu.memory_space<hbm>>
        tpu.wait_dma2 semaphore(%dma_wait3A_605 : memref<!tpu.dma_semaphore, #tpu.memory_space<semaphore_mem>>) src(%dma_wait3A_612 : memref<40x128xf32, #tpu.memory_space<hbm>>) dst(%dma_wait3A_609 : memref<40x128xf32, #tpu.memory_space<vmem>>)
        %dma_wait3A_613 = arith.constant 6 : i32
        %dma_wait3A_614 = arith.constant 6 : i32
        %dma_wait3A_615 = arith.constant 0 : i32
        %dma_wait3A_616 = tpu.memref_slice %arg6[%dma_wait3A_613, %dma_wait3A_615] : memref<8x40xi32, #tpu.memory_space<vmem>> -> memref<1x40xi32, #tpu.memory_space<vmem>>
        %dma_wait3A_617 = tpu.memref_squeeze %dma_wait3A_616 : memref<1x40xi32, #tpu.memory_space<vmem>> -> memref<40xi32, #tpu.memory_space<vmem>>
        %dma_wait3A_618 = arith.constant 0 : i32
        %dma_wait3A_619 = tpu.memref_slice %arg3[%dma_wait3A_618] : memref<320000xi32, #tpu.memory_space<hbm>> -> memref<40xi32, #tpu.memory_space<hbm>>
        %dma_wait3A_620 = tpu.memref_slice %arg9[%dma_wait3A_614] : memref<8x!tpu.dma_semaphore, #tpu.memory_space<semaphore_mem>> -> memref<1x!tpu.dma_semaphore, #tpu.memory_space<semaphore_mem>>
        %dma_wait3A_621 = tpu.memref_squeeze %dma_wait3A_620 : memref<1x!tpu.dma_semaphore, #tpu.memory_space<semaphore_mem>> -> memref<!tpu.dma_semaphore, #tpu.memory_space<semaphore_mem>>
        %dma_wait3A_622 = arith.constant 0 : i32
        %dma_wait3A_623 = tpu.memref_slice %arg6[%dma_wait3A_613, %dma_wait3A_622] : memref<8x40xi32, #tpu.memory_space<vmem>> -> memref<1x40xi32, #tpu.memory_space<vmem>>
        %dma_wait3A_624 = tpu.memref_squeeze %dma_wait3A_623 : memref<1x40xi32, #tpu.memory_space<vmem>> -> memref<40xi32, #tpu.memory_space<vmem>>
        %dma_wait3A_625 = arith.constant 0 : i32
        %dma_wait3A_626 = tpu.memref_slice %arg3[%dma_wait3A_625] : memref<320000xi32, #tpu.memory_space<hbm>> -> memref<40xi32, #tpu.memory_space<hbm>>
        tpu.wait_dma2 semaphore(%dma_wait3A_621 : memref<!tpu.dma_semaphore, #tpu.memory_space<semaphore_mem>>) src(%dma_wait3A_626 : memref<40xi32, #tpu.memory_space<hbm>>) dst(%dma_wait3A_624 : memref<40xi32, #tpu.memory_space<vmem>>)
        %dma_start3A_627 = arith.constant 6 : i32
        %dma_start3A_628 = arith.constant 6 : i32
        %dma_start3A_629 = arith.constant 6 : i32
        %dma_start3A_630 = arith.constant 0 : i32
        %dma_start3A_631 = arith.constant 0 : i32
        %dma_start3A_632 = tpu.memref_slice %arg5[%dma_start3A_627, %dma_start3A_630, %dma_start3A_631] : memref<8x40x128xf32, #tpu.memory_space<vmem>> -> memref<1x40x128xf32, #tpu.memory_space<vmem>>
        %dma_start3A_633 = tpu.memref_squeeze %dma_start3A_632 : memref<1x40x128xf32, #tpu.memory_space<vmem>> -> memref<40x128xf32, #tpu.memory_space<vmem>>
        %dma_start3A_634 = arith.constant 0 : i32
        %dma_start3A_635 = tpu.memref_slice %arg6[%dma_start3A_628, %dma_start3A_634] : memref<8x40xi32, #tpu.memory_space<vmem>> -> memref<1x40xi32, #tpu.memory_space<vmem>>
        %dma_start3A_636 = tpu.memref_squeeze %dma_start3A_635 : memref<1x40xi32, #tpu.memory_space<vmem>> -> memref<40xi32, #tpu.memory_space<vmem>>
        %dma_start3A_637 = arith.constant 0 : i32
        %dma_start3A_638 = arith.constant 0 : i32
        %dma_start3A_639 = tpu.memref_slice %arg8[%dma_start3A_637, %dma_start3A_638] : memref<10240x128xf32, #tpu.memory_space<vmem_shared>> -> memref<10240x128xf32, #tpu.memory_space<vmem_shared>>
        %dma_start3A_640 = tpu.memref_slice %arg10[%dma_start3A_629] : memref<8x!tpu.dma_semaphore, #tpu.memory_space<semaphore_mem>> -> memref<1x!tpu.dma_semaphore, #tpu.memory_space<semaphore_mem>>
        %dma_start3A_641 = tpu.memref_squeeze %dma_start3A_640 : memref<1x!tpu.dma_semaphore, #tpu.memory_space<semaphore_mem>> -> memref<!tpu.dma_semaphore, #tpu.memory_space<semaphore_mem>>
        tpu.enqueue_indirect_dma source(%dma_start3A_633 : memref<40x128xf32, #tpu.memory_space<vmem>>) target(%dma_start3A_639 : memref<10240x128xf32, #tpu.memory_space<vmem_shared>>) offsets(%dma_start3A_636 : memref<40xi32, #tpu.memory_space<vmem>>) semaphore(%dma_start3A_641 : memref<!tpu.dma_semaphore, #tpu.memory_space<semaphore_mem>>) {add = true}
      } else {
      }
      %sub3A_564 = arith.constant 1 : i32
      %sub3A_565 = arith.subi %add3A_558, %sub3A_564 : i32
      %add3A_566 = arith.constant 8 : i32
      %add3A_567 = arith.addi %sub3A_565, %add3A_566 : i32
      %ge3A_568 = arith.constant 1 : i32
      %ge3A_569 = arith.cmpi sge, %add3A_558, %ge3A_568 : i32
      %lt3A_570 = arith.constant 250 : i32
      %lt3A_571 = arith.cmpi slt, %add3A_567, %lt3A_570 : i32
      %and3A_572 = arith.andi %ge3A_569, %lt3A_571 : i1
      %convert_element_type3A_573 = arith.extui %and3A_572 : i1 to i32
      %cond3A_574 = arith.constant 0 : i32
      %cond3A_575 = arith.cmpi ne, %convert_element_type3A_573, %cond3A_574 : i32
      scf.if %cond3A_575 {
        %dma_wait3A_595 = arith.constant 5 : i32
        %dma_wait3A_596 = arith.constant 5 : i32
        %dma_wait3A_597 = arith.constant 5 : i32
        %dma_wait3A_598 = arith.constant 0 : i32
        %dma_wait3A_599 = arith.constant 0 : i32
        %dma_wait3A_600 = tpu.memref_slice %arg5[%dma_wait3A_595, %dma_wait3A_598, %dma_wait3A_599] : memref<8x40x128xf32, #tpu.memory_space<vmem>> -> memref<1x40x128xf32, #tpu.memory_space<vmem>>
        %dma_wait3A_601 = tpu.memref_squeeze %dma_wait3A_600 : memref<1x40x128xf32, #tpu.memory_space<vmem>> -> memref<40x128xf32, #tpu.memory_space<vmem>>
        %dma_wait3A_602 = arith.constant 0 : i32
        %dma_wait3A_603 = tpu.memref_slice %arg6[%dma_wait3A_596, %dma_wait3A_602] : memref<8x40xi32, #tpu.memory_space<vmem>> -> memref<1x40xi32, #tpu.memory_space<vmem>>
        %dma_wait3A_604 = tpu.memref_squeeze %dma_wait3A_603 : memref<1x40xi32, #tpu.memory_space<vmem>> -> memref<40xi32, #tpu.memory_space<vmem>>
        %dma_wait3A_605 = arith.constant 0 : i32
        %dma_wait3A_606 = arith.constant 0 : i32
        %dma_wait3A_607 = tpu.memref_slice %arg8[%dma_wait3A_605, %dma_wait3A_606] : memref<10240x128xf32, #tpu.memory_space<vmem_shared>> -> memref<10240x128xf32, #tpu.memory_space<vmem_shared>>
        %dma_wait3A_608 = tpu.memref_slice %arg10[%dma_wait3A_597] : memref<8x!tpu.dma_semaphore, #tpu.memory_space<semaphore_mem>> -> memref<1x!tpu.dma_semaphore, #tpu.memory_space<semaphore_mem>>
        %dma_wait3A_609 = tpu.memref_squeeze %dma_wait3A_608 : memref<1x!tpu.dma_semaphore, #tpu.memory_space<semaphore_mem>> -> memref<!tpu.dma_semaphore, #tpu.memory_space<semaphore_mem>>
        tpu.wait_indirect_dma semaphore(%dma_wait3A_609 : memref<!tpu.dma_semaphore, #tpu.memory_space<semaphore_mem>>) src(%dma_wait3A_601 : memref<40x128xf32, #tpu.memory_space<vmem>>) dst(%dma_wait3A_607 : memref<10240x128xf32, #tpu.memory_space<vmem_shared>>)
        %mul3A_610 = arith.constant 40 : i32
        %mul3A_611 = arith.muli %add3A_567, %mul3A_610 : i32
        %add3A_612 = arith.addi %mul3A_2, %mul3A_611 : i32
        %dma_start3A_613 = arith.constant 5 : i32
        %dma_start3A_614 = arith.constant 5 : i32
        %dma_start3A_615 = arith.constant 0 : i32
        %dma_start3A_616 = arith.constant 0 : i32
        %dma_start3A_617 = tpu.memref_slice %arg5[%dma_start3A_613, %dma_start3A_615, %dma_start3A_616] : memref<8x40x128xf32, #tpu.memory_space<vmem>> -> memref<1x40x128xf32, #tpu.memory_space<vmem>>
        %dma_start3A_618 = tpu.memref_squeeze %dma_start3A_617 : memref<1x40x128xf32, #tpu.memory_space<vmem>> -> memref<40x128xf32, #tpu.memory_space<vmem>>
        %dma_start3A_619 = arith.constant 0 : i32
        %dma_start3A_620 = tpu.memref_slice %arg2[%add3A_612, %dma_start3A_619] : memref<320000x128xf32, #tpu.memory_space<hbm>> -> memref<40x128xf32, #tpu.memory_space<hbm>>
        %dma_start3A_621 = tpu.memref_slice %arg9[%dma_start3A_614] : memref<8x!tpu.dma_semaphore, #tpu.memory_space<semaphore_mem>> -> memref<1x!tpu.dma_semaphore, #tpu.memory_space<semaphore_mem>>
        %dma_start3A_622 = tpu.memref_squeeze %dma_start3A_621 : memref<1x!tpu.dma_semaphore, #tpu.memory_space<semaphore_mem>> -> memref<!tpu.dma_semaphore, #tpu.memory_space<semaphore_mem>>
        %dma_start3A_623 = arith.constant 0 : i32
        %dma_start3A_624 = arith.constant 0 : i32
        %dma_start3A_625 = tpu.memref_slice %arg5[%dma_start3A_613, %dma_start3A_623, %dma_start3A_624] : memref<8x40x128xf32, #tpu.memory_space<vmem>> -> memref<1x40x128xf32, #tpu.memory_space<vmem>>
        %dma_start3A_626 = tpu.memref_squeeze %dma_start3A_625 : memref<1x40x128xf32, #tpu.memory_space<vmem>> -> memref<40x128xf32, #tpu.memory_space<vmem>>
        %dma_start3A_627 = arith.constant 0 : i32
        %dma_start3A_628 = tpu.memref_slice %arg2[%add3A_612, %dma_start3A_627] : memref<320000x128xf32, #tpu.memory_space<hbm>> -> memref<40x128xf32, #tpu.memory_space<hbm>>
        tpu.enqueue_dma source(%dma_start3A_628 : memref<40x128xf32, #tpu.memory_space<hbm>>) target(%dma_start3A_626 : memref<40x128xf32, #tpu.memory_space<vmem>>) target_semaphore(%dma_start3A_622 : memref<!tpu.dma_semaphore, #tpu.memory_space<semaphore_mem>>)
        %dma_start3A_629 = arith.constant 5 : i32
        %dma_start3A_630 = arith.constant 5 : i32
        %dma_start3A_631 = arith.constant 0 : i32
        %dma_start3A_632 = tpu.memref_slice %arg6[%dma_start3A_629, %dma_start3A_631] : memref<8x40xi32, #tpu.memory_space<vmem>> -> memref<1x40xi32, #tpu.memory_space<vmem>>
        %dma_start3A_633 = tpu.memref_squeeze %dma_start3A_632 : memref<1x40xi32, #tpu.memory_space<vmem>> -> memref<40xi32, #tpu.memory_space<vmem>>
        %dma_start3A_634 = tpu.memref_slice %arg3[%add3A_612] : memref<320000xi32, #tpu.memory_space<hbm>> -> memref<40xi32, #tpu.memory_space<hbm>>
        %dma_start3A_635 = tpu.memref_slice %arg9[%dma_start3A_630] : memref<8x!tpu.dma_semaphore, #tpu.memory_space<semaphore_mem>> -> memref<1x!tpu.dma_semaphore, #tpu.memory_space<semaphore_mem>>
        %dma_start3A_636 = tpu.memref_squeeze %dma_start3A_635 : memref<1x!tpu.dma_semaphore, #tpu.memory_space<semaphore_mem>> -> memref<!tpu.dma_semaphore, #tpu.memory_space<semaphore_mem>>
        %dma_start3A_637 = arith.constant 0 : i32
        %dma_start3A_638 = tpu.memref_slice %arg6[%dma_start3A_629, %dma_start3A_637] : memref<8x40xi32, #tpu.memory_space<vmem>> -> memref<1x40xi32, #tpu.memory_space<vmem>>
        %dma_start3A_639 = tpu.memref_squeeze %dma_start3A_638 : memref<1x40xi32, #tpu.memory_space<vmem>> -> memref<40xi32, #tpu.memory_space<vmem>>
        %dma_start3A_640 = tpu.memref_slice %arg3[%add3A_612] : memref<320000xi32, #tpu.memory_space<hbm>> -> memref<40xi32, #tpu.memory_space<hbm>>
        tpu.enqueue_dma source(%dma_start3A_640 : memref<40xi32, #tpu.memory_space<hbm>>) target(%dma_start3A_639 : memref<40xi32, #tpu.memory_space<vmem>>) target_semaphore(%dma_start3A_636 : memref<!tpu.dma_semaphore, #tpu.memory_space<semaphore_mem>>)
      } else {
      }
      %add3A_576 = arith.constant 7 : i32
      %add3A_577 = arith.addi %add3A_448, %add3A_576 : i32
      %lt3A_578 = arith.constant 250 : i32
      %lt3A_579 = arith.cmpi slt, %add3A_577, %lt3A_578 : i32
      %convert_element_type3A_580 = arith.extui %lt3A_579 : i1 to i32
      %cond3A_581 = arith.constant 0 : i32
      %cond3A_582 = arith.cmpi ne, %convert_element_type3A_580, %cond3A_581 : i32
      scf.if %cond3A_582 {
        %dma_wait3A_595 = arith.constant 7 : i32
        %dma_wait3A_596 = arith.constant 7 : i32
        %dma_wait3A_597 = arith.constant 0 : i32
        %dma_wait3A_598 = arith.constant 0 : i32
        %dma_wait3A_599 = tpu.memref_slice %arg5[%dma_wait3A_595, %dma_wait3A_597, %dma_wait3A_598] : memref<8x40x128xf32, #tpu.memory_space<vmem>> -> memref<1x40x128xf32, #tpu.memory_space<vmem>>
        %dma_wait3A_600 = tpu.memref_squeeze %dma_wait3A_599 : memref<1x40x128xf32, #tpu.memory_space<vmem>> -> memref<40x128xf32, #tpu.memory_space<vmem>>
        %dma_wait3A_601 = arith.constant 0 : i32
        %dma_wait3A_602 = arith.constant 0 : i32
        %dma_wait3A_603 = tpu.memref_slice %arg2[%dma_wait3A_601, %dma_wait3A_602] : memref<320000x128xf32, #tpu.memory_space<hbm>> -> memref<40x128xf32, #tpu.memory_space<hbm>>
        %dma_wait3A_604 = tpu.memref_slice %arg9[%dma_wait3A_596] : memref<8x!tpu.dma_semaphore, #tpu.memory_space<semaphore_mem>> -> memref<1x!tpu.dma_semaphore, #tpu.memory_space<semaphore_mem>>
        %dma_wait3A_605 = tpu.memref_squeeze %dma_wait3A_604 : memref<1x!tpu.dma_semaphore, #tpu.memory_space<semaphore_mem>> -> memref<!tpu.dma_semaphore, #tpu.memory_space<semaphore_mem>>
        %dma_wait3A_606 = arith.constant 0 : i32
        %dma_wait3A_607 = arith.constant 0 : i32
        %dma_wait3A_608 = tpu.memref_slice %arg5[%dma_wait3A_595, %dma_wait3A_606, %dma_wait3A_607] : memref<8x40x128xf32, #tpu.memory_space<vmem>> -> memref<1x40x128xf32, #tpu.memory_space<vmem>>
        %dma_wait3A_609 = tpu.memref_squeeze %dma_wait3A_608 : memref<1x40x128xf32, #tpu.memory_space<vmem>> -> memref<40x128xf32, #tpu.memory_space<vmem>>
        %dma_wait3A_610 = arith.constant 0 : i32
        %dma_wait3A_611 = arith.constant 0 : i32
        %dma_wait3A_612 = tpu.memref_slice %arg2[%dma_wait3A_610, %dma_wait3A_611] : memref<320000x128xf32, #tpu.memory_space<hbm>> -> memref<40x128xf32, #tpu.memory_space<hbm>>
        tpu.wait_dma2 semaphore(%dma_wait3A_605 : memref<!tpu.dma_semaphore, #tpu.memory_space<semaphore_mem>>) src(%dma_wait3A_612 : memref<40x128xf32, #tpu.memory_space<hbm>>) dst(%dma_wait3A_609 : memref<40x128xf32, #tpu.memory_space<vmem>>)
        %dma_wait3A_613 = arith.constant 7 : i32
        %dma_wait3A_614 = arith.constant 7 : i32
        %dma_wait3A_615 = arith.constant 0 : i32
        %dma_wait3A_616 = tpu.memref_slice %arg6[%dma_wait3A_613, %dma_wait3A_615] : memref<8x40xi32, #tpu.memory_space<vmem>> -> memref<1x40xi32, #tpu.memory_space<vmem>>
        %dma_wait3A_617 = tpu.memref_squeeze %dma_wait3A_616 : memref<1x40xi32, #tpu.memory_space<vmem>> -> memref<40xi32, #tpu.memory_space<vmem>>
        %dma_wait3A_618 = arith.constant 0 : i32
        %dma_wait3A_619 = tpu.memref_slice %arg3[%dma_wait3A_618] : memref<320000xi32, #tpu.memory_space<hbm>> -> memref<40xi32, #tpu.memory_space<hbm>>
        %dma_wait3A_620 = tpu.memref_slice %arg9[%dma_wait3A_614] : memref<8x!tpu.dma_semaphore, #tpu.memory_space<semaphore_mem>> -> memref<1x!tpu.dma_semaphore, #tpu.memory_space<semaphore_mem>>
        %dma_wait3A_621 = tpu.memref_squeeze %dma_wait3A_620 : memref<1x!tpu.dma_semaphore, #tpu.memory_space<semaphore_mem>> -> memref<!tpu.dma_semaphore, #tpu.memory_space<semaphore_mem>>
        %dma_wait3A_622 = arith.constant 0 : i32
        %dma_wait3A_623 = tpu.memref_slice %arg6[%dma_wait3A_613, %dma_wait3A_622] : memref<8x40xi32, #tpu.memory_space<vmem>> -> memref<1x40xi32, #tpu.memory_space<vmem>>
        %dma_wait3A_624 = tpu.memref_squeeze %dma_wait3A_623 : memref<1x40xi32, #tpu.memory_space<vmem>> -> memref<40xi32, #tpu.memory_space<vmem>>
        %dma_wait3A_625 = arith.constant 0 : i32
        %dma_wait3A_626 = tpu.memref_slice %arg3[%dma_wait3A_625] : memref<320000xi32, #tpu.memory_space<hbm>> -> memref<40xi32, #tpu.memory_space<hbm>>
        tpu.wait_dma2 semaphore(%dma_wait3A_621 : memref<!tpu.dma_semaphore, #tpu.memory_space<semaphore_mem>>) src(%dma_wait3A_626 : memref<40xi32, #tpu.memory_space<hbm>>) dst(%dma_wait3A_624 : memref<40xi32, #tpu.memory_space<vmem>>)
        %dma_start3A_627 = arith.constant 7 : i32
        %dma_start3A_628 = arith.constant 7 : i32
        %dma_start3A_629 = arith.constant 7 : i32
        %dma_start3A_630 = arith.constant 0 : i32
        %dma_start3A_631 = arith.constant 0 : i32
        %dma_start3A_632 = tpu.memref_slice %arg5[%dma_start3A_627, %dma_start3A_630, %dma_start3A_631] : memref<8x40x128xf32, #tpu.memory_space<vmem>> -> memref<1x40x128xf32, #tpu.memory_space<vmem>>
        %dma_start3A_633 = tpu.memref_squeeze %dma_start3A_632 : memref<1x40x128xf32, #tpu.memory_space<vmem>> -> memref<40x128xf32, #tpu.memory_space<vmem>>
        %dma_start3A_634 = arith.constant 0 : i32
        %dma_start3A_635 = tpu.memref_slice %arg6[%dma_start3A_628, %dma_start3A_634] : memref<8x40xi32, #tpu.memory_space<vmem>> -> memref<1x40xi32, #tpu.memory_space<vmem>>
        %dma_start3A_636 = tpu.memref_squeeze %dma_start3A_635 : memref<1x40xi32, #tpu.memory_space<vmem>> -> memref<40xi32, #tpu.memory_space<vmem>>
        %dma_start3A_637 = arith.constant 0 : i32
        %dma_start3A_638 = arith.constant 0 : i32
        %dma_start3A_639 = tpu.memref_slice %arg8[%dma_start3A_637, %dma_start3A_638] : memref<10240x128xf32, #tpu.memory_space<vmem_shared>> -> memref<10240x128xf32, #tpu.memory_space<vmem_shared>>
        %dma_start3A_640 = tpu.memref_slice %arg10[%dma_start3A_629] : memref<8x!tpu.dma_semaphore, #tpu.memory_space<semaphore_mem>> -> memref<1x!tpu.dma_semaphore, #tpu.memory_space<semaphore_mem>>
        %dma_start3A_641 = tpu.memref_squeeze %dma_start3A_640 : memref<1x!tpu.dma_semaphore, #tpu.memory_space<semaphore_mem>> -> memref<!tpu.dma_semaphore, #tpu.memory_space<semaphore_mem>>
        tpu.enqueue_indirect_dma source(%dma_start3A_633 : memref<40x128xf32, #tpu.memory_space<vmem>>) target(%dma_start3A_639 : memref<10240x128xf32, #tpu.memory_space<vmem_shared>>) offsets(%dma_start3A_636 : memref<40xi32, #tpu.memory_space<vmem>>) semaphore(%dma_start3A_641 : memref<!tpu.dma_semaphore, #tpu.memory_space<semaphore_mem>>) {add = true}
      } else {
      }
      %sub3A_583 = arith.constant 1 : i32
      %sub3A_584 = arith.subi %add3A_577, %sub3A_583 : i32
      %add3A_585 = arith.constant 8 : i32
      %add3A_586 = arith.addi %sub3A_584, %add3A_585 : i32
      %ge3A_587 = arith.constant 1 : i32
      %ge3A_588 = arith.cmpi sge, %add3A_577, %ge3A_587 : i32
      %lt3A_589 = arith.constant 250 : i32
      %lt3A_590 = arith.cmpi slt, %add3A_586, %lt3A_589 : i32
      %and3A_591 = arith.andi %ge3A_588, %lt3A_590 : i1
      %convert_element_type3A_592 = arith.extui %and3A_591 : i1 to i32
      %cond3A_593 = arith.constant 0 : i32
      %cond3A_594 = arith.cmpi ne, %convert_element_type3A_592, %cond3A_593 : i32
      scf.if %cond3A_594 {
        %dma_wait3A_595 = arith.constant 6 : i32
        %dma_wait3A_596 = arith.constant 6 : i32
        %dma_wait3A_597 = arith.constant 6 : i32
        %dma_wait3A_598 = arith.constant 0 : i32
        %dma_wait3A_599 = arith.constant 0 : i32
        %dma_wait3A_600 = tpu.memref_slice %arg5[%dma_wait3A_595, %dma_wait3A_598, %dma_wait3A_599] : memref<8x40x128xf32, #tpu.memory_space<vmem>> -> memref<1x40x128xf32, #tpu.memory_space<vmem>>
        %dma_wait3A_601 = tpu.memref_squeeze %dma_wait3A_600 : memref<1x40x128xf32, #tpu.memory_space<vmem>> -> memref<40x128xf32, #tpu.memory_space<vmem>>
        %dma_wait3A_602 = arith.constant 0 : i32
        %dma_wait3A_603 = tpu.memref_slice %arg6[%dma_wait3A_596, %dma_wait3A_602] : memref<8x40xi32, #tpu.memory_space<vmem>> -> memref<1x40xi32, #tpu.memory_space<vmem>>
        %dma_wait3A_604 = tpu.memref_squeeze %dma_wait3A_603 : memref<1x40xi32, #tpu.memory_space<vmem>> -> memref<40xi32, #tpu.memory_space<vmem>>
        %dma_wait3A_605 = arith.constant 0 : i32
        %dma_wait3A_606 = arith.constant 0 : i32
        %dma_wait3A_607 = tpu.memref_slice %arg8[%dma_wait3A_605, %dma_wait3A_606] : memref<10240x128xf32, #tpu.memory_space<vmem_shared>> -> memref<10240x128xf32, #tpu.memory_space<vmem_shared>>
        %dma_wait3A_608 = tpu.memref_slice %arg10[%dma_wait3A_597] : memref<8x!tpu.dma_semaphore, #tpu.memory_space<semaphore_mem>> -> memref<1x!tpu.dma_semaphore, #tpu.memory_space<semaphore_mem>>
        %dma_wait3A_609 = tpu.memref_squeeze %dma_wait3A_608 : memref<1x!tpu.dma_semaphore, #tpu.memory_space<semaphore_mem>> -> memref<!tpu.dma_semaphore, #tpu.memory_space<semaphore_mem>>
        tpu.wait_indirect_dma semaphore(%dma_wait3A_609 : memref<!tpu.dma_semaphore, #tpu.memory_space<semaphore_mem>>) src(%dma_wait3A_601 : memref<40x128xf32, #tpu.memory_space<vmem>>) dst(%dma_wait3A_607 : memref<10240x128xf32, #tpu.memory_space<vmem_shared>>)
        %mul3A_610 = arith.constant 40 : i32
        %mul3A_611 = arith.muli %add3A_586, %mul3A_610 : i32
        %add3A_612 = arith.addi %mul3A_2, %mul3A_611 : i32
        %dma_start3A_613 = arith.constant 6 : i32
        %dma_start3A_614 = arith.constant 6 : i32
        %dma_start3A_615 = arith.constant 0 : i32
        %dma_start3A_616 = arith.constant 0 : i32
        %dma_start3A_617 = tpu.memref_slice %arg5[%dma_start3A_613, %dma_start3A_615, %dma_start3A_616] : memref<8x40x128xf32, #tpu.memory_space<vmem>> -> memref<1x40x128xf32, #tpu.memory_space<vmem>>
        %dma_start3A_618 = tpu.memref_squeeze %dma_start3A_617 : memref<1x40x128xf32, #tpu.memory_space<vmem>> -> memref<40x128xf32, #tpu.memory_space<vmem>>
        %dma_start3A_619 = arith.constant 0 : i32
        %dma_start3A_620 = tpu.memref_slice %arg2[%add3A_612, %dma_start3A_619] : memref<320000x128xf32, #tpu.memory_space<hbm>> -> memref<40x128xf32, #tpu.memory_space<hbm>>
        %dma_start3A_621 = tpu.memref_slice %arg9[%dma_start3A_614] : memref<8x!tpu.dma_semaphore, #tpu.memory_space<semaphore_mem>> -> memref<1x!tpu.dma_semaphore, #tpu.memory_space<semaphore_mem>>
        %dma_start3A_622 = tpu.memref_squeeze %dma_start3A_621 : memref<1x!tpu.dma_semaphore, #tpu.memory_space<semaphore_mem>> -> memref<!tpu.dma_semaphore, #tpu.memory_space<semaphore_mem>>
        %dma_start3A_623 = arith.constant 0 : i32
        %dma_start3A_624 = arith.constant 0 : i32
        %dma_start3A_625 = tpu.memref_slice %arg5[%dma_start3A_613, %dma_start3A_623, %dma_start3A_624] : memref<8x40x128xf32, #tpu.memory_space<vmem>> -> memref<1x40x128xf32, #tpu.memory_space<vmem>>
        %dma_start3A_626 = tpu.memref_squeeze %dma_start3A_625 : memref<1x40x128xf32, #tpu.memory_space<vmem>> -> memref<40x128xf32, #tpu.memory_space<vmem>>
        %dma_start3A_627 = arith.constant 0 : i32
        %dma_start3A_628 = tpu.memref_slice %arg2[%add3A_612, %dma_start3A_627] : memref<320000x128xf32, #tpu.memory_space<hbm>> -> memref<40x128xf32, #tpu.memory_space<hbm>>
        tpu.enqueue_dma source(%dma_start3A_628 : memref<40x128xf32, #tpu.memory_space<hbm>>) target(%dma_start3A_626 : memref<40x128xf32, #tpu.memory_space<vmem>>) target_semaphore(%dma_start3A_622 : memref<!tpu.dma_semaphore, #tpu.memory_space<semaphore_mem>>)
        %dma_start3A_629 = arith.constant 6 : i32
        %dma_start3A_630 = arith.constant 6 : i32
        %dma_start3A_631 = arith.constant 0 : i32
        %dma_start3A_632 = tpu.memref_slice %arg6[%dma_start3A_629, %dma_start3A_631] : memref<8x40xi32, #tpu.memory_space<vmem>> -> memref<1x40xi32, #tpu.memory_space<vmem>>
        %dma_start3A_633 = tpu.memref_squeeze %dma_start3A_632 : memref<1x40xi32, #tpu.memory_space<vmem>> -> memref<40xi32, #tpu.memory_space<vmem>>
        %dma_start3A_634 = tpu.memref_slice %arg3[%add3A_612] : memref<320000xi32, #tpu.memory_space<hbm>> -> memref<40xi32, #tpu.memory_space<hbm>>
        %dma_start3A_635 = tpu.memref_slice %arg9[%dma_start3A_630] : memref<8x!tpu.dma_semaphore, #tpu.memory_space<semaphore_mem>> -> memref<1x!tpu.dma_semaphore, #tpu.memory_space<semaphore_mem>>
        %dma_start3A_636 = tpu.memref_squeeze %dma_start3A_635 : memref<1x!tpu.dma_semaphore, #tpu.memory_space<semaphore_mem>> -> memref<!tpu.dma_semaphore, #tpu.memory_space<semaphore_mem>>
        %dma_start3A_637 = arith.constant 0 : i32
        %dma_start3A_638 = tpu.memref_slice %arg6[%dma_start3A_629, %dma_start3A_637] : memref<8x40xi32, #tpu.memory_space<vmem>> -> memref<1x40xi32, #tpu.memory_space<vmem>>
        %dma_start3A_639 = tpu.memref_squeeze %dma_start3A_638 : memref<1x40xi32, #tpu.memory_space<vmem>> -> memref<40xi32, #tpu.memory_space<vmem>>
        %dma_start3A_640 = tpu.memref_slice %arg3[%add3A_612] : memref<320000xi32, #tpu.memory_space<hbm>> -> memref<40xi32, #tpu.memory_space<hbm>>
        tpu.enqueue_dma source(%dma_start3A_640 : memref<40xi32, #tpu.memory_space<hbm>>) target(%dma_start3A_639 : memref<40xi32, #tpu.memory_space<vmem>>) target_semaphore(%dma_start3A_636 : memref<!tpu.dma_semaphore, #tpu.memory_space<semaphore_mem>>)
      } else {
      }
    }
    %scan3A_316 = arith.constant 32 : i32
    %dma_wait3A = arith.constant 0 : i32
    %dma_wait3A_317 = arith.constant 0 : i32
    %dma_wait3A_318 = arith.constant 0 : i32
    %dma_wait3A_319 = arith.constant 0 : i32
    %dma_wait3A_320 = arith.constant 0 : i32
    %dma_wait3A_321 = tpu.memref_slice %arg5[%dma_wait3A, %dma_wait3A_319, %dma_wait3A_320] : memref<8x40x128xf32, #tpu.memory_space<vmem>> -> memref<1x40x128xf32, #tpu.memory_space<vmem>>
    %dma_wait3A_322 = tpu.memref_squeeze %dma_wait3A_321 : memref<1x40x128xf32, #tpu.memory_space<vmem>> -> memref<40x128xf32, #tpu.memory_space<vmem>>
    %dma_wait3A_323 = arith.constant 0 : i32
    %dma_wait3A_324 = tpu.memref_slice %arg6[%dma_wait3A_317, %dma_wait3A_323] : memref<8x40xi32, #tpu.memory_space<vmem>> -> memref<1x40xi32, #tpu.memory_space<vmem>>
    %dma_wait3A_325 = tpu.memref_squeeze %dma_wait3A_324 : memref<1x40xi32, #tpu.memory_space<vmem>> -> memref<40xi32, #tpu.memory_space<vmem>>
    %dma_wait3A_326 = arith.constant 0 : i32
    %dma_wait3A_327 = arith.constant 0 : i32
    %dma_wait3A_328 = tpu.memref_slice %arg8[%dma_wait3A_326, %dma_wait3A_327] : memref<10240x128xf32, #tpu.memory_space<vmem_shared>> -> memref<10240x128xf32, #tpu.memory_space<vmem_shared>>
    %dma_wait3A_329 = tpu.memref_slice %arg10[%dma_wait3A_318] : memref<8x!tpu.dma_semaphore, #tpu.memory_space<semaphore_mem>> -> memref<1x!tpu.dma_semaphore, #tpu.memory_space<semaphore_mem>>
    %dma_wait3A_330 = tpu.memref_squeeze %dma_wait3A_329 : memref<1x!tpu.dma_semaphore, #tpu.memory_space<semaphore_mem>> -> memref<!tpu.dma_semaphore, #tpu.memory_space<semaphore_mem>>
    tpu.wait_indirect_dma semaphore(%dma_wait3A_330 : memref<!tpu.dma_semaphore, #tpu.memory_space<semaphore_mem>>) src(%dma_wait3A_322 : memref<40x128xf32, #tpu.memory_space<vmem>>) dst(%dma_wait3A_328 : memref<10240x128xf32, #tpu.memory_space<vmem_shared>>)
    %dma_wait3A_331 = arith.constant 1 : i32
    %dma_wait3A_332 = arith.constant 1 : i32
    %dma_wait3A_333 = arith.constant 1 : i32
    %dma_wait3A_334 = arith.constant 0 : i32
    %dma_wait3A_335 = arith.constant 0 : i32
    %dma_wait3A_336 = tpu.memref_slice %arg5[%dma_wait3A_331, %dma_wait3A_334, %dma_wait3A_335] : memref<8x40x128xf32, #tpu.memory_space<vmem>> -> memref<1x40x128xf32, #tpu.memory_space<vmem>>
    %dma_wait3A_337 = tpu.memref_squeeze %dma_wait3A_336 : memref<1x40x128xf32, #tpu.memory_space<vmem>> -> memref<40x128xf32, #tpu.memory_space<vmem>>
    %dma_wait3A_338 = arith.constant 0 : i32
    %dma_wait3A_339 = tpu.memref_slice %arg6[%dma_wait3A_332, %dma_wait3A_338] : memref<8x40xi32, #tpu.memory_space<vmem>> -> memref<1x40xi32, #tpu.memory_space<vmem>>
    %dma_wait3A_340 = tpu.memref_squeeze %dma_wait3A_339 : memref<1x40xi32, #tpu.memory_space<vmem>> -> memref<40xi32, #tpu.memory_space<vmem>>
    %dma_wait3A_341 = arith.constant 0 : i32
    %dma_wait3A_342 = arith.constant 0 : i32
    %dma_wait3A_343 = tpu.memref_slice %arg8[%dma_wait3A_341, %dma_wait3A_342] : memref<10240x128xf32, #tpu.memory_space<vmem_shared>> -> memref<10240x128xf32, #tpu.memory_space<vmem_shared>>
    %dma_wait3A_344 = tpu.memref_slice %arg10[%dma_wait3A_333] : memref<8x!tpu.dma_semaphore, #tpu.memory_space<semaphore_mem>> -> memref<1x!tpu.dma_semaphore, #tpu.memory_space<semaphore_mem>>
    %dma_wait3A_345 = tpu.memref_squeeze %dma_wait3A_344 : memref<1x!tpu.dma_semaphore, #tpu.memory_space<semaphore_mem>> -> memref<!tpu.dma_semaphore, #tpu.memory_space<semaphore_mem>>
    tpu.wait_indirect_dma semaphore(%dma_wait3A_345 : memref<!tpu.dma_semaphore, #tpu.memory_space<semaphore_mem>>) src(%dma_wait3A_337 : memref<40x128xf32, #tpu.memory_space<vmem>>) dst(%dma_wait3A_343 : memref<10240x128xf32, #tpu.memory_space<vmem_shared>>)
    %dma_wait3A_346 = arith.constant 2 : i32
    %dma_wait3A_347 = arith.constant 2 : i32
    %dma_wait3A_348 = arith.constant 2 : i32
    %dma_wait3A_349 = arith.constant 0 : i32
    %dma_wait3A_350 = arith.constant 0 : i32
    %dma_wait3A_351 = tpu.memref_slice %arg5[%dma_wait3A_346, %dma_wait3A_349, %dma_wait3A_350] : memref<8x40x128xf32, #tpu.memory_space<vmem>> -> memref<1x40x128xf32, #tpu.memory_space<vmem>>
    %dma_wait3A_352 = tpu.memref_squeeze %dma_wait3A_351 : memref<1x40x128xf32, #tpu.memory_space<vmem>> -> memref<40x128xf32, #tpu.memory_space<vmem>>
    %dma_wait3A_353 = arith.constant 0 : i32
    %dma_wait3A_354 = tpu.memref_slice %arg6[%dma_wait3A_347, %dma_wait3A_353] : memref<8x40xi32, #tpu.memory_space<vmem>> -> memref<1x40xi32, #tpu.memory_space<vmem>>
    %dma_wait3A_355 = tpu.memref_squeeze %dma_wait3A_354 : memref<1x40xi32, #tpu.memory_space<vmem>> -> memref<40xi32, #tpu.memory_space<vmem>>
    %dma_wait3A_356 = arith.constant 0 : i32
    %dma_wait3A_357 = arith.constant 0 : i32
    %dma_wait3A_358 = tpu.memref_slice %arg8[%dma_wait3A_356, %dma_wait3A_357] : memref<10240x128xf32, #tpu.memory_space<vmem_shared>> -> memref<10240x128xf32, #tpu.memory_space<vmem_shared>>
    %dma_wait3A_359 = tpu.memref_slice %arg10[%dma_wait3A_348] : memref<8x!tpu.dma_semaphore, #tpu.memory_space<semaphore_mem>> -> memref<1x!tpu.dma_semaphore, #tpu.memory_space<semaphore_mem>>
    %dma_wait3A_360 = tpu.memref_squeeze %dma_wait3A_359 : memref<1x!tpu.dma_semaphore, #tpu.memory_space<semaphore_mem>> -> memref<!tpu.dma_semaphore, #tpu.memory_space<semaphore_mem>>
    tpu.wait_indirect_dma semaphore(%dma_wait3A_360 : memref<!tpu.dma_semaphore, #tpu.memory_space<semaphore_mem>>) src(%dma_wait3A_352 : memref<40x128xf32, #tpu.memory_space<vmem>>) dst(%dma_wait3A_358 : memref<10240x128xf32, #tpu.memory_space<vmem_shared>>)
    %dma_wait3A_361 = arith.constant 3 : i32
    %dma_wait3A_362 = arith.constant 3 : i32
    %dma_wait3A_363 = arith.constant 3 : i32
    %dma_wait3A_364 = arith.constant 0 : i32
    %dma_wait3A_365 = arith.constant 0 : i32
    %dma_wait3A_366 = tpu.memref_slice %arg5[%dma_wait3A_361, %dma_wait3A_364, %dma_wait3A_365] : memref<8x40x128xf32, #tpu.memory_space<vmem>> -> memref<1x40x128xf32, #tpu.memory_space<vmem>>
    %dma_wait3A_367 = tpu.memref_squeeze %dma_wait3A_366 : memref<1x40x128xf32, #tpu.memory_space<vmem>> -> memref<40x128xf32, #tpu.memory_space<vmem>>
    %dma_wait3A_368 = arith.constant 0 : i32
    %dma_wait3A_369 = tpu.memref_slice %arg6[%dma_wait3A_362, %dma_wait3A_368] : memref<8x40xi32, #tpu.memory_space<vmem>> -> memref<1x40xi32, #tpu.memory_space<vmem>>
    %dma_wait3A_370 = tpu.memref_squeeze %dma_wait3A_369 : memref<1x40xi32, #tpu.memory_space<vmem>> -> memref<40xi32, #tpu.memory_space<vmem>>
    %dma_wait3A_371 = arith.constant 0 : i32
    %dma_wait3A_372 = arith.constant 0 : i32
    %dma_wait3A_373 = tpu.memref_slice %arg8[%dma_wait3A_371, %dma_wait3A_372] : memref<10240x128xf32, #tpu.memory_space<vmem_shared>> -> memref<10240x128xf32, #tpu.memory_space<vmem_shared>>
    %dma_wait3A_374 = tpu.memref_slice %arg10[%dma_wait3A_363] : memref<8x!tpu.dma_semaphore, #tpu.memory_space<semaphore_mem>> -> memref<1x!tpu.dma_semaphore, #tpu.memory_space<semaphore_mem>>
    %dma_wait3A_375 = tpu.memref_squeeze %dma_wait3A_374 : memref<1x!tpu.dma_semaphore, #tpu.memory_space<semaphore_mem>> -> memref<!tpu.dma_semaphore, #tpu.memory_space<semaphore_mem>>
    tpu.wait_indirect_dma semaphore(%dma_wait3A_375 : memref<!tpu.dma_semaphore, #tpu.memory_space<semaphore_mem>>) src(%dma_wait3A_367 : memref<40x128xf32, #tpu.memory_space<vmem>>) dst(%dma_wait3A_373 : memref<10240x128xf32, #tpu.memory_space<vmem_shared>>)
    %dma_wait3A_376 = arith.constant 4 : i32
    %dma_wait3A_377 = arith.constant 4 : i32
    %dma_wait3A_378 = arith.constant 4 : i32
    %dma_wait3A_379 = arith.constant 0 : i32
    %dma_wait3A_380 = arith.constant 0 : i32
    %dma_wait3A_381 = tpu.memref_slice %arg5[%dma_wait3A_376, %dma_wait3A_379, %dma_wait3A_380] : memref<8x40x128xf32, #tpu.memory_space<vmem>> -> memref<1x40x128xf32, #tpu.memory_space<vmem>>
    %dma_wait3A_382 = tpu.memref_squeeze %dma_wait3A_381 : memref<1x40x128xf32, #tpu.memory_space<vmem>> -> memref<40x128xf32, #tpu.memory_space<vmem>>
    %dma_wait3A_383 = arith.constant 0 : i32
    %dma_wait3A_384 = tpu.memref_slice %arg6[%dma_wait3A_377, %dma_wait3A_383] : memref<8x40xi32, #tpu.memory_space<vmem>> -> memref<1x40xi32, #tpu.memory_space<vmem>>
    %dma_wait3A_385 = tpu.memref_squeeze %dma_wait3A_384 : memref<1x40xi32, #tpu.memory_space<vmem>> -> memref<40xi32, #tpu.memory_space<vmem>>
    %dma_wait3A_386 = arith.constant 0 : i32
    %dma_wait3A_387 = arith.constant 0 : i32
    %dma_wait3A_388 = tpu.memref_slice %arg8[%dma_wait3A_386, %dma_wait3A_387] : memref<10240x128xf32, #tpu.memory_space<vmem_shared>> -> memref<10240x128xf32, #tpu.memory_space<vmem_shared>>
    %dma_wait3A_389 = tpu.memref_slice %arg10[%dma_wait3A_378] : memref<8x!tpu.dma_semaphore, #tpu.memory_space<semaphore_mem>> -> memref<1x!tpu.dma_semaphore, #tpu.memory_space<semaphore_mem>>
    %dma_wait3A_390 = tpu.memref_squeeze %dma_wait3A_389 : memref<1x!tpu.dma_semaphore, #tpu.memory_space<semaphore_mem>> -> memref<!tpu.dma_semaphore, #tpu.memory_space<semaphore_mem>>
    tpu.wait_indirect_dma semaphore(%dma_wait3A_390 : memref<!tpu.dma_semaphore, #tpu.memory_space<semaphore_mem>>) src(%dma_wait3A_382 : memref<40x128xf32, #tpu.memory_space<vmem>>) dst(%dma_wait3A_388 : memref<10240x128xf32, #tpu.memory_space<vmem_shared>>)
    %dma_wait3A_391 = arith.constant 5 : i32
    %dma_wait3A_392 = arith.constant 5 : i32
    %dma_wait3A_393 = arith.constant 5 : i32
    %dma_wait3A_394 = arith.constant 0 : i32
    %dma_wait3A_395 = arith.constant 0 : i32
    %dma_wait3A_396 = tpu.memref_slice %arg5[%dma_wait3A_391, %dma_wait3A_394, %dma_wait3A_395] : memref<8x40x128xf32, #tpu.memory_space<vmem>> -> memref<1x40x128xf32, #tpu.memory_space<vmem>>
    %dma_wait3A_397 = tpu.memref_squeeze %dma_wait3A_396 : memref<1x40x128xf32, #tpu.memory_space<vmem>> -> memref<40x128xf32, #tpu.memory_space<vmem>>
    %dma_wait3A_398 = arith.constant 0 : i32
    %dma_wait3A_399 = tpu.memref_slice %arg6[%dma_wait3A_392, %dma_wait3A_398] : memref<8x40xi32, #tpu.memory_space<vmem>> -> memref<1x40xi32, #tpu.memory_space<vmem>>
    %dma_wait3A_400 = tpu.memref_squeeze %dma_wait3A_399 : memref<1x40xi32, #tpu.memory_space<vmem>> -> memref<40xi32, #tpu.memory_space<vmem>>
    %dma_wait3A_401 = arith.constant 0 : i32
    %dma_wait3A_402 = arith.constant 0 : i32
    %dma_wait3A_403 = tpu.memref_slice %arg8[%dma_wait3A_401, %dma_wait3A_402] : memref<10240x128xf32, #tpu.memory_space<vmem_shared>> -> memref<10240x128xf32, #tpu.memory_space<vmem_shared>>
    %dma_wait3A_404 = tpu.memref_slice %arg10[%dma_wait3A_393] : memref<8x!tpu.dma_semaphore, #tpu.memory_space<semaphore_mem>> -> memref<1x!tpu.dma_semaphore, #tpu.memory_space<semaphore_mem>>
    %dma_wait3A_405 = tpu.memref_squeeze %dma_wait3A_404 : memref<1x!tpu.dma_semaphore, #tpu.memory_space<semaphore_mem>> -> memref<!tpu.dma_semaphore, #tpu.memory_space<semaphore_mem>>
    tpu.wait_indirect_dma semaphore(%dma_wait3A_405 : memref<!tpu.dma_semaphore, #tpu.memory_space<semaphore_mem>>) src(%dma_wait3A_397 : memref<40x128xf32, #tpu.memory_space<vmem>>) dst(%dma_wait3A_403 : memref<10240x128xf32, #tpu.memory_space<vmem_shared>>)
    %dma_wait3A_406 = arith.constant 6 : i32
    %dma_wait3A_407 = arith.constant 6 : i32
    %dma_wait3A_408 = arith.constant 6 : i32
    %dma_wait3A_409 = arith.constant 0 : i32
    %dma_wait3A_410 = arith.constant 0 : i32
    %dma_wait3A_411 = tpu.memref_slice %arg5[%dma_wait3A_406, %dma_wait3A_409, %dma_wait3A_410] : memref<8x40x128xf32, #tpu.memory_space<vmem>> -> memref<1x40x128xf32, #tpu.memory_space<vmem>>
    %dma_wait3A_412 = tpu.memref_squeeze %dma_wait3A_411 : memref<1x40x128xf32, #tpu.memory_space<vmem>> -> memref<40x128xf32, #tpu.memory_space<vmem>>
    %dma_wait3A_413 = arith.constant 0 : i32
    %dma_wait3A_414 = tpu.memref_slice %arg6[%dma_wait3A_407, %dma_wait3A_413] : memref<8x40xi32, #tpu.memory_space<vmem>> -> memref<1x40xi32, #tpu.memory_space<vmem>>
    %dma_wait3A_415 = tpu.memref_squeeze %dma_wait3A_414 : memref<1x40xi32, #tpu.memory_space<vmem>> -> memref<40xi32, #tpu.memory_space<vmem>>
    %dma_wait3A_416 = arith.constant 0 : i32
    %dma_wait3A_417 = arith.constant 0 : i32
    %dma_wait3A_418 = tpu.memref_slice %arg8[%dma_wait3A_416, %dma_wait3A_417] : memref<10240x128xf32, #tpu.memory_space<vmem_shared>> -> memref<10240x128xf32, #tpu.memory_space<vmem_shared>>
    %dma_wait3A_419 = tpu.memref_slice %arg10[%dma_wait3A_408] : memref<8x!tpu.dma_semaphore, #tpu.memory_space<semaphore_mem>> -> memref<1x!tpu.dma_semaphore, #tpu.memory_space<semaphore_mem>>
    %dma_wait3A_420 = tpu.memref_squeeze %dma_wait3A_419 : memref<1x!tpu.dma_semaphore, #tpu.memory_space<semaphore_mem>> -> memref<!tpu.dma_semaphore, #tpu.memory_space<semaphore_mem>>
    tpu.wait_indirect_dma semaphore(%dma_wait3A_420 : memref<!tpu.dma_semaphore, #tpu.memory_space<semaphore_mem>>) src(%dma_wait3A_412 : memref<40x128xf32, #tpu.memory_space<vmem>>) dst(%dma_wait3A_418 : memref<10240x128xf32, #tpu.memory_space<vmem_shared>>)
    %dma_wait3A_421 = arith.constant 7 : i32
    %dma_wait3A_422 = arith.constant 7 : i32
    %dma_wait3A_423 = arith.constant 7 : i32
    %dma_wait3A_424 = arith.constant 0 : i32
    %dma_wait3A_425 = arith.constant 0 : i32
    %dma_wait3A_426 = tpu.memref_slice %arg5[%dma_wait3A_421, %dma_wait3A_424, %dma_wait3A_425] : memref<8x40x128xf32, #tpu.memory_space<vmem>> -> memref<1x40x128xf32, #tpu.memory_space<vmem>>
    %dma_wait3A_427 = tpu.memref_squeeze %dma_wait3A_426 : memref<1x40x128xf32, #tpu.memory_space<vmem>> -> memref<40x128xf32, #tpu.memory_space<vmem>>
    %dma_wait3A_428 = arith.constant 0 : i32
    %dma_wait3A_429 = tpu.memref_slice %arg6[%dma_wait3A_422, %dma_wait3A_428] : memref<8x40xi32, #tpu.memory_space<vmem>> -> memref<1x40xi32, #tpu.memory_space<vmem>>
    %dma_wait3A_430 = tpu.memref_squeeze %dma_wait3A_429 : memref<1x40xi32, #tpu.memory_space<vmem>> -> memref<40xi32, #tpu.memory_space<vmem>>
    %dma_wait3A_431 = arith.constant 0 : i32
    %dma_wait3A_432 = arith.constant 0 : i32
    %dma_wait3A_433 = tpu.memref_slice %arg8[%dma_wait3A_431, %dma_wait3A_432] : memref<10240x128xf32, #tpu.memory_space<vmem_shared>> -> memref<10240x128xf32, #tpu.memory_space<vmem_shared>>
    %dma_wait3A_434 = tpu.memref_slice %arg10[%dma_wait3A_423] : memref<8x!tpu.dma_semaphore, #tpu.memory_space<semaphore_mem>> -> memref<1x!tpu.dma_semaphore, #tpu.memory_space<semaphore_mem>>
    %dma_wait3A_435 = tpu.memref_squeeze %dma_wait3A_434 : memref<1x!tpu.dma_semaphore, #tpu.memory_space<semaphore_mem>> -> memref<!tpu.dma_semaphore, #tpu.memory_space<semaphore_mem>>
    tpu.wait_indirect_dma semaphore(%dma_wait3A_435 : memref<!tpu.dma_semaphore, #tpu.memory_space<semaphore_mem>>) src(%dma_wait3A_427 : memref<40x128xf32, #tpu.memory_space<vmem>>) dst(%dma_wait3A_433 : memref<10240x128xf32, #tpu.memory_space<vmem_shared>>)
    %barrier3A_436 = arith.constant 0 : index
    tpu.barrier barrier_id(%barrier3A_436)
    %mul3A_437 = arith.constant 640 : i32
    %mul3A_438 = arith.muli %arg1, %mul3A_437 : i32
    %mul3A_439 = arith.constant 10240 : i32
    %mul3A_440 = arith.muli %arg0, %mul3A_439 : i32
    %mul3A_441 = arith.constant 640 : i32
    %mul3A_442 = arith.muli %arg1, %mul3A_441 : i32
    %add3A_443 = arith.addi %mul3A_440, %mul3A_442 : i32
    "tpu.region"() ({
      %run_scoped3A = tpu.sem_alloc : memref<!tpu.dma_semaphore, #tpu.memory_space<semaphore_mem>>
      %dma_start3A_444 = arith.constant 0 : i32
      %dma_start3A_445 = tpu.memref_slice %arg4[%add3A_443, %dma_start3A_444] : memref<20480x128xf32, #tpu.memory_space<hbm>> -> memref<640x128xf32, #tpu.memory_space<hbm>>
      %dma_start3A_446 = arith.constant 0 : i32
      %dma_start3A_447 = tpu.memref_slice %arg8[%mul3A_438, %dma_start3A_446] : memref<10240x128xf32, #tpu.memory_space<vmem_shared>> -> memref<640x128xf32, #tpu.memory_space<vmem_shared>>
      tpu.enqueue_dma source(%dma_start3A_447 : memref<640x128xf32, #tpu.memory_space<vmem_shared>>) target(%dma_start3A_445 : memref<640x128xf32, #tpu.memory_space<hbm>>) target_semaphore(%run_scoped3A : memref<!tpu.dma_semaphore, #tpu.memory_space<semaphore_mem>>)
      %dma_wait3A_448 = arith.constant 0 : i32
      %dma_wait3A_449 = tpu.memref_slice %arg4[%add3A_443, %dma_wait3A_448] : memref<20480x128xf32, #tpu.memory_space<hbm>> -> memref<640x128xf32, #tpu.memory_space<hbm>>
      %dma_wait3A_450 = arith.constant 0 : i32
      %dma_wait3A_451 = tpu.memref_slice %arg8[%mul3A_438, %dma_wait3A_450] : memref<10240x128xf32, #tpu.memory_space<vmem_shared>> -> memref<640x128xf32, #tpu.memory_space<vmem_shared>>
      tpu.wait_dma2 semaphore(%run_scoped3A : memref<!tpu.dma_semaphore, #tpu.memory_space<semaphore_mem>>) src(%dma_wait3A_451 : memref<640x128xf32, #tpu.memory_space<vmem_shared>>) dst(%dma_wait3A_449 : memref<640x128xf32, #tpu.memory_space<hbm>>)
      tpu.yield
    }) : () -> ()
    return
  }
}

module attributes {stable_mosaic.version = 14 : i64} {
  func.func @_add_body(%arg0: i32, %arg1: memref<1x2000x128xf32, #tpu.memory_space<vmem>>, %arg2: memref<1x2000x128xf32, #tpu.memory_space<vmem>>, %arg3: memref<2000x128xf32, #tpu.memory_space<vmem>>) attributes {dimension_semantics = [#tpu.dimension_semantics<arbitrary>], iteration_bounds = array<i64: 5>, scalar_prefetch = 0 : i64, scratch_operands = 0 : i64, tpu.core_type = #tpu.core_type<tc>, window_params = [{transform_indices = @transform_0, window_bounds = array<i64: 1, 2000, 128>}, {transform_indices = @transform_1, window_bounds = array<i64: 1, 2000, 128>}, {transform_indices = @transform_2, window_bounds = array<i64: 2000, 128>}]} {
    %get3A = arith.constant 0 : index
    %get3A_0 = arith.constant 0 : index
    %get3A_1 = arith.constant 0 : index
    %get3A_2 = vector.load %arg1[%get3A, %get3A_0, %get3A_1] : memref<1x2000x128xf32, #tpu.memory_space<vmem>>, vector<1x2000x128xf32>
    %get3A_3 = vector.shape_cast %get3A_2 : vector<1x2000x128xf32> to vector<2000x128xf32>
    %get3A_4 = arith.constant 0 : index
    %get3A_5 = arith.constant 0 : index
    %get3A_6 = arith.constant 0 : index
    %get3A_7 = vector.load %arg2[%get3A_4, %get3A_5, %get3A_6] : memref<1x2000x128xf32, #tpu.memory_space<vmem>>, vector<1x2000x128xf32>
    %get3A_8 = vector.shape_cast %get3A_7 : vector<1x2000x128xf32> to vector<2000x128xf32>
    %add3A = arith.addf %get3A_3, %get3A_8 : vector<2000x128xf32>
    %swap3A = arith.constant 0 : index
    %swap3A_9 = arith.constant 0 : index
    %swap3A_10 = vector.load %arg3[%swap3A, %swap3A_9] : memref<2000x128xf32, #tpu.memory_space<vmem>>, vector<2000x128xf32>
    tpu.vector_store %arg3[%swap3A, %swap3A_9], %add3A {strides = array<i32>} : memref<2000x128xf32, #tpu.memory_space<vmem>>, vector<2000x128xf32>,
    return
  }
  func.func @transform_0(%arg0: i32) -> (i32, i32, i32) {
    %c0_i32 = arith.constant 0 : i32
    %c0_i32_0 = arith.constant 0 : i32
    %c0_i32_1 = arith.constant 0 : i32
    return %c0_i32, %arg0, %c0_i32_0 : i32, i32, i32
  }
  func.func @transform_1(%arg0: i32) -> (i32, i32, i32) {
    %c1_i32 = arith.constant 1 : i32
    %c0_i32 = arith.constant 0 : i32
    %c0_i32_0 = arith.constant 0 : i32
    return %c1_i32, %arg0, %c0_i32 : i32, i32, i32
  }
  func.func @transform_2(%arg0: i32) -> (i32, i32) {
    %c0_i32 = arith.constant 0 : i32
    %c0_i32_0 = arith.constant 0 : i32
    return %arg0, %c0_i32 : i32, i32
  }
}

</mosaic_0001>

<sc_bundles>
// kernel: kernel.4.cloned.1.call-start
scs
__scs_entry_jumppad:
0x0: {  	(pc) =	sbr.rel $0x88, $3  }
0x1: {  	(tag) =	ssettag $0x0;
	lr =	simm.s32 $0x1  }
0x2: {  	[smem:$0x3F9F] =	sst lr;
	_ =	strace $0xD0000000  }
0x3: {  	_ = 	snop  }
0x4: {  	_ = 	snop  }
0x5: {  	_ = 	snop  }
0x6: {  	_ = 	snop  }
0x7: {  	_ = 	snop  }
__scs_overlays_trampoline_lowered:
0x8: {  	[smem:$0x3FAE] =	sst s0  }
0x9: {  	[smem:$0x3FAF] =	sst s1  }
0xa: {  	[smem:$0x3FB0] =	sst s2  }
0xb: {  	[smem:$0x3FB1] =	sst s3  }
0xc: {  	[smem:$0x3FB2] =	sst s4  }
0xd: {  	[smem:$0x3FB3] =	sst s5  }
0xe: {  	[smem:$0x3FB4] =	sst s6  }
0xf: {  	[smem:$0x3FB5] =	sst s7  }
0x10: {  	[smem:$0x3FB6] =	sst s8  }
0x11: {  	[smem:$0x3FB7] =	sst s9;
	s0 =	simm.s32 @!p0 $0x0  }
0x12: {  	s1 =	sld [smem:$0x3F9D];
	s0 =	simm.s32 @p0 $0x1  }
0x13: {  	[smem:$0x3FB8] =	sst s0;
	s0 =	simm.s32 @!p1 $0x0  }
0x14: {  	s2 =	sld [smem:$0x3F9C];
	s0 =	simm.s32 @p1 $0x1  }
0x15: {  	[smem:$0x3FB9] =	sst s0;
	s0 =	simm.s32 @!p2 $0x0  }
0x16: {  	s3 =	sld [smem:$0x3FDB];
	s0 =	simm.s32 @p2 $0x1  }
0x17: {  	s4 =	simm.s32 $0x1BF5;
	[smem:$0x3FBB] =	sst s0  }
0x18: {  	s0 =	sld [smem:$0x3F9E];
	_ =	swait.ge [sflag:s4], $0x0  }
0x19: {  	s7 =	sld [smem:$0x3F9F]  }
0x1a: {  	s8 =	sadd.s32 $0xFFFFE003, lr  }
0x1b: {  	s9 =	sadd.s32 $0xFFFFFEF7, lr;
	s5 =	simm.s32 $0xFFFFFFFF;
	p2 =	slt.u32 s8, $0xFFFFF086  }
0x1c: {  	p1 =	slt.u32 s9, $0xF7A;
	s5 =	simm.s32 @!p2 $0x0  }
0x1d: {  	s5 =	simm.s32 @p1 $0x1;
	p0 =	seq.s32 s7, s2  }
0x1e: {  	s7 =	smul.u32 @!p0 $0xF7A, s2;
	p2 =	seq.s32 @!p0 s5, $0x0  }
0x1f: {  	s9 =	smul.u32 $0xF7A, s1;
	s8 =	simm.s32 @!p0 $0x1BF5;
	p2 =	por !p2, p0  }
0x20: {  	[sflag:s8] =	ssyncset.s32 @!p0 $0xFFFFF086;
	s6 =	sadd.s32 @!p0 s3, s7;
	s7 =	simm.s32 @!p0 $0x108  }
0x21: {  	s3 =	sadd.s32 s3, s9;
	s6 =	sadd.s32 @!p0 $0x88, s6;
	s7 =	simm.s32 @p2 $0x1082  }
0x22: {  	[simem:s7], [sflag:s8] =	dma.local @!p0 [hbm:s6], $0xF7A  }
0x23: {  	s9 =	sor.u32 $0xD0000000, s2;
	s6 =	simm.s32 $0x108;
	_ =	swait.ge @!p0 [sflag:s8], $0x0  }
0x24: {  	s3 =	sadd.s32 $0x88, s3;
	s6 =	simm.s32 @!p1 $0x1082;
	[sflag:s4] =	ssyncset.s32 $0xFFFFF086  }
0x25: {  	[simem:s6], [sflag:s4] =	dma.local [hbm:s3], $0xF7A  }
0x26: {  	[smem:$0x3F9F] =	sst s1;
	(tag) =	ssettag s2;
	_ =	strace s9  }
0x27: {  	s1 =	sld [smem:$0x3FAF]  }
0x28: {  	s2 =	sld [smem:$0x3FB0]  }
0x29: {  	s4 =	sld [smem:$0x3FB2]  }
0x2a: {  	p0 =	seq.s32 s5, $0x0;
	s5 =	sld [smem:$0x3FB3]  }
0x2b: {  	s6 =	sld [smem:$0x3FB4]  }
0x2c: {  	s7 =	sld [smem:$0x3FB5]  }
0x2d: {  	s3 =	simm.s32 $0x108;
	s8 =	sld [smem:$0x3FB6]  }
0x2e: {  	s3 =	simm.s32 @!p0 $0x1082;
	s9 =	sld [smem:$0x3FB7]  }
0x2f: {  	lr =	sadd.s32 s0, s3;
	s0 =	sld [smem:$0x3FAE]  }
0x30: {  	s3 =	sld [smem:$0x3FB1]  }
0x31: {  	[smem:$0x3FBA] =	sst s10  }
0x32: {  	s10 =	sld [smem:$0x3FB8];
	_ =	sdelay $0x3  }
0x33: {  	p0 =	seq.s32 s10, $0x1;
	s10 =	sld [smem:$0x3FBA];
	_ =	sdelay $0x3  }
0x34: {  	[smem:$0x3FBA] =	sst s10  }
0x35: {  	s10 =	sld [smem:$0x3FB9];
	_ =	sdelay $0x3  }
0x36: {  	p1 =	seq.s32 s10, $0x1;
	s10 =	sld [smem:$0x3FBA];
	_ =	sdelay $0x3  }
0x37: {  	[smem:$0x3FBA] =	sst s10  }
0x38: {  	s10 =	sld [smem:$0x3FBB]  }
0x39: {  	_ = 	snop;
	(pc) =	sbr.ind lr, $3  }
0x3a: {  	_ = 	snop  }
0x3b: {  	_ = 	snop  }
0x3c: {  	p2 =	seq.s32 s10, $0x1;
	s10 =	sld [smem:$0x3FBA]  }
0x3d: {  	_ =	shalt  }
0x3e: {  	_ =	shalt  }
0x3f: {  	_ =	shalt  }
0x40: {  	_ =	shalt  }
0x41: {  	_ =	shalt  }
0x42: {  	_ =	shalt  }
0x43: {  	_ =	shalt  }
0x44: {  	_ =	shalt  }
0x45: {  	_ =	shalt  }
0x46: {  	_ =	shalt  }
0x47: {  	_ =	shalt  }
0x48: {  	_ =	shalt  }
0x49: {  	_ =	shalt  }
0x4a: {  	_ =	shalt  }
0x4b: {  	_ =	shalt  }
0x4c: {  	_ =	shalt  }
0x4d: {  	_ =	shalt  }
0x4e: {  	_ =	shalt  }
0x4f: {  	_ =	shalt  }
0x50: {  	_ =	shalt  }
0x51: {  	_ =	shalt  }
0x52: {  	_ =	shalt  }
0x53: {  	_ =	shalt  }
0x54: {  	_ =	shalt  }
0x55: {  	_ =	shalt  }
0x56: {  	_ =	shalt  }
0x57: {  	_ =	shalt  }
0x58: {  	_ =	shalt  }
0x59: {  	_ =	shalt  }
0x5a: {  	_ =	shalt  }
0x5b: {  	_ =	shalt  }
0x5c: {  	_ =	shalt  }
0x5d: {  	_ =	shalt  }
0x5e: {  	_ =	shalt  }
0x5f: {  	_ =	shalt  }
0x60: {  	_ =	shalt  }
0x61: {  	_ =	shalt  }
0x62: {  	_ =	shalt  }
0x63: {  	_ =	shalt  }
0x64: {  	_ =	shalt  }
0x65: {  	_ =	shalt  }
0x66: {  	_ =	shalt  }
0x67: {  	_ =	shalt  }
0x68: {  	_ =	shalt  }
0x69: {  	_ =	shalt  }
0x6a: {  	_ =	shalt  }
0x6b: {  	_ =	shalt  }
0x6c: {  	_ =	shalt  }
0x6d: {  	_ =	shalt  }
0x6e: {  	_ =	shalt  }
0x6f: {  	_ =	shalt  }
0x70: {  	_ =	shalt  }
0x71: {  	_ =	shalt  }
0x72: {  	_ =	shalt  }
0x73: {  	_ =	shalt  }
0x74: {  	_ =	shalt  }
0x75: {  	_ =	shalt  }
0x76: {  	_ =	shalt  }
0x77: {  	_ =	shalt  }
0x78: {  	_ =	shalt  }
0x79: {  	_ =	shalt  }
0x7a: {  	_ =	shalt  }
0x7b: {  	_ =	shalt  }
0x7c: {  	_ =	shalt  }
0x7d: {  	_ =	shalt  }
0x7e: {  	_ =	shalt  }
0x7f: {  	_ =	shalt  }
0x80: {  	_ =	shalt  }
0x81: {  	_ =	shalt  }
0x82: {  	_ =	shalt  }
0x83: {  	_ =	shalt  }
0x84: {  	_ =	shalt  }
0x85: {  	_ =	shalt  }
0x86: {  	_ =	shalt  }
0x87: {  	_ =	shalt  }
.Lfunc_end0:
.L_simem_size_0:
called_computation_lowered:
.L_overlay_start_0:
0x88: {  	s2 =	sld [smem:$0x3FD9]  }
0x89: {  	s3 =	sld [smem:$0x3FFE];
	_ =	sdelay $0x1  }
0x8a: {  	s1 =	srdreg.scid  }
0x8b: {  	s0 =	sand.u32 $0x1, s1  }
0x8c: {  	s17 =	sshll.u32 s0, $0xA;
	s2 =	sadd.s32 s3, s2  }
0x8d: {  	s2 =	sadd.s32 s2, s17  }
0x8e: {  	[smem:$0x3FC6] =	sst s2  }
0x8f: {  	_ = 	snop  }
0x90: {  	s2 =	sld [smem:$0x3FC9]  }
0x91: {  	s18 =	sld [smem:$0x3FC8];
	(tm) =	ssettm $0x1  }
0x92: {  	s4 =	sld [smem:$0x3FFB];
	_ =	sdelay $0x3  }
0x93: {  	_ =	strace s4  }
0x94: {  	s4 =	sld [smem:$0x3FFC];
	_ =	sdelay $0x3  }
0x95: {  	_ =	strace s4  }
0x96: {  	s4 =	sld [smem:$0x3FFD];
	_ =	sdelay $0x3  }
0x97: {  	_ =	strace s4  }
0x98: {  	_ =	strace $0x8FFFFFFF  }
0x99: {  	s19 =	sld [smem:$0x3FDB];
	_ =	sdelay $0x1  }
0x9a: {  	s5 =	simm.s32 $_scs_section_size  }
0x9b: {  	s6 =	simm.s32 $_size__tile_overlayer_lowered;
	s7 =	simm.s32 $_tile_overlayer_lowered  }
0x9c: {  	s22 =	simm.s32 $0x1BFF;
	s21 =	sshll.u32 s7, $0x1;
	s4 =	sadd.s32 s5, s19  }
0x9d: {  	s8 =	simm.s32 $0x0;
	s20 =	sshll.u32 s6, $0x1;
	s6 =	sadd.s32 s21, s4  }
0x9e: {  	[timem:s8], [sflag:s22] =	dma.local [hbm:s6], s20  }
0x9f: {  	_ =	swait.ge [sflag:s22], s20  }
0xa0: {  	s5 =	ssub.s32 $0x0, s20;
	[sflag:s22] =	ssyncset.done $0x0  }
0xa1: {  	[sflag:s22] =	ssyncadd.s32 s5;
	_ =	sdelay $0x1  }
0xa2: {  	s23 =	simm.s32 $0x1B8B  }
0xa3: {  	_ =	swait.ge [sflag:s23], $0x1  }
0xa4: {  	[sflag:s23] =	ssyncset.done $0x0  }
0xa5: {  	s25 =	simm.s32 $0x1B8E;
	s24 =	sld [smem:$0x3FFE];
	[sflag:s23] =	ssyncadd.s32 $0xFFFFFFFF  }
0xa6: {  	s26 =	simm.s32 $execute0_lowered;
	[smem:$0x3FD2] =	sst s25  }
0xa7: {  	s6 =	sshll.u32 s26, $0x1;
	_ =	strace $0x80000046;
	[dreg:$0x1] =	wrdreg $0xFFFFFFFF  }
0xa8: {  	s28 =	simm.s32 $_size_execute0_lowered;
	s4 =	sadd.s32 s4, s6;
	[dreg:$0x0] =	wrdreg $0x0  }
0xa9: {  	s6 =	sshll.u32 s28, $0x1;
	[dreg:$0x2] =	wrdreg s4  }
0xaa: {  	[dreg:$0x3] =	wrdreg s6  }
0xab: {  	[dreg:$0x4] =	wrdreg $0xC0  }
0xac: {  	_ =	task [dreg:s8], $0x5FFFF  }
0xad: {  	[dreg:$0x1] =	wrdreg $0xFFFFFFFF  }
0xae: {  	[dreg:$0x0] =	wrdreg $0x60  }
0xaf: {  	[dreg:$0x2] =	wrdreg s2  }
0xb0: {  	[dreg:$0x3] =	wrdreg s18  }
0xb1: {  	[dreg:$0x4] =	wrdreg s24  }
0xb2: {  	[dreg:$0x5] =	wrdreg $0xB8000  }
0xb3: {  	[dreg:$0x6] =	wrdreg $0x9  }
0xb4: {  	_ =	task.clear_ibuf [dreg:s8], $0x7FFFF;
	_ =	strace $0x90000046  }
0xb5: {  	s29 =	simm.s32 $0x9;
	_ =	strace $0x80000048  }
0xb6: {  	_ =	swait.ge [sflag:s29], $0x1  }
0xb7: {  	[sflag:s29] =	ssyncadd.s32 $0xFFFFFFFF  }
0xb8: {  	_ =	strace $0x90000048  }
0xb9: {  	_ =	sfence  }
0xba: {  	s30 =	sld [smem:$0x0];
	_ =	sdelay $0x2  }
0xbb: {  	s31 =	sshll.u32 s1, $0xD;
	s1 =	sshrl.u32 s1, $0x2  }
0xbc: {  	s3 =	sand.u32 $0x4000, s31;
	s1 =	sadd.s32 s1, s30  }
0xbd: {  	s0 =	sor.u32 s3, s0;
	s1 =	sshll.u32 s1, $0x11  }
0xbe: {  	s0 =	sor.u32 s1, s0  }
0xbf: {  	s0 =	sadd.s32 $0x8F2B, s0  }
0xc0: {  	[sflag:s0] =	ssyncadd.remote.s32 $0x1  }
0xc1: {  	_ =	sfence.sel $0xFFFF  }
0xc2: {  	[dreg:$0x0] =	wrdreg $0xFFFFFFFF;
	(pc) =	sbr.abs _section_cstart, $3  }
0xc3: {  	[dreg:$0x1] =	wrdreg $0xFFFFFFFF  }
0xc4: {  	_ =	task.clear_ibuf [dreg:s8], $0x2FFFF;
	_ =	strace $0x9FFFFFFF  }
0xc5: {  	(tm) =	ssettm $0x7FFFFFFF  }
tec
execute0_lowered:
.L_overlay_start_1:
0x0: {  	(tag) =	ssettag $0x1  }
0x1: {  	s0 =	rddreg [dreg:$0x0]  }
0x2: {  	s17 =	rddreg [dreg:$0x1]  }
0x3: {  	s2 =	srdreg.scid;
	s18 =	stileid.u32  }
0x4: {  	s1 =	rddreg [dreg:$0x2];
	s2 =	sand.u32 $0x1, s2;
	s5 =	smul.u32 $0x2800, s18  }
0x5: {  	s4 =	simm.s32 $0x0;
	s6 =	sshll.u32 s2, $0x4;
	s7 =	smul.u32 $0x28000, s2  }
0x6: {  	[smem:$0x7FF] =	sst s4;
	s16 =	smul.u32 $0x271000, s2;
	s6 =	sor.u32 s18, s6  }
0x7: {  	s3 =	rddreg [dreg:$0x3];
	_ =	strace $0x80000047;
	s8 =	smul.u32 $0x2710, s6  }
0x8: {  	s23 =	ssub.s32 $0x2, s2;
	s5 =	sadd.s32 s5, s7;
	s6 =	smul.u32 $0x27100, s6  }
0x9: {  	s2 =	smul.u32 $0x27100, s2;
	s24 =	sshrl.u32 s23, $0x1;
	s1 =	sadd.s32 s5, s1  }
0xa: {  	s5 =	ssub.s32 s23, s24;
	s9 =	sadd.s32 $0x28, s8;
	s6 =	sadd.s32 s0, s6  }
0xb: {  	s26 =	sshrl.u32 s8, $0x3;
	s19 =	sadd.s32 $0x50, s8;
	s11 =	sadd.s32 $0x78, s8  }
0xc: {  	s12 =	sadd.s32 $0xA0, s8;
	s13 =	sadd.s32 $0xC8, s8;
	s14 =	sadd.s32 $0xF0, s8  }
0xd: {  	s8 =	sadd.s32 $0x118, s8;
	s1 =	sadd.s32 $0x600, s1;
	[dreg:$0x5] =	wrdreg s6  }
0xe: {  	s25 =	sshll.u32 s9, $0x4;
	s7 =	sadd.s32 s17, s26;
	[dreg:$0x16] =	wrdreg s1  }
0xf: {  	s10 =	sshll.u32 s19, $0x4;
	s6 =	sadd.s32 s0, s25;
	[dreg:$0xd] =	wrdreg s7  }
0x10: {  	s15 =	sshll.u32 s14, $0x4;
	s10 =	sadd.s32 s0, s10;
	[dreg:$0x6] =	wrdreg s6  }
0x11: {  	s9 =	sshrl.u32 s9, $0x3;
	s23 =	sadd.s32 s0, s15;
	[dreg:$0x7] =	wrdreg s10  }
0x12: {  	s20 =	sshll.u32 s11, $0x4;
	s26 =	sadd.s32 s17, s9;
	[dreg:$0xb] =	wrdreg s23  }
0x13: {  	s21 =	sshll.u32 s12, $0x4;
	s10 =	sadd.s32 s0, s20;
	[dreg:$0xe] =	wrdreg s26  }
0x14: {  	s6 =	sshrl.u32 s19, $0x3;
	[dreg:$0x8] =	wrdreg s10;
	s10 =	sadd.s32 s0, s21  }
0x15: {  	s20 =	sshrl.u32 s8, $0x3;
	s6 =	sadd.s32 s17, s6;
	[dreg:$0x9] =	wrdreg s10  }
0x16: {  	s22 =	sshll.u32 s13, $0x4;
	s21 =	sadd.s32 s17, s20;
	[dreg:$0xf] =	wrdreg s6  }
0x17: {  	s24 =	sshll.u32 s8, $0x4;
	s10 =	sadd.s32 s0, s22;
	[dreg:$0x14] =	wrdreg s21  }
0x18: {  	s25 =	smul.u32 $0x27100, s18;
	s22 =	smax.u32 s5, $0x1;
	[dreg:$0xa] =	wrdreg s10  }
0x19: {  	s9 =	smul.u32 $0x2710, s18;
	s10 =	sadd.s32 s0, s24;
	[dreg:$0x17] =	wrdreg s22  }
0x1a: {  	s19 =	sshrl.u32 s14, $0x3;
	s0 =	sadd.s32 s16, s0;
	[dreg:$0xc] =	wrdreg s10  }
0x1b: {  	s15 =	sadd.s32 s25, s0;
	s10 =	sshrl.u32 s11, $0x3;
	s11 =	sshrl.u32 s12, $0x3  }
0x1c: {  	s12 =	sshrl.u32 s13, $0x3;
	s0 =	sadd.s32 s9, s2;
	s13 =	smul.u32 $0x50000, s18  }
0x1d: {  	s6 =	sadd.s32 s17, s10;
	s16 =	sadd.s32 s17, s11;
	s18 =	sadd.s32 s17, s12  }
0x1e: {  	s23 =	sadd.s32 $0x230, s0;
	s24 =	sadd.s32 $0x208, s0;
	[dreg:$0x10] =	wrdreg s6  }
0x1f: {  	s26 =	sadd.s32 $0x1E0, s0;
	s5 =	sadd.s32 $0x1B8, s0;
	[dreg:$0x11] =	wrdreg s16  }
0x20: {  	s8 =	sadd.s32 $0x168, s0;
	[dreg:$0x12] =	wrdreg s18;
	s6 =	sadd.s32 s17, s19  }
0x21: {  	s2 =	sshrl.u32 s13, $0x2;
	s1 =	sshrl.u32 s24, $0x3;
	[dreg:$0x13] =	wrdreg s6  }
0x22: {  	s7 =	sadd.s32 s2, s3;
	[dreg:$0x18] =	wrdreg s1;
	s2 =	sshrl.u32 s26, $0x3  }
0x23: {  	s9 =	sadd.s32 $0x118, s0;
	s1 =	sshrl.u32 s5, $0x3;
	[dreg:$0x19] =	wrdreg s2  }
0x24: {  	s6 =	sadd.s32 $0x190, s0;
	s0 =	sadd.s32 $0x140, s0;
	[dreg:$0x1a] =	wrdreg s1  }
0x25: {  	[dreg:$0x1c] =	wrdreg s0  }
0x26: {  	s1 =	sshrl.u32 s6, $0x3;
	[dreg:$0x15] =	wrdreg s7  }
0x27: {  	s10 =	sadd.s32 $0x1400, s7;
	[dreg:$0x1b] =	wrdreg s1  }
0x28: {  	s11 =	sadd.s32 $0x2800, s7;
	[dreg:$0x1d] =	wrdreg s10  }
0x29: {  	s12 =	sadd.s32 $0x3C00, s7;
	[dreg:$0x1e] =	wrdreg s11  }
0x2a: {  	s13 =	sadd.s32 $0x5000, s7;
	[dreg:$0x1f] =	wrdreg s12  }
0x2b: {  	s14 =	sadd.s32 $0x6400, s7;
	[smem:$0x7F2] =	sst s13  }
0x2c: {  	s16 =	sadd.s32 $0x7800, s7;
	[smem:$0x7F3] =	sst s14  }
0x2d: {  	s28 =	simm.s32 $0x3;
	s17 =	sadd.s32 $0x8C00, s7;
	[smem:$0x7F4] =	sst s16  }
0x2e: {  	s29 =	simm.s32 $0x4;
	s18 =	sadd.s32 $0xA000, s7;
	[smem:$0x7F5] =	sst s17  }
0x2f: {  	s30 =	simm.s32 $0x5;
	s19 =	sadd.s32 $0xB400, s7;
	[smem:$0x7F6] =	sst s18  }
0x30: {  	s25 =	sshrl.u32 s23, $0x3;
	s20 =	sadd.s32 $0xC800, s7;
	[smem:$0x7F7] =	sst s19  }
0x31: {  	s31 =	sshrl.u32 s8, $0x3;
	s21 =	sadd.s32 $0xDC00, s7;
	[smem:$0x7F8] =	sst s20  }
0x32: {  	s8 =	simm.s32 $0x7;
	s22 =	sadd.s32 $0xF000, s7;
	[smem:$0x7F9] =	sst s21  }
0x33: {  	s5 =	simm.s32 $0x2800;
	s23 =	sadd.s32 $0x10400, s7;
	[smem:$0x7FA] =	sst s22  }
0x34: {  	s2 =	sshrl.u32 s9, $0x3;
	s24 =	sadd.s32 $0x11800, s7;
	[smem:$0x7FB] =	sst s23  }
0x35: {  	s26 =	sadd.s32 $0x12C00, s7;
	s6 =	simm.s32 $0xA100;
	[smem:$0x7FC] =	sst s24  }
.Ltmp0:
0x36: {  	s9 =	simm.s32 $0x3C00;
	[smem:$0x7FD] =	sst s26;
	(pc) =	sbr.rel .LBB2_1-.Ltmp0, $4  }
0x37: {  	s21 =	simm.s32 $0xA000;
	s23 =	simm.s32 $0x1400;
	s24 =	simm.s32 $0xA080  }
0x38: {  	s1 =	simm.s32 $0xA180;
	s16 =	simm.s32 $0x11;
	s17 =	simm.s32 $0x1  }
0x39: {  	s18 =	simm.s32 $0x28;
	s19 =	simm.s32 $0x2;
	s20 =	simm.s32 $0x9  }
0x3a: {  	v0 =	vimm.f32 $0.0e+00;
	s22 =	simm.s32 $0xA;
	s14 =	simm.s32 $0x6;
	s10 =	simm.s32 $0x0  }
.LBB2_9:
0x3b: {  	_ =	swait.ge [sflag:s20], $0x1400  }
0x3c: {  	[sflag:s20] =	ssyncset.done $0x0  }
0x3d: {  	[sflag:s20] =	ssyncadd.s32 $0xFFFFEC00  }
0x3e: {  	_ =	swait.ge [sflag:s22], $0x1400  }
0x3f: {  	[sflag:s22] =	ssyncset.done $0x0  }
0x40: {  	s0 =	simm.s32 $0xB;
	[sflag:s22] =	ssyncadd.s32 $0xFFFFEC00  }
0x41: {  	_ =	swait.ge [sflag:s0], $0x1400  }
0x42: {  	[sflag:s0] =	ssyncset.done $0x0  }
0x43: {  	s7 =	simm.s32 $0xC;
	[sflag:s0] =	ssyncadd.s32 $0xFFFFEC00  }
0x44: {  	_ =	swait.ge [sflag:s7], $0x1400  }
0x45: {  	[sflag:s7] =	ssyncset.done $0x0  }
0x46: {  	s9 =	simm.s32 $0xD;
	[sflag:s7] =	ssyncadd.s32 $0xFFFFEC00  }
0x47: {  	_ =	swait.ge [sflag:s9], $0x1400  }
0x48: {  	[sflag:s9] =	ssyncset.done $0x0  }
0x49: {  	s10 =	simm.s32 $0xE;
	[sflag:s9] =	ssyncadd.s32 $0xFFFFEC00  }
0x4a: {  	_ =	swait.ge [sflag:s10], $0x1400  }
0x4b: {  	[sflag:s10] =	ssyncset.done $0x0  }
0x4c: {  	s11 =	simm.s32 $0xF;
	[sflag:s10] =	ssyncadd.s32 $0xFFFFEC00  }
0x4d: {  	_ =	swait.ge [sflag:s11], $0x1400  }
0x4e: {  	[sflag:s11] =	ssyncset.done $0x0  }
0x4f: {  	s12 =	simm.s32 $0x10;
	[sflag:s11] =	ssyncadd.s32 $0xFFFFEC00  }
0x50: {  	_ =	swait.ge [sflag:s12], $0x1400  }
0x51: {  	[sflag:s12] =	ssyncset.done $0x0  }
0x52: {  	[sflag:s12] =	ssyncadd.s32 $0xFFFFEC00  }
0x53: {  	s13 =	stileid.u32;
	[bflag:$0x0] =	sbarrier.arrive $0xFFFF  }
0x54: {  	s0 =	sshll.u32 s13, $0x6;
	s7 =	rddreg [dreg:$0x15]  }
0x55: {  	s0 =	sor.u32 $0x1C11, s0;
	s6 =	rddreg [dreg:$0x16];
	s5 =	sshrl.u32 s7, $0x3  }
0x56: {  	[hbm:s6], [sflag:s0] =	dma.local [spmem:s5], $0x2800  }
0x57: {  	_ =	swait.ge [sflag:s16], $0x2800  }
0x58: {  	s10 =	sld [smem:$0x7F1];
	_ =	sdelay $0x2  }
0x59: {  	s26 =	rddreg [dreg:$0x17];
	s10 =	sadd.s32 $0x1, s10  }
0x5a: {  	p0 =	sne.s32 s10, s26  }
.Ltmp1:
0x5b: {  	_ = 	snop;
	(pc) =	sbr.rel @!p0 .LBB2_10-.Ltmp1, $3  }
0x5c: {  	_ =	sdelay $0x1  }
0x5d: {  	s1 =	simm.s32 $0xA180;
	s9 =	simm.s32 $0x3C00;
	[sflag:s16] =	ssyncset.done $0x0  }
0x5e: {  	s5 =	simm.s32 $0x2800;
	s6 =	simm.s32 $0xA100;
	[sflag:s16] =	ssyncadd.s32 $0xFFFFD800  }
.LBB2_1:
0x5f: {  	[smem:$0x7F1] =	sst s10  }
0x60: {  	s0 =	rddreg [dreg:$0x5]  }
0x61: {  	s13 =	rddreg [dreg:$0xd]  }
0x62: {  	[tilespmem:s4], [sflag:$0x1] =	stream.linear.gather [hbm4b:s0+s4], $0x1400, $0x38;
	[tilespmem:$0x1F800] =	vst v63  }
0x63: {  	s26 =	rddreg [dreg:$0x6]  }
0x64: {  	[tilespmem:s21], [sflag:$0x1] =	stream.linear.gather [hbm4b:s13+s4], $0x28, $0x38;
	[tilespmem:$0x1F800] =	vst v63  }
0x65: {  	s10 =	rddreg [dreg:$0xe]  }
0x66: {  	[tilespmem:s23], [sflag:$0x2] =	stream.linear.gather [hbm4b:s26+s4], $0x1400, $0x38;
	[tilespmem:$0x1F800] =	vst v63  }
0x67: {  	s11 =	rddreg [dreg:$0x7]  }
0x68: {  	[tilespmem:s24], [sflag:$0x2] =	stream.linear.gather [hbm4b:s10+s4], $0x28, $0x38;
	[tilespmem:$0x1F800] =	vst v63  }
0x69: {  	s12 =	rddreg [dreg:$0xf]  }
0x6a: {  	[tilespmem:s5], [sflag:$0x3] =	stream.linear.gather [hbm4b:s11+s4], $0x1400, $0x38;
	[tilespmem:$0x1F800] =	vst v63  }
0x6b: {  	s13 =	rddreg [dreg:$0x8]  }
0x6c: {  	[tilespmem:s6], [sflag:$0x3] =	stream.linear.gather [hbm4b:s12+s4], $0x28, $0x38;
	[tilespmem:$0x1F800] =	vst v63  }
0x6d: {  	s26 =	rddreg [dreg:$0x10]  }
0x6e: {  	[tilespmem:s9], [sflag:$0x4] =	stream.linear.gather [hbm4b:s13+s4], $0x1400, $0x38;
	[tilespmem:$0x1F800] =	vst v63  }
0x6f: {  	s5 =	rddreg [dreg:$0x9]  }
0x70: {  	[tilespmem:s1], [sflag:$0x4] =	stream.linear.gather [hbm4b:s26+s4], $0x28, $0x38;
	[tilespmem:$0x1F800] =	vst v63  }
0x71: {  	s11 =	rddreg [dreg:$0xa];
	s6 =	simm.s32 $0x5000  }
0x72: {  	[tilespmem:s6], [sflag:$0x5] =	stream.linear.gather [hbm4b:s5+s4], $0x1400, $0x38;
	[tilespmem:$0x1F800] =	vst v63  }
0x73: {  	s10 =	simm.s32 $0xA200;
	s9 =	rddreg [dreg:$0x11]  }
0x74: {  	[tilespmem:s10], [sflag:$0x5] =	stream.linear.gather [hbm4b:s9+s4], $0x28, $0x38;
	[tilespmem:$0x1F800] =	vst v63  }
0x75: {  	s12 =	simm.s32 $0x6400;
	s13 =	rddreg [dreg:$0x12]  }
0x76: {  	[tilespmem:s12], [sflag:$0x6] =	stream.linear.gather [hbm4b:s11+s4], $0x1400, $0x38;
	[tilespmem:$0x1F800] =	vst v63  }
0x77: {  	s26 =	simm.s32 $0xA280;
	s5 =	rddreg [dreg:$0xb]  }
0x78: {  	[tilespmem:s26], [sflag:$0x6] =	stream.linear.gather [hbm4b:s13+s4], $0x28, $0x38;
	[tilespmem:$0x1F800] =	vst v63  }
0x79: {  	s6 =	simm.s32 $0x7800;
	s9 =	rddreg [dreg:$0x13]  }
0x7a: {  	[tilespmem:s6], [sflag:$0x7] =	stream.linear.gather [hbm4b:s5+s4], $0x1400, $0x38;
	[tilespmem:$0x1F800] =	vst v63  }
0x7b: {  	s10 =	simm.s32 $0xA300;
	s11 =	rddreg [dreg:$0xc]  }
0x7c: {  	[tilespmem:s10], [sflag:$0x7] =	stream.linear.gather [hbm4b:s9+s4], $0x28, $0x38;
	[tilespmem:$0x1F800] =	vst v63  }
0x7d: {  	s12 =	simm.s32 $0x8C00;
	s13 =	rddreg [dreg:$0x14]  }
0x7e: {  	[tilespmem:s12], [sflag:$0x8] =	stream.linear.gather [hbm4b:s11+s4], $0x1400, $0x38;
	[tilespmem:$0x1F800] =	vst v63  }
0x7f: {  	s26 =	simm.s32 $0xA380;
	s5 =	simm.s32 $0x0;
	s6 =	simm.s32 $0x200  }
0x80: {  	[tilespmem:s26], [sflag:$0x8] =	stream.linear.gather [hbm4b:s13+s4], $0x28, $0x38;
	[tilespmem:$0x1F800] =	vst v63  }
.LBB2_2:
0x81: {  	p0 =	sne.s32 s6, $0x4E00;
	[tilespmem:s5+$0xA470] =	vst v0  }
0x82: {  	[tilespmem:s5+$0xA400] =	vst v0  }
0x83: {  	[tilespmem:s5+$0xA410] =	vst v0  }
.Ltmp2:
0x84: {  	[tilespmem:s5+$0xA420] =	vst v0;
	(pc) =	sbr.rel @p0 .LBB2_2-.Ltmp2, $4  }
0x85: {  	[tilespmem:s5+$0xA430] =	vst v0  }
0x86: {  	[tilespmem:s5+$0xA440] =	vst v0  }
0x87: {  	[tilespmem:s5+$0xA450] =	vst v0  }
0x88: {  	[tilespmem:s5+$0xA460] =	vst v0;
	s5 =	sshra.s32 s6, $0x2;
	s6 =	sadd.s32 $0x200, s6  }
0x89: {  	[tilespmem:s5+$0xA470] =	vst v0  }
0x8a: {  	[tilespmem:s5+$0xA400] =	vst v0  }
0x8b: {  	[tilespmem:s5+$0xA410] =	vst v0  }
0x8c: {  	[tilespmem:s5+$0xA420] =	vst v0  }
0x8d: {  	[tilespmem:s5+$0xA430] =	vst v0  }
0x8e: {  	[tilespmem:s5+$0xA440] =	vst v0  }
0x8f: {  	[tilespmem:s5+$0xA450] =	vst v0  }
0x90: {  	[tilespmem:s5+$0xA460] =	vst v0;
	s1 =	simm.s32 $0xA400  }
0x91: {  	[spmem:s7] =	stream.linear.scatter [tilespmem:s1], [sflag:$0x11], $0x1400, $0x38;
	[tilespmem:$0x1F800] =	vst v63  }
0x92: {  	_ =	swait.ge [sflag:s16], $0x1400  }
0x93: {  	[sflag:s16] =	ssyncset.done $0x0  }
0x94: {  	s0 =	rddreg [dreg:$0x1d];
	[sflag:s16] =	ssyncadd.s32 $0xFFFFEC00  }
0x95: {  	[spmem:s0] =	stream.linear.scatter [tilespmem:s1], [sflag:$0x11], $0x1400, $0x38;
	[tilespmem:$0x1F800] =	vst v63  }
0x96: {  	_ =	swait.ge [sflag:s16], $0x1400  }
0x97: {  	[sflag:s16] =	ssyncset.done $0x0  }
0x98: {  	s10 =	rddreg [dreg:$0x1e];
	[sflag:s16] =	ssyncadd.s32 $0xFFFFEC00  }
0x99: {  	[spmem:s10] =	stream.linear.scatter [tilespmem:s1], [sflag:$0x11], $0x1400, $0x38;
	[tilespmem:$0x1F800] =	vst v63  }
0x9a: {  	_ =	swait.ge [sflag:s16], $0x1400  }
0x9b: {  	[sflag:s16] =	ssyncset.done $0x0  }
0x9c: {  	s11 =	rddreg [dreg:$0x1f];
	[sflag:s16] =	ssyncadd.s32 $0xFFFFEC00  }
0x9d: {  	[spmem:s11] =	stream.linear.scatter [tilespmem:s1], [sflag:$0x11], $0x1400, $0x38;
	[tilespmem:$0x1F800] =	vst v63  }
0x9e: {  	_ =	swait.ge [sflag:s16], $0x1400  }
0x9f: {  	s12 =	sld [smem:$0x7F2]  }
0xa0: {  	[sflag:s16] =	ssyncset.done $0x0  }
0xa1: {  	[sflag:s16] =	ssyncadd.s32 $0xFFFFEC00  }
0xa2: {  	[spmem:s12] =	stream.linear.scatter [tilespmem:s1], [sflag:$0x11], $0x1400, $0x38;
	[tilespmem:$0x1F800] =	vst v63  }
0xa3: {  	_ =	swait.ge [sflag:s16], $0x1400  }
0xa4: {  	s13 =	sld [smem:$0x7F3]  }
0xa5: {  	[sflag:s16] =	ssyncset.done $0x0  }
0xa6: {  	[sflag:s16] =	ssyncadd.s32 $0xFFFFEC00  }
0xa7: {  	[spmem:s13] =	stream.linear.scatter [tilespmem:s1], [sflag:$0x11], $0x1400, $0x38;
	[tilespmem:$0x1F800] =	vst v63  }
0xa8: {  	_ =	swait.ge [sflag:s16], $0x1400  }
0xa9: {  	s26 =	sld [smem:$0x7F4]  }
0xaa: {  	[sflag:s16] =	ssyncset.done $0x0  }
0xab: {  	[sflag:s16] =	ssyncadd.s32 $0xFFFFEC00  }
0xac: {  	[spmem:s26] =	stream.linear.scatter [tilespmem:s1], [sflag:$0x11], $0x1400, $0x38;
	[tilespmem:$0x1F800] =	vst v63  }
0xad: {  	_ =	swait.ge [sflag:s16], $0x1400  }
0xae: {  	s5 =	sld [smem:$0x7F5]  }
0xaf: {  	[sflag:s16] =	ssyncset.done $0x0  }
0xb0: {  	[sflag:s16] =	ssyncadd.s32 $0xFFFFEC00  }
0xb1: {  	[spmem:s5] =	stream.linear.scatter [tilespmem:s1], [sflag:$0x11], $0x1400, $0x38;
	[tilespmem:$0x1F800] =	vst v63  }
0xb2: {  	_ =	swait.ge [sflag:s16], $0x1400  }
0xb3: {  	s6 =	sld [smem:$0x7F6]  }
0xb4: {  	[sflag:s16] =	ssyncset.done $0x0  }
0xb5: {  	[sflag:s16] =	ssyncadd.s32 $0xFFFFEC00  }
0xb6: {  	[spmem:s6] =	stream.linear.scatter [tilespmem:s1], [sflag:$0x11], $0x1400, $0x38;
	[tilespmem:$0x1F800] =	vst v63  }
0xb7: {  	_ =	swait.ge [sflag:s16], $0x1400  }
0xb8: {  	s7 =	sld [smem:$0x7F7]  }
0xb9: {  	[sflag:s16] =	ssyncset.done $0x0  }
0xba: {  	[sflag:s16] =	ssyncadd.s32 $0xFFFFEC00  }
0xbb: {  	[spmem:s7] =	stream.linear.scatter [tilespmem:s1], [sflag:$0x11], $0x1400, $0x38;
	[tilespmem:$0x1F800] =	vst v63  }
0xbc: {  	_ =	swait.ge [sflag:s16], $0x1400  }
0xbd: {  	s9 =	sld [smem:$0x7F8]  }
0xbe: {  	[sflag:s16] =	ssyncset.done $0x0  }
0xbf: {  	[sflag:s16] =	ssyncadd.s32 $0xFFFFEC00  }
0xc0: {  	[spmem:s9] =	stream.linear.scatter [tilespmem:s1], [sflag:$0x11], $0x1400, $0x38;
	[tilespmem:$0x1F800] =	vst v63  }
0xc1: {  	_ =	swait.ge [sflag:s16], $0x1400  }
0xc2: {  	s10 =	sld [smem:$0x7F9]  }
0xc3: {  	[sflag:s16] =	ssyncset.done $0x0  }
0xc4: {  	[sflag:s16] =	ssyncadd.s32 $0xFFFFEC00  }
0xc5: {  	[spmem:s10] =	stream.linear.scatter [tilespmem:s1], [sflag:$0x11], $0x1400, $0x38;
	[tilespmem:$0x1F800] =	vst v63  }
0xc6: {  	_ =	swait.ge [sflag:s16], $0x1400  }
0xc7: {  	s11 =	sld [smem:$0x7FA]  }
0xc8: {  	[sflag:s16] =	ssyncset.done $0x0  }
0xc9: {  	[sflag:s16] =	ssyncadd.s32 $0xFFFFEC00  }
0xca: {  	[spmem:s11] =	stream.linear.scatter [tilespmem:s1], [sflag:$0x11], $0x1400, $0x38;
	[tilespmem:$0x1F800] =	vst v63  }
0xcb: {  	_ =	swait.ge [sflag:s16], $0x1400  }
0xcc: {  	s12 =	sld [smem:$0x7FB]  }
0xcd: {  	[sflag:s16] =	ssyncset.done $0x0  }
0xce: {  	[sflag:s16] =	ssyncadd.s32 $0xFFFFEC00  }
0xcf: {  	[spmem:s12] =	stream.linear.scatter [tilespmem:s1], [sflag:$0x11], $0x1400, $0x38;
	[tilespmem:$0x1F800] =	vst v63  }
0xd0: {  	_ =	swait.ge [sflag:s16], $0x1400  }
0xd1: {  	s13 =	sld [smem:$0x7FC]  }
0xd2: {  	[sflag:s16] =	ssyncset.done $0x0  }
0xd3: {  	[sflag:s16] =	ssyncadd.s32 $0xFFFFEC00  }
0xd4: {  	[spmem:s13] =	stream.linear.scatter [tilespmem:s1], [sflag:$0x11], $0x1400, $0x38;
	[tilespmem:$0x1F800] =	vst v63  }
0xd5: {  	_ =	swait.ge [sflag:s16], $0x1400  }
0xd6: {  	s26 =	sld [smem:$0x7FD]  }
0xd7: {  	[sflag:s16] =	ssyncset.done $0x0  }
0xd8: {  	[sflag:s16] =	ssyncadd.s32 $0xFFFFEC00  }
0xd9: {  	[spmem:s26] =	stream.linear.scatter [tilespmem:s1], [sflag:$0x11], $0x1400, $0x38;
	[tilespmem:$0x1F800] =	vst v63  }
0xda: {  	_ =	swait.ge [sflag:s16], $0x1400  }
.Ltmp3:
0xdb: {  	[sflag:s16] =	ssyncset.done $0x0;
	(pc) =	sbr.rel .LBB2_4-.Ltmp3, $4  }
0xdc: {  	[sflag:s16] =	ssyncadd.s32 $0xFFFFEC00  }
0xdd: {  	[bflag:$0x0] =	sbarrier.arrive $0xFFFF  }
0xde: {  	s6 =	simm.s32 $0x0;
	s11 =	rddreg [dreg:$0x1c]  }
0xdf: {  	s9 =	simm.s32 $0x0;
	s10 =	simm.s32 $0x7;
	s5 =	rddreg [dreg:$0x1]  }
.LBB2_7:
0xe0: {  	p0 =	sne.s32 s9, $0x25800  }
0xe1: {  	s0 =	simm.s32 @!p0 $0x5  }
0xe2: {  	_ =	swait.ge @!p0 [sflag:s0], $0x1400  }
0xe3: {  	[sflag:s0] =	ssyncset.done @!p0 $0x0  }
0xe4: {  	[sflag:s0] =	ssyncadd.s32 @!p0 $0xFFFFEC00  }
0xe5: {  	_ =	swait.ge @!p0 [sflag:s0], $0x28  }
0xe6: {  	s7 =	simm.s32 @!p0 $0xA200;
	[sflag:s0] =	ssyncset.done @!p0 $0x0  }
0xe7: {  	s12 =	simm.s32 @!p0 $0x5000;
	[sflag:s0] =	ssyncadd.s32 @!p0 $0xFFFFFFD8;
	s0 =	simm.s32 @!p0 $0x28  }
0xe8: {  	[spmem:s3] =	stream.indirect.scatter.add.f32 @!p0 [tilespmem:s12], [sflag:$0xD], $0x80, s7, s0, $0xb8;
	[tilespmem:$0x1F800] =	vst v63  }
0xe9: {  	s7 =	simm.s32 @!p0 $0x6  }
0xea: {  	_ =	swait.ge @!p0 [sflag:s7], $0x1400  }
0xeb: {  	[sflag:s7] =	ssyncset.done @!p0 $0x0  }
0xec: {  	[sflag:s7] =	ssyncadd.s32 @!p0 $0xFFFFEC00  }
0xed: {  	_ =	swait.ge @!p0 [sflag:s7], $0x28  }
0xee: {  	[sflag:s7] =	ssyncset.done @!p0 $0x0  }
0xef: {  	s12 =	simm.s32 @!p0 $0x6400;
	[sflag:s7] =	ssyncadd.s32 @!p0 $0xFFFFFFD8;
	s7 =	simm.s32 @!p0 $0xA280  }
0xf0: {  	[spmem:s3] =	stream.indirect.scatter.add.f32 @!p0 [tilespmem:s12], [sflag:$0xE], $0x80, s7, s0, $0xb8;
	[tilespmem:$0x1F800] =	vst v63  }
0xf1: {  	s7 =	simm.s32 @!p0 $0x7  }
0xf2: {  	_ =	swait.ge @!p0 [sflag:s7], $0x1400  }
0xf3: {  	[sflag:s7] =	ssyncset.done @!p0 $0x0  }
0xf4: {  	[sflag:s7] =	ssyncadd.s32 @!p0 $0xFFFFEC00  }
0xf5: {  	p1 =	por $0x0, $0x0;
	p2 =	por @!p0 $0x0, $0x0;
	_ =	swait.ge @!p0 [sflag:s7], $0x28  }
0xf6: {  	p1 =	por @!p0 p2, p2;
	[sflag:s7] =	ssyncset.done @!p0 $0x0  }
0xf7: {  	s12 =	simm.s32 @!p0 $0x7800;
	[sflag:s7] =	ssyncadd.s32 @!p0 $0xFFFFFFD8;
	s7 =	simm.s32 @!p0 $0xA300  }
0xf8: {  	[spmem:s3] =	stream.indirect.scatter.add.f32 @!p0 [tilespmem:s12], [sflag:$0xF], $0x80, s7, s0, $0xb8;
	[tilespmem:$0x1F800] =	vst v63  }
.LBB2_8:
0xf9: {  	p0 =	sgt.u32 s10, $0xF9  }
0xfa: {  	s0 =	simm.s32 @!p0 $0x8  }
0xfb: {  	_ =	swait.ge @!p0 [sflag:s0], $0x1400  }
0xfc: {  	[sflag:s0] =	ssyncset.done @!p0 $0x0  }
0xfd: {  	[sflag:s0] =	ssyncadd.s32 @!p0 $0xFFFFEC00  }
0xfe: {  	_ =	swait.ge @!p0 [sflag:s0], $0x28  }
0xff: {  	s7 =	simm.s32 @!p0 $0xA380;
	[sflag:s0] =	ssyncset.done @!p0 $0x0  }
0x100: {  	s12 =	simm.s32 @!p0 $0x8C00;
	[sflag:s0] =	ssyncadd.s32 @!p0 $0xFFFFFFD8;
	s0 =	simm.s32 @!p0 $0x28  }
0x101: {  	[spmem:s3] =	stream.indirect.scatter.add.f32 @!p0 [tilespmem:s12], [sflag:$0x10], $0x80, s7, s0, $0xb8;
	[tilespmem:$0x1F800] =	vst v63  }
0x102: {  	s0 =	simm.s32 @p1 $0xF  }
0x103: {  	_ =	swait.ge @p1 [sflag:s0], $0x1400  }
0x104: {  	[sflag:s0] =	ssyncset.done @p1 $0x0  }
0x105: {  	[sflag:s0] =	ssyncadd.s32 @p1 $0xFFFFEC00;
	s0 =	sadd.s32 @p1 s9, s15;
	s9 =	sadd.s32 $0x1400, s9  }
0x106: {  	s6 =	sadd.s32 $0x1, s6;
	p0 =	sne.s32 s9, $0x28000  }
.Ltmp4:
0x107: {  	s11 =	sadd.s32 $0x140, s11;
	s10 =	sadd.s32 $0x8, s10;
	(pc) =	sbr.rel @!p0 .LBB2_9-.Ltmp4, $4  }
0x108: {  	s7 =	simm.s32 @p1 $0x0;
	s12 =	simm.s32 @p1 $0x7800;
	s0 =	sadd.s32 @p1 $0x2300, s0  }
0x109: {  	[tilespmem:s12], [sflag:$0x7] =	stream.linear.gather @p1 [hbm4b:s0+s7], $0x1400, $0x38;
	[tilespmem:$0x1F800] =	vst v63  }
0x10a: {  	s0 =	sadd.s32 @p1 s5, s25;
	s12 =	simm.s32 @p1 $0xA300;
	s5 =	sadd.s32 $0x28, s5  }
0x10b: {  	[tilespmem:s12], [sflag:$0x7] =	stream.linear.gather @p1 [hbm4b:s0+s7], $0x28, $0x38;
	[tilespmem:$0x1F800] =	vst v63  }
.LBB2_4:
0x10c: {  	_ =	swait.ge [sflag:s17], $0x1400  }
0x10d: {  	[sflag:s17] =	ssyncset.done $0x0  }
0x10e: {  	p0 =	seq.s32 s9, $0x0;
	[sflag:s17] =	ssyncadd.s32 $0xFFFFEC00  }
0x10f: {  	p1 =	sgt.u32 @!p0 s10, $0xF9;
	_ =	swait.ge [sflag:s17], $0x28  }
0x110: {  	p0 =	por p1, p0;
	[sflag:s17] =	ssyncset.done $0x0  }
0x111: {  	s7 =	simm.s32 @!p0 $0x10;
	[sflag:s17] =	ssyncadd.s32 $0xFFFFFFD8  }
0x112: {  	[spmem:s3] =	stream.indirect.scatter.add.f32 [tilespmem:s4], [sflag:$0x9], $0x80, s21, s18, $0xb8;
	[tilespmem:$0x1F800] =	vst v63  }
0x113: {  	_ =	swait.ge @!p0 [sflag:s7], $0x1400  }
0x114: {  	[sflag:s7] =	ssyncset.done @!p0 $0x0  }
0x115: {  	[sflag:s7] =	ssyncadd.s32 @!p0 $0xFFFFEC00;
	s7 =	sadd.s32 @!p0 s9, s15  }
0x116: {  	s0 =	simm.s32 @!p0 $0x0;
	s12 =	simm.s32 @!p0 $0x8C00;
	s7 =	sadd.s32 @!p0 $0x1180, s7  }
0x117: {  	[tilespmem:s12], [sflag:$0x8] =	stream.linear.gather @!p0 [hbm4b:s7+s0], $0x1400, $0x38;
	[tilespmem:$0x1F800] =	vst v63  }
0x118: {  	s7 =	sadd.s32 @!p0 s5, s2;
	s12 =	simm.s32 @!p0 $0xA380  }
0x119: {  	[tilespmem:s12], [sflag:$0x8] =	stream.linear.gather @!p0 [hbm4b:s7+s0], $0x28, $0x38;
	[tilespmem:$0x1F800] =	vst v63  }
0x11a: {  	_ =	swait.ge [sflag:s19], $0x1400  }
0x11b: {  	p0 =	seq.s32 s9, $0x26C00;
	[sflag:s19] =	ssyncset.done $0x0  }
.Ltmp5:
0x11c: {  	[sflag:s19] =	ssyncadd.s32 $0xFFFFEC00;
	(pc) =	sbr.rel @p0 .LBB2_8-.Ltmp5, $4  }
0x11d: {  	_ =	swait.ge [sflag:s19], $0x28  }
0x11e: {  	[sflag:s19] =	ssyncset.done $0x0  }
0x11f: {  	p1 =	por $0x0, $0x0;
	[sflag:s19] =	ssyncadd.s32 $0xFFFFFFD8  }
0x120: {  	[spmem:s3] =	stream.indirect.scatter.add.f32 [tilespmem:s23], [sflag:$0xA], $0x80, s24, s18, $0xb8;
	[tilespmem:$0x1F800] =	vst v63  }
0x121: {  	_ =	swait.ge [sflag:s20], $0x1400  }
0x122: {  	s7 =	sadd.s32 s9, s15;
	[sflag:s20] =	ssyncset.done $0x0  }
0x123: {  	s0 =	sadd.s32 $0x1400, s7;
	[sflag:s20] =	ssyncadd.s32 $0xFFFFEC00  }
0x124: {  	[tilespmem:s4], [sflag:$0x1] =	stream.linear.gather [hbm4b:s0+s4], $0x1400, $0x38;
	[tilespmem:$0x1F800] =	vst v63  }
0x125: {  	s26 =	sshrl.u32 s11, $0x3;
	s12 =	rddreg [dreg:$0x1]  }
0x126: {  	s0 =	sadd.s32 s12, s26  }
0x127: {  	[tilespmem:s21], [sflag:$0x1] =	stream.linear.gather [hbm4b:s0+s4], $0x28, $0x38;
	[tilespmem:$0x1F800] =	vst v63  }
0x128: {  	_ =	swait.ge [sflag:s28], $0x1400  }
0x129: {  	[sflag:s28] =	ssyncset.done $0x0  }
0x12a: {  	[sflag:s28] =	ssyncadd.s32 $0xFFFFEC00  }
0x12b: {  	_ =	swait.ge [sflag:s28], $0x28  }
0x12c: {  	[sflag:s28] =	ssyncset.done $0x0  }
0x12d: {  	s13 =	simm.s32 $0xA100;
	s12 =	simm.s32 $0x2800;
	[sflag:s28] =	ssyncadd.s32 $0xFFFFFFD8  }
0x12e: {  	[spmem:s3] =	stream.indirect.scatter.add.f32 [tilespmem:s12], [sflag:$0xB], $0x80, s13, s18, $0xb8;
	[tilespmem:$0x1F800] =	vst v63  }
0x12f: {  	_ =	swait.ge [sflag:s22], $0x1400  }
0x130: {  	[sflag:s22] =	ssyncset.done $0x0  }
0x131: {  	s1 =	sadd.s32 $0x1680, s7;
	[sflag:s22] =	ssyncadd.s32 $0xFFFFEC00  }
0x132: {  	[tilespmem:s23], [sflag:$0x2] =	stream.linear.gather [hbm4b:s1+s4], $0x1400, $0x38;
	[tilespmem:$0x1F800] =	vst v63  }
0x133: {  	s26 =	sadd.s32 s5, s31  }
0x134: {  	[tilespmem:s24], [sflag:$0x2] =	stream.linear.gather [hbm4b:s26+s4], $0x28, $0x38;
	[tilespmem:$0x1F800] =	vst v63  }
0x135: {  	_ =	swait.ge [sflag:s29], $0x1400  }
0x136: {  	p0 =	sgt.u32 s6, $0x1D;
	[sflag:s29] =	ssyncset.done $0x0  }
.Ltmp6:
0x137: {  	[sflag:s29] =	ssyncadd.s32 $0xFFFFEC00;
	(pc) =	sbr.rel @p0 .LBB2_7-.Ltmp6, $4  }
0x138: {  	_ =	swait.ge [sflag:s29], $0x28  }
0x139: {  	[sflag:s29] =	ssyncset.done $0x0  }
0x13a: {  	s1 =	simm.s32 $0x3C00;
	s26 =	simm.s32 $0xA180;
	[sflag:s29] =	ssyncadd.s32 $0xFFFFFFD8  }
0x13b: {  	[spmem:s3] =	stream.indirect.scatter.add.f32 [tilespmem:s1], [sflag:$0xC], $0x80, s26, s18, $0xb8;
	[tilespmem:$0x1F800] =	vst v63  }
0x13c: {  	s0 =	simm.s32 $0xB  }
0x13d: {  	_ =	swait.ge [sflag:s0], $0x1400  }
0x13e: {  	[sflag:s0] =	ssyncset.done $0x0  }
0x13f: {  	[sflag:s0] =	ssyncadd.s32 $0xFFFFEC00;
	s0 =	sadd.s32 $0x1900, s7  }
0x140: {  	[tilespmem:s12], [sflag:$0x3] =	stream.linear.gather [hbm4b:s0+s4], $0x1400, $0x38;
	[tilespmem:$0x1F800] =	vst v63  }
0x141: {  	s12 =	rddreg [dreg:$0x1b]  }
0x142: {  	s0 =	sadd.s32 s5, s12  }
0x143: {  	[tilespmem:s13], [sflag:$0x3] =	stream.linear.gather [hbm4b:s0+s4], $0x28, $0x38;
	[tilespmem:$0x1F800] =	vst v63  }
0x144: {  	_ =	swait.ge [sflag:s30], $0x1400  }
0x145: {  	[sflag:s30] =	ssyncset.done $0x0  }
0x146: {  	[sflag:s30] =	ssyncadd.s32 $0xFFFFEC00  }
0x147: {  	_ =	swait.ge [sflag:s30], $0x28  }
0x148: {  	s12 =	simm.s32 $0x5000;
	[sflag:s30] =	ssyncset.done $0x0  }
0x149: {  	s13 =	simm.s32 $0xA200;
	s0 =	simm.s32 $0xC;
	[sflag:s30] =	ssyncadd.s32 $0xFFFFFFD8  }
0x14a: {  	[spmem:s3] =	stream.indirect.scatter.add.f32 [tilespmem:s12], [sflag:$0xD], $0x80, s13, s18, $0xb8;
	[tilespmem:$0x1F800] =	vst v63  }
0x14b: {  	_ =	swait.ge [sflag:s0], $0x1400  }
0x14c: {  	[sflag:s0] =	ssyncset.done $0x0  }
0x14d: {  	[sflag:s0] =	ssyncadd.s32 $0xFFFFEC00;
	s0 =	sadd.s32 $0x1B80, s7  }
0x14e: {  	[tilespmem:s1], [sflag:$0x4] =	stream.linear.gather [hbm4b:s0+s4], $0x1400, $0x38;
	[tilespmem:$0x1F800] =	vst v63  }
0x14f: {  	s1 =	rddreg [dreg:$0x1a]  }
0x150: {  	s0 =	sadd.s32 s5, s1  }
0x151: {  	[tilespmem:s26], [sflag:$0x4] =	stream.linear.gather [hbm4b:s0+s4], $0x28, $0x38;
	[tilespmem:$0x1F800] =	vst v63  }
0x152: {  	_ =	swait.ge [sflag:s14], $0x1400  }
0x153: {  	[sflag:s14] =	ssyncset.done $0x0  }
0x154: {  	[sflag:s14] =	ssyncadd.s32 $0xFFFFEC00  }
0x155: {  	_ =	swait.ge [sflag:s14], $0x28  }
0x156: {  	s1 =	simm.s32 $0x6400;
	[sflag:s14] =	ssyncset.done $0x0  }
0x157: {  	s26 =	simm.s32 $0xA280;
	s0 =	simm.s32 $0xD;
	[sflag:s14] =	ssyncadd.s32 $0xFFFFFFD8  }
0x158: {  	[spmem:s3] =	stream.indirect.scatter.add.f32 [tilespmem:s1], [sflag:$0xE], $0x80, s26, s18, $0xb8;
	[tilespmem:$0x1F800] =	vst v63  }
0x159: {  	_ =	swait.ge [sflag:s0], $0x1400  }
0x15a: {  	[sflag:s0] =	ssyncset.done $0x0  }
0x15b: {  	[sflag:s0] =	ssyncadd.s32 $0xFFFFEC00;
	s0 =	sadd.s32 $0x1E00, s7  }
0x15c: {  	[tilespmem:s12], [sflag:$0x5] =	stream.linear.gather [hbm4b:s0+s4], $0x1400, $0x38;
	[tilespmem:$0x1F800] =	vst v63  }
0x15d: {  	s12 =	rddreg [dreg:$0x19]  }
0x15e: {  	s0 =	sadd.s32 s5, s12  }
0x15f: {  	[tilespmem:s13], [sflag:$0x5] =	stream.linear.gather [hbm4b:s0+s4], $0x28, $0x38;
	[tilespmem:$0x1F800] =	vst v63  }
0x160: {  	_ =	swait.ge [sflag:s8], $0x1400  }
0x161: {  	[sflag:s8] =	ssyncset.done $0x0  }
0x162: {  	[sflag:s8] =	ssyncadd.s32 $0xFFFFEC00  }
0x163: {  	_ =	swait.ge [sflag:s8], $0x28  }
0x164: {  	[sflag:s8] =	ssyncset.done $0x0  }
0x165: {  	s12 =	simm.s32 $0x7800;
	s13 =	simm.s32 $0xA300;
	[sflag:s8] =	ssyncadd.s32 $0xFFFFFFD8  }
0x166: {  	[spmem:s3] =	stream.indirect.scatter.add.f32 [tilespmem:s12], [sflag:$0xF], $0x80, s13, s18, $0xb8;
	[tilespmem:$0x1F800] =	vst v63  }
0x167: {  	s13 =	simm.s32 $0xE  }
0x168: {  	_ =	swait.ge [sflag:s13], $0x1400  }
.Ltmp7:
0x169: {  	[sflag:s13] =	ssyncset.done $0x0;
	(pc) =	sbr.rel .LBB2_8-.Ltmp7, $4  }
0x16a: {  	s12 =	sadd.s32 $0x2080, s7;
	[sflag:s13] =	ssyncadd.s32 $0xFFFFEC00;
	s13 =	rddreg [dreg:$0x18]  }
0x16b: {  	[tilespmem:s1], [sflag:$0x6] =	stream.linear.gather [hbm4b:s12+s4], $0x1400, $0x38;
	[tilespmem:$0x1F800] =	vst v63  }
0x16c: {  	p1 =	por $0x1, $0x1;
	s0 =	sadd.s32 s5, s13  }
0x16d: {  	[tilespmem:s26], [sflag:$0x6] =	stream.linear.gather [hbm4b:s0+s4], $0x28, $0x38;
	[tilespmem:$0x1F800] =	vst v63  }
.LBB2_10:
0x16e: {  	_ =	sfence.sel $0x180000  }
0x16f: {  	[bflag:$0x0] =	sbarrier.arrive $0xFFFF  }
0x170: {  	_ =	strace $0x90000047  }
0x171: {  	s0 =	stileid.u32;
	[bflag:$0x2] =	sbarrier.arrive $0xFFFF  }
0x172: {  	p0 =	sne.s32 s0, $0x0;
	s0 =	rddreg [dreg:$0x4]  }
0x173: {  	s0 =	sadd.s32 @!p0 $0x100000, s0  }
0x174: {  	[sflag:s0] =	ssyncadd.tile.s32 @!p0 $0x1;
	_ =	shalt  }
.Lfunc_end2:
_tile_overlayer_lowered:
.L_overlay_start_2:
0x175: {  	(tag) =	ssettag $0x2  }
0x176: {  	s0 =	rddreg [dreg:$0x0];
	s2 =	stileid.u32  }
0x177: {  	s1 =	rddreg [dreg:$0x1];
	p0 =	sne.s32 s2, $0x0  }
0x178: {  	s3 =	rddreg [dreg:$0x2];
	[bflag:$0x3] =	sbarrier.arrive $0xFFFF;
	s2 =	simm.s32 @!p0 $0x1C11  }
0x179: {  	[timem:s3], [sflag:s2] =	dma.local @!p0 [hbm:s0], s1  }
0x17a: {  	s0 =	simm.s32 @!p0 $0x11  }
0x17b: {  	_ =	swait.ge @!p0 [sflag:s0], s1  }
0x17c: {  	s1 =	ssub.s32 @!p0 $0x0, s1;
	[sflag:s0] =	ssyncset.done @!p0 $0x0  }
0x17d: {  	[sflag:s0] =	ssyncadd.s32 @!p0 s1  }
0x17e: {  	[bflag:$0x3] =	sbarrier.arrive $0xFFFF  }
0x17f: {  	_ =	shalt  }

</sc_bundles>
